<compile_context>
chip_gen: v7x
topology: tpu7x:2x2x1
jax: 0.10.2.dev20260603
libtpu: 0.0.44.dev20260713+nightly
codegen_flags: <defaults>
</compile_context>

<pallas_src>
import functools

import jax
import jax.numpy as jnp
from jax import lax
from jax.experimental import pallas as pl
from jax.experimental.pallas import tpu as pltpu
from jax.experimental.pallas import tpu_sc as plsc

_B, _D, _F, _E = 2048, 768, 2048, 8
_S = 2 * _B
_T = 512
_NT = _S // _T
_G = _NT + _E - 1
_LANES = 128
_SROWS = _S // _LANES


def _gate_body(x_ref, wg_ref, bg_ref, e_ref, w_ref):
    logits = jnp.dot(x_ref[...], wg_ref[...],
                     preferred_element_type=jnp.float32) + bg_ref[...]
    m = jnp.max(logits, axis=-1, keepdims=True)
    ex = jnp.exp(logits - m)
    w = ex / jnp.sum(ex, axis=-1, keepdims=True)
    lane = lax.broadcasted_iota(jnp.int32, w.shape, 1)
    m1 = jnp.max(w, axis=-1, keepdims=True)
    i1 = jnp.min(jnp.where(w >= m1, lane, jnp.int32(1 << 30)), axis=-1,
                 keepdims=True)
    wm = jnp.where(lane == i1, -1.0, w)
    m2 = jnp.max(wm, axis=-1, keepdims=True)
    i2 = jnp.min(jnp.where(wm >= m2, lane, jnp.int32(1 << 30)), axis=-1,
                 keepdims=True)
    lane8 = lax.broadcasted_iota(jnp.int32, e_ref.shape, 1)
    e_ref[...] = jnp.where(lane8 == 0, i1, 0) + jnp.where(lane8 == 1, i2, 0)
    w_ref[...] = (jnp.where(lane8 == 0, m1, 0.0)
                  + jnp.where(lane8 == 1, m2, 0.0))


def _sort_body(es_ref, pos_ref, meta_ref):
    es = es_ref[...]
    rr = lax.broadcasted_iota(jnp.int32, (_SROWS, _SROWS), 0)
    rc = lax.broadcasted_iota(jnp.int32, (_SROWS, _SROWS), 1)
    tl = jnp.where(rc < rr, 1.0, 0.0)
    ur = lax.broadcasted_iota(jnp.int32, (_LANES, _LANES), 0)
    uc = lax.broadcasted_iota(jnp.int32, (_LANES, _LANES), 1)
    uu = jnp.where(ur < uc, 1.0, 0.0)
    lane = lax.broadcasted_iota(jnp.int32, es.shape, 1)
    c_mat = jnp.zeros((_SROWS, _LANES), jnp.float32)
    for e in range(_E):
        mask = (es == e).astype(jnp.float32)
        c_mat = c_mat + jnp.sum(mask, axis=1, keepdims=True) * (
            jnp.where(lane == e, 1.0, 0.0))
    rowcum = jnp.dot(tl, c_mat, preferred_element_type=jnp.float32)
    tot = jnp.sum(c_mat, axis=0, keepdims=True)
    lane1 = lax.broadcasted_iota(jnp.int32, tot.shape, 1)
    offs = jnp.zeros(tot.shape, jnp.float32)
    run = jnp.zeros((1, 1), jnp.float32)
    for e in range(_E):
        offs = offs + jnp.where(lane1 == e, run, 0.0)
        run = run + jnp.sum(jnp.where(lane1 == e, tot, 0.0), axis=1,
                            keepdims=True)
    pos_f = jnp.zeros(es.shape, jnp.float32)
    for e in range(_E):
        mask = (es == e).astype(jnp.float32)
        pref = jnp.dot(mask, uu, preferred_element_type=jnp.float32)
        ext = jnp.sum(jnp.where(lane == e, rowcum, 0.0), axis=1,
                      keepdims=True)
        off_e = jnp.sum(jnp.where(lane1 == e, offs, 0.0), axis=1,
                        keepdims=True)
        pos_f = pos_f + mask * (pref + ext + off_e)
    pos_ref[...] = pos_f.astype(jnp.int32)

    def ext(v, e):
        return jnp.sum(jnp.where(lane1 == e, v, 0.0), axis=1, keepdims=True)

    tfl = float(_T)
    t0v = jnp.floor(offs / tfl)
    endv = offs + tot
    t1v = jnp.where(tot > 0, jnp.floor((endv - 1.0) / tfl), t0v - 1.0)
    niv = jnp.maximum(t1v - t0v + 1.0, 0.0)
    binc = jnp.zeros(tot.shape, jnp.float32)
    run2 = jnp.zeros((1, 1), jnp.float32)
    for e in range(_E):
        run2 = run2 + ext(niv, e)
        binc = binc + jnp.where(lane1 == e, run2, 0.0)
    bexc = binc - niv
    gf = lax.broadcasted_iota(jnp.int32, (1, _LANES), 1).astype(jnp.float32)
    e_of = jnp.zeros((1, _LANES), jnp.float32)
    for e in range(_E):
        e_of = e_of + jnp.where(gf >= ext(binc, e), 1.0, 0.0)
    e_of = jnp.minimum(e_of, float(_E - 1))
    valid = gf < run2
    t_of = jnp.zeros((1, _LANES), jnp.float32)
    lo_v = jnp.zeros((1, _LANES), jnp.float32)
    hi_v = jnp.zeros((1, _LANES), jnp.float32)
    for e in range(_E):
        sel = e_of == float(e)
        t_e = ext(t0v, e) + (gf - ext(bexc, e))
        t_of = t_of + jnp.where(sel, t_e, 0.0)
        lo_v = lo_v + jnp.where(
            sel, jnp.clip(ext(offs, e) - t_e * tfl, 0.0, tfl), 0.0)
        hi_v = hi_v + jnp.where(
            sel, jnp.clip(ext(endv, e) - t_e * tfl, 0.0, tfl), 0.0)
    t_of = jnp.where(valid, t_of, float(_NT - 1))
    e_sel = jnp.where(valid, e_of, float(_E - 1))
    lo_v = jnp.where(valid, lo_v, 0.0)
    hi_v = jnp.where(valid, hi_v, 0.0)

    row8 = lax.broadcasted_iota(jnp.int32, meta_ref.shape, 0)

    def put(r, v):
        return jnp.where(row8 == r, jnp.broadcast_to(v, meta_ref.shape), 0.0)

    meta_ref[...] = (put(0, offs) + put(1, tot) + put(2, t_of) + put(3, e_sel)
                     + put(4, lo_v) + put(5, hi_v)).astype(jnp.int32)


def _ffn_body(t_ref, e_ref, lo_ref, hi_ref, xs_ref, w1_ref, b1_ref, w2_ref,
              b2_ref, ys_ref):
    g = pl.program_id(0)
    h = jnp.dot(xs_ref[...], w1_ref[0], preferred_element_type=jnp.float32)
    h = jnp.maximum(h + b1_ref[0], 0.0)
    y = jnp.dot(h, w2_ref[0], preferred_element_type=jnp.float32) + b2_ref[0]
    row = lax.broadcasted_iota(jnp.int32, (_T, 1), 0)
    y = jnp.where((row >= lo_ref[g]) & (row < hi_ref[g]), y, 0.0)
    first = jnp.logical_or(g == 0, t_ref[g] != t_ref[jnp.maximum(g - 1, 0)])

    @pl.when(first)
    def _():
        ys_ref[...] = y

    @pl.when(jnp.logical_not(first))
    def _():
        ys_ref[...] += y


def _comb_body(a_ref, b_ref, wa_ref, wb_ref, o_ref):
    o_ref[...] = wa_ref[...] * a_ref[...] + wb_ref[...] * b_ref[...]


def _sc_dispatch(x, pos_slot):
    mesh = plsc.VectorSubcoreMesh(core_axis_name="c", subcore_axis_name="s")

    @functools.partial(
        pl.kernel, mesh=mesh,
        out_type=jax.ShapeDtypeStruct((_S, _D), jnp.float32),
        scratch_types=[pltpu.VMEM((64,), jnp.int32),
                       pltpu.VMEM((64,), jnp.int32),
                       pltpu.VMEM((64, _D), jnp.float32),
                       pltpu.VMEM((64, _D), jnp.float32),
                       pltpu.SemaphoreType.DMA,
                       pltpu.SemaphoreType.DMA,
                       pltpu.SemaphoreType.DMA,
                       pltpu.SemaphoreType.DMA],
    )
    def k(x_hbm, pos_hbm, xs_hbm, ia_v, ib_v, ra_v, rb_v, sa, sb, sc, sd):
        wid = lax.axis_index("s") * 2 + lax.axis_index("c")
        base = lax.rem(wid, 16) * _LANES
        pltpu.sync_copy(pos_hbm.at[wid, pl.ds(0, 64)], ia_v)
        pltpu.sync_copy(pos_hbm.at[wid, pl.ds(64, 64)], ib_v)
        ca = pltpu.async_copy(x_hbm.at[pl.ds(base, 64)], ra_v, sa)
        cb = pltpu.async_copy(x_hbm.at[pl.ds(base + 64, 64)], rb_v, sb)
        ca.wait()
        wa = pltpu.async_copy(ra_v, xs_hbm.at[ia_v], sc)
        cb.wait()
        wb = pltpu.async_copy(rb_v, xs_hbm.at[ib_v], sd)
        wa.wait()
        wb.wait()

    return k(x, pos_slot)


def _sc_combine(ys, pa, pb):
    mesh = plsc.VectorSubcoreMesh(core_axis_name="c", subcore_axis_name="s")
    otype = (jax.ShapeDtypeStruct((_B, _D), jnp.float32),
             jax.ShapeDtypeStruct((_B, _D), jnp.float32))

    @functools.partial(
        pl.kernel, mesh=mesh, out_type=otype,
        scratch_types=[pltpu.VMEM((64,), jnp.int32),
                       pltpu.VMEM((64,), jnp.int32),
                       pltpu.VMEM((64, _D), jnp.float32),
                       pltpu.VMEM((64, _D), jnp.float32),
                       pltpu.SemaphoreType.DMA,
                       pltpu.SemaphoreType.DMA,
                       pltpu.SemaphoreType.DMA,
                       pltpu.SemaphoreType.DMA],
    )
    def k(ys_hbm, pa_hbm, pb_hbm, a_hbm, b_hbm, ia_v, ib_v, ra_v, rb_v,
          sa, sb, sc, sd):
        wid = lax.axis_index("s") * 2 + lax.axis_index("c")
        pltpu.sync_copy(pa_hbm.at[wid], ia_v)
        pltpu.sync_copy(pb_hbm.at[wid], ib_v)
        ca = pltpu.async_copy(ys_hbm.at[ia_v], ra_v, sa)
        cb = pltpu.async_copy(ys_hbm.at[ib_v], rb_v, sb)
        ca.wait()
        wa = pltpu.async_copy(ra_v, a_hbm.at[pl.ds(wid * 64, 64)], sc)
        cb.wait()
        wb = pltpu.async_copy(rb_v, b_hbm.at[pl.ds(wid * 64, 64)], sd)
        wa.wait()
        wb.wait()

    return k(ys, pa, pb)


def kernel(x, Wg, bg, W1, b1, W2, b2):
    bt = _B // 8
    wg_pad = jnp.zeros((_D, _LANES), jnp.float32).at[:, :_E].set(Wg)
    bg_pad = jnp.full((1, _LANES), -1e30, jnp.float32).at[0, :_E].set(bg)

    eout, wout = pl.pallas_call(
        _gate_body,
        grid=(8,),
        in_specs=[
            pl.BlockSpec((bt, _D), lambda t: (t, 0)),
            pl.BlockSpec((_D, _LANES), lambda t: (0, 0)),
            pl.BlockSpec((1, _LANES), lambda t: (0, 0)),
        ],
        out_specs=[
            pl.BlockSpec((bt, _E), lambda t: (t, 0)),
            pl.BlockSpec((bt, _E), lambda t: (t, 0)),
        ],
        out_shape=(jax.ShapeDtypeStruct((_B, _E), jnp.int32),
                   jax.ShapeDtypeStruct((_B, _E), jnp.float32)),
    )(x, wg_pad, bg_pad)

    e_slot = jnp.concatenate([eout[:, 0], eout[:, 1]]).reshape(_SROWS, _LANES)

    pos_slot, meta = pl.pallas_call(
        _sort_body,
        out_shape=(jax.ShapeDtypeStruct((_SROWS, _LANES), jnp.int32),
                   jax.ShapeDtypeStruct((8, _LANES), jnp.int32)),
    )(e_slot)

    wi_t = meta[2, :_G]
    wi_e = meta[3, :_G]
    lo = meta[4, :_G]
    hi = meta[5, :_G]

    xs = _sc_dispatch(x, pos_slot)

    ys = pl.pallas_call(
        _ffn_body,
        grid_spec=pltpu.PrefetchScalarGridSpec(
            num_scalar_prefetch=4,
            grid=(_G,),
            in_specs=[
                pl.BlockSpec((_T, _D), lambda g, t, e, lo_, hi_: (t[g], 0)),
                pl.BlockSpec((1, _D, _F),
                             lambda g, t, e, lo_, hi_: (e[g], 0, 0)),
                pl.BlockSpec((1, 1, _F),
                             lambda g, t, e, lo_, hi_: (e[g], 0, 0)),
                pl.BlockSpec((1, _F, _D),
                             lambda g, t, e, lo_, hi_: (e[g], 0, 0)),
                pl.BlockSpec((1, 1, _D),
                             lambda g, t, e, lo_, hi_: (e[g], 0, 0)),
            ],
            out_specs=pl.BlockSpec((_T, _D),
                                   lambda g, t, e, lo_, hi_: (t[g], 0)),
        ),
        out_shape=jax.ShapeDtypeStruct((_S, _D), jnp.float32),
        compiler_params=pltpu.CompilerParams(
            dimension_semantics=("arbitrary",)),
    )(wi_t, wi_e, lo, hi,
      xs, W1, b1.reshape(_E, 1, _F), W2, b2.reshape(_E, 1, _D))

    pa = pos_slot[:_SROWS // 2].reshape(32, 64)
    pb = pos_slot[_SROWS // 2:].reshape(32, 64)
    a_rows, b_rows = _sc_combine(ys, pa, pb)

    out = pl.pallas_call(
        _comb_body,
        grid=(4,),
        in_specs=[
            pl.BlockSpec((_B // 4, _D), lambda t: (t, 0)),
            pl.BlockSpec((_B // 4, _D), lambda t: (t, 0)),
            pl.BlockSpec((_B // 4, 1), lambda t: (t, 0)),
            pl.BlockSpec((_B // 4, 1), lambda t: (t, 0)),
        ],
        out_specs=pl.BlockSpec((_B // 4, _D), lambda t: (t, 0)),
        out_shape=jax.ShapeDtypeStruct((_B, _D), jnp.float32),
    )(a_rows, b_rows, wout[:, 0:1], wout[:, 1:2])
    return out

# --- scband reference (transcript-rebuilt; emitter-appended) ---
"""Pipeline reference for scband-extractor-to-pmo-e-41721312313659 (READ-ONLY COPY).

The authoritative reference and input builder live on the scoring server;
editing this copy changes nothing except your own understanding.
"""

import jax, jax.numpy as jnp
import numpy as np

B, D, F, E, K = 2048, 768, 2048, 8, 2

def setup_inputs(seed: int = 0) -> dict:
    key = jax.random.key(seed)
    ks = jax.random.split(key, 6)
    x = jax.random.normal(ks[0], (B, D), dtype=jnp.float32)
    Wg = jax.random.normal(ks[1], (D, E), dtype=jnp.float32) * (1.0 / np.sqrt(D))
    bg = jnp.zeros((E,), dtype=jnp.float32)
    W1 = jax.random.normal(ks[2], (E, D, F), dtype=jnp.float32) * 0.02
    b1 = jnp.zeros((E, F), dtype=jnp.float32)
    W2 = jax.random.normal(ks[3], (E, F, D), dtype=jnp.float32) * 0.02
    b2 = jnp.zeros((E, D), dtype=jnp.float32)
    return {"x": x, "Wg": Wg, "bg": bg, "W1": W1, "b1": b1, "W2": W2, "b2": b2}

def reference(x, Wg, bg, W1, b1, W2, b2):
    # Gating: linear + softmax over experts (Gating module)
    logits = x @ Wg + bg                       # [B, E]
    weights = jax.nn.softmax(logits, axis=-1)  # [B, E]
    # top-k selection (largest=True, sorted=True)
    weights_values, indices = jax.lax.top_k(weights, K)  # [B, K]
    # Expert MLPs: out_e(x) = relu(x @ W1_e + b1_e) @ W2_e + b2_e
    # Computed densely for all experts, then selected per token --
    # mathematically identical to the per-sample expert loop in the torch code.
    h = jnp.einsum('bd,edf->bef', x, W1) + b1[None, :, :]        # [B, E, F]
    h = jax.nn.relu(h)
    out_all = jnp.einsum('bef,efd->bed', h, W2) + b2[None, :, :]  # [B, E, D]
    # gather the top-k expert outputs per token (stacked_expert_results)
    sel = jnp.take_along_axis(out_all, indices[:, :, None], axis=1)  # [B, K, D]
    # weighted sum over the k selected experts
    out = jnp.sum(sel * weights_values[:, :, None], axis=1)          # [B, D]
    return out

if __name__ == "__main__":
    import jax
    _d = setup_inputs()
    print(jax.jit(kernel)(*tuple(_d.values())))

</pallas_src>

<mosaic_0001>
#map = affine_map<(d0, d1) -> (0, 0)>
module attributes {stable_mosaic.version = 14 : i64} {
  func.func @k(%arg0: i32, %arg1: i32, %arg2: memref<4096x768xf32, #tpu.memory_space<hbm>>, %arg3: memref<32x64xi32, #tpu.memory_space<hbm>>, %arg4: memref<32x64xi32, #tpu.memory_space<hbm>>, %arg5: memref<2048x768xf32, #tpu.memory_space<hbm>>, %arg6: memref<2048x768xf32, #tpu.memory_space<hbm>>, %arg7: memref<64xi32, #tpu.memory_space<vmem>>, %arg8: memref<64xi32, #tpu.memory_space<vmem>>, %arg9: memref<64x768xf32, #tpu.memory_space<vmem>>, %arg10: memref<64x768xf32, #tpu.memory_space<vmem>>, %arg11: memref<!tpu.dma_semaphore, #tpu.memory_space<semaphore_mem>>, %arg12: memref<!tpu.dma_semaphore, #tpu.memory_space<semaphore_mem>>, %arg13: memref<!tpu.dma_semaphore, #tpu.memory_space<semaphore_mem>>, %arg14: memref<!tpu.dma_semaphore, #tpu.memory_space<semaphore_mem>>) attributes {dimension_semantics = [#tpu.dimension_semantics<core_parallel>, #tpu.dimension_semantics<subcore_parallel>], iteration_bounds = array<i64: 2, 16>, scalar_prefetch = 0 : i64, scratch_operands = 8 : i64, tpu.core_type = #tpu.core_type<sc_vector_subcore>, window_params = [{transform_indices = #map}, {transform_indices = #map}, {transform_indices = #map}, {transform_indices = #map}, {transform_indices = #map}]} {
    %mul3A = arith.constant 2 : i32
    %mul3A_0 = arith.muli %arg1, %mul3A : i32
    %add3A = arith.addi %mul3A_0, %arg0 : i32
    "tpu.region"() ({
      %run_scoped3A = tpu.sem_alloc : memref<!tpu.dma_semaphore, #tpu.memory_space<semaphore_mem>>
      %dma_start3A_31 = arith.constant 0 : i32
      %dma_start3A_32 = tpu.memref_slice %arg3[%add3A, %dma_start3A_31] : memref<32x64xi32, #tpu.memory_space<hbm>> -> memref<1x64xi32, #tpu.memory_space<hbm>>
      %dma_start3A_33 = tpu.memref_squeeze %dma_start3A_32 : memref<1x64xi32, #tpu.memory_space<hbm>> -> memref<64xi32, #tpu.memory_space<hbm>>
      %dma_start3A_34 = arith.constant 0 : i32
      %dma_start3A_35 = tpu.memref_slice %arg3[%add3A, %dma_start3A_34] : memref<32x64xi32, #tpu.memory_space<hbm>> -> memref<1x64xi32, #tpu.memory_space<hbm>>
      %dma_start3A_36 = tpu.memref_squeeze %dma_start3A_35 : memref<1x64xi32, #tpu.memory_space<hbm>> -> memref<64xi32, #tpu.memory_space<hbm>>
      tpu.enqueue_dma source(%dma_start3A_36 : memref<64xi32, #tpu.memory_space<hbm>>) target(%arg7 : memref<64xi32, #tpu.memory_space<vmem>>) target_semaphore(%run_scoped3A : memref<!tpu.dma_semaphore, #tpu.memory_space<semaphore_mem>>)
      %dma_wait3A_37 = arith.constant 0 : i32
      %dma_wait3A_38 = tpu.memref_slice %arg3[%add3A, %dma_wait3A_37] : memref<32x64xi32, #tpu.memory_space<hbm>> -> memref<1x64xi32, #tpu.memory_space<hbm>>
      %dma_wait3A_39 = tpu.memref_squeeze %dma_wait3A_38 : memref<1x64xi32, #tpu.memory_space<hbm>> -> memref<64xi32, #tpu.memory_space<hbm>>
      %dma_wait3A_40 = arith.constant 0 : i32
      %dma_wait3A_41 = tpu.memref_slice %arg3[%add3A, %dma_wait3A_40] : memref<32x64xi32, #tpu.memory_space<hbm>> -> memref<1x64xi32, #tpu.memory_space<hbm>>
      %dma_wait3A_42 = tpu.memref_squeeze %dma_wait3A_41 : memref<1x64xi32, #tpu.memory_space<hbm>> -> memref<64xi32, #tpu.memory_space<hbm>>
      tpu.wait_dma2 semaphore(%run_scoped3A : memref<!tpu.dma_semaphore, #tpu.memory_space<semaphore_mem>>) src(%dma_wait3A_42 : memref<64xi32, #tpu.memory_space<hbm>>) dst(%arg7 : memref<64xi32, #tpu.memory_space<vmem>>)
      tpu.yield
    }) : () -> ()
    "tpu.region"() ({
      %run_scoped3A = tpu.sem_alloc : memref<!tpu.dma_semaphore, #tpu.memory_space<semaphore_mem>>
      %dma_start3A_31 = arith.constant 0 : i32
      %dma_start3A_32 = tpu.memref_slice %arg4[%add3A, %dma_start3A_31] : memref<32x64xi32, #tpu.memory_space<hbm>> -> memref<1x64xi32, #tpu.memory_space<hbm>>
      %dma_start3A_33 = tpu.memref_squeeze %dma_start3A_32 : memref<1x64xi32, #tpu.memory_space<hbm>> -> memref<64xi32, #tpu.memory_space<hbm>>
      %dma_start3A_34 = arith.constant 0 : i32
      %dma_start3A_35 = tpu.memref_slice %arg4[%add3A, %dma_start3A_34] : memref<32x64xi32, #tpu.memory_space<hbm>> -> memref<1x64xi32, #tpu.memory_space<hbm>>
      %dma_start3A_36 = tpu.memref_squeeze %dma_start3A_35 : memref<1x64xi32, #tpu.memory_space<hbm>> -> memref<64xi32, #tpu.memory_space<hbm>>
      tpu.enqueue_dma source(%dma_start3A_36 : memref<64xi32, #tpu.memory_space<hbm>>) target(%arg8 : memref<64xi32, #tpu.memory_space<vmem>>) target_semaphore(%run_scoped3A : memref<!tpu.dma_semaphore, #tpu.memory_space<semaphore_mem>>)
      %dma_wait3A_37 = arith.constant 0 : i32
      %dma_wait3A_38 = tpu.memref_slice %arg4[%add3A, %dma_wait3A_37] : memref<32x64xi32, #tpu.memory_space<hbm>> -> memref<1x64xi32, #tpu.memory_space<hbm>>
      %dma_wait3A_39 = tpu.memref_squeeze %dma_wait3A_38 : memref<1x64xi32, #tpu.memory_space<hbm>> -> memref<64xi32, #tpu.memory_space<hbm>>
      %dma_wait3A_40 = arith.constant 0 : i32
      %dma_wait3A_41 = tpu.memref_slice %arg4[%add3A, %dma_wait3A_40] : memref<32x64xi32, #tpu.memory_space<hbm>> -> memref<1x64xi32, #tpu.memory_space<hbm>>
      %dma_wait3A_42 = tpu.memref_squeeze %dma_wait3A_41 : memref<1x64xi32, #tpu.memory_space<hbm>> -> memref<64xi32, #tpu.memory_space<hbm>>
      tpu.wait_dma2 semaphore(%run_scoped3A : memref<!tpu.dma_semaphore, #tpu.memory_space<semaphore_mem>>) src(%dma_wait3A_42 : memref<64xi32, #tpu.memory_space<hbm>>) dst(%arg8 : memref<64xi32, #tpu.memory_space<vmem>>)
      tpu.yield
    }) : () -> ()
    %dma_start3A = arith.constant 0 : i32
    %dma_start3A_1 = arith.constant 0 : i32
    %dma_start3A_2 = tpu.memref_slice %arg2[%dma_start3A, %dma_start3A_1] : memref<4096x768xf32, #tpu.memory_space<hbm>> -> memref<4096x768xf32, #tpu.memory_space<hbm>>
    tpu.enqueue_indirect_dma source(%dma_start3A_2 : memref<4096x768xf32, #tpu.memory_space<hbm>>) target(%arg9 : memref<64x768xf32, #tpu.memory_space<vmem>>) offsets(%arg7 : memref<64xi32, #tpu.memory_space<vmem>>) semaphore(%arg11 : memref<!tpu.dma_semaphore, #tpu.memory_space<semaphore_mem>>)
    %dma_start3A_3 = arith.constant 0 : i32
    %dma_start3A_4 = arith.constant 0 : i32
    %dma_start3A_5 = tpu.memref_slice %arg2[%dma_start3A_3, %dma_start3A_4] : memref<4096x768xf32, #tpu.memory_space<hbm>> -> memref<4096x768xf32, #tpu.memory_space<hbm>>
    tpu.enqueue_indirect_dma source(%dma_start3A_5 : memref<4096x768xf32, #tpu.memory_space<hbm>>) target(%arg10 : memref<64x768xf32, #tpu.memory_space<vmem>>) offsets(%arg8 : memref<64xi32, #tpu.memory_space<vmem>>) semaphore(%arg12 : memref<!tpu.dma_semaphore, #tpu.memory_space<semaphore_mem>>)
    %dma_wait3A = arith.constant 0 : i32
    %dma_wait3A_6 = arith.constant 0 : i32
    %dma_wait3A_7 = tpu.memref_slice %arg2[%dma_wait3A, %dma_wait3A_6] : memref<4096x768xf32, #tpu.memory_space<hbm>> -> memref<4096x768xf32, #tpu.memory_space<hbm>>
    tpu.wait_indirect_dma semaphore(%arg11 : memref<!tpu.dma_semaphore, #tpu.memory_space<semaphore_mem>>) src(%dma_wait3A_7 : memref<4096x768xf32, #tpu.memory_space<hbm>>) dst(%arg9 : memref<64x768xf32, #tpu.memory_space<vmem>>)
    %mul3A_8 = arith.constant 64 : i32
    %mul3A_9 = arith.muli %add3A, %mul3A_8 : i32
    %dma_start3A_10 = arith.constant 0 : i32
    %dma_start3A_11 = tpu.memref_slice %arg5[%mul3A_9, %dma_start3A_10] : memref<2048x768xf32, #tpu.memory_space<hbm>> -> memref<64x768xf32, #tpu.memory_space<hbm>>
    %dma_start3A_12 = arith.constant 0 : i32
    %dma_start3A_13 = tpu.memref_slice %arg5[%mul3A_9, %dma_start3A_12] : memref<2048x768xf32, #tpu.memory_space<hbm>> -> memref<64x768xf32, #tpu.memory_space<hbm>>
    tpu.enqueue_dma source(%arg9 : memref<64x768xf32, #tpu.memory_space<vmem>>) target(%dma_start3A_13 : memref<64x768xf32, #tpu.memory_space<hbm>>) target_semaphore(%arg13 : memref<!tpu.dma_semaphore, #tpu.memory_space<semaphore_mem>>)
    %dma_wait3A_14 = arith.constant 0 : i32
    %dma_wait3A_15 = arith.constant 0 : i32
    %dma_wait3A_16 = tpu.memref_slice %arg2[%dma_wait3A_14, %dma_wait3A_15] : memref<4096x768xf32, #tpu.memory_space<hbm>> -> memref<4096x768xf32, #tpu.memory_space<hbm>>
    tpu.wait_indirect_dma semaphore(%arg12 : memref<!tpu.dma_semaphore, #tpu.memory_space<semaphore_mem>>) src(%dma_wait3A_16 : memref<4096x768xf32, #tpu.memory_space<hbm>>) dst(%arg10 : memref<64x768xf32, #tpu.memory_space<vmem>>)
    %mul3A_17 = arith.constant 64 : i32
    %mul3A_18 = arith.muli %add3A, %mul3A_17 : i32
    %dma_start3A_19 = arith.constant 0 : i32
    %dma_start3A_20 = tpu.memref_slice %arg6[%mul3A_18, %dma_start3A_19] : memref<2048x768xf32, #tpu.memory_space<hbm>> -> memref<64x768xf32, #tpu.memory_space<hbm>>
    %dma_start3A_21 = arith.constant 0 : i32
    %dma_start3A_22 = tpu.memref_slice %arg6[%mul3A_18, %dma_start3A_21] : memref<2048x768xf32, #tpu.memory_space<hbm>> -> memref<64x768xf32, #tpu.memory_space<hbm>>
    tpu.enqueue_dma source(%arg10 : memref<64x768xf32, #tpu.memory_space<vmem>>) target(%dma_start3A_22 : memref<64x768xf32, #tpu.memory_space<hbm>>) target_semaphore(%arg14 : memref<!tpu.dma_semaphore, #tpu.memory_space<semaphore_mem>>)
    %dma_wait3A_23 = arith.constant 0 : i32
    %dma_wait3A_24 = tpu.memref_slice %arg5[%mul3A_9, %dma_wait3A_23] : memref<2048x768xf32, #tpu.memory_space<hbm>> -> memref<64x768xf32, #tpu.memory_space<hbm>>
    %dma_wait3A_25 = arith.constant 0 : i32
    %dma_wait3A_26 = tpu.memref_slice %arg5[%mul3A_9, %dma_wait3A_25] : memref<2048x768xf32, #tpu.memory_space<hbm>> -> memref<64x768xf32, #tpu.memory_space<hbm>>
    tpu.wait_dma2 semaphore(%arg13 : memref<!tpu.dma_semaphore, #tpu.memory_space<semaphore_mem>>) src(%arg9 : memref<64x768xf32, #tpu.memory_space<vmem>>) dst(%dma_wait3A_26 : memref<64x768xf32, #tpu.memory_space<hbm>>)
    %dma_wait3A_27 = arith.constant 0 : i32
    %dma_wait3A_28 = tpu.memref_slice %arg6[%mul3A_18, %dma_wait3A_27] : memref<2048x768xf32, #tpu.memory_space<hbm>> -> memref<64x768xf32, #tpu.memory_space<hbm>>
    %dma_wait3A_29 = arith.constant 0 : i32
    %dma_wait3A_30 = tpu.memref_slice %arg6[%mul3A_18, %dma_wait3A_29] : memref<2048x768xf32, #tpu.memory_space<hbm>> -> memref<64x768xf32, #tpu.memory_space<hbm>>
    tpu.wait_dma2 semaphore(%arg14 : memref<!tpu.dma_semaphore, #tpu.memory_space<semaphore_mem>>) src(%arg10 : memref<64x768xf32, #tpu.memory_space<vmem>>) dst(%dma_wait3A_30 : memref<64x768xf32, #tpu.memory_space<hbm>>)
    return
  }
}

#map = affine_map<(d0, d1) -> (0, 0)>
module attributes {stable_mosaic.version = 14 : i64} {
  func.func @k(%arg0: i32, %arg1: i32, %arg2: memref<2048x768xf32, #tpu.memory_space<hbm>>, %arg3: memref<32x128xi32, #tpu.memory_space<hbm>>, %arg4: memref<4096x768xf32, #tpu.memory_space<hbm>>, %arg5: memref<64xi32, #tpu.memory_space<vmem>>, %arg6: memref<64xi32, #tpu.memory_space<vmem>>, %arg7: memref<64x768xf32, #tpu.memory_space<vmem>>, %arg8: memref<64x768xf32, #tpu.memory_space<vmem>>, %arg9: memref<!tpu.dma_semaphore, #tpu.memory_space<semaphore_mem>>, %arg10: memref<!tpu.dma_semaphore, #tpu.memory_space<semaphore_mem>>, %arg11: memref<!tpu.dma_semaphore, #tpu.memory_space<semaphore_mem>>, %arg12: memref<!tpu.dma_semaphore, #tpu.memory_space<semaphore_mem>>) attributes {dimension_semantics = [#tpu.dimension_semantics<core_parallel>, #tpu.dimension_semantics<subcore_parallel>], iteration_bounds = array<i64: 2, 16>, scalar_prefetch = 0 : i64, scratch_operands = 8 : i64, tpu.core_type = #tpu.core_type<sc_vector_subcore>, window_params = [{transform_indices = #map}, {transform_indices = #map}, {transform_indices = #map}]} {
    %mul3A = arith.constant 2 : i32
    %mul3A_0 = arith.muli %arg1, %mul3A : i32
    %add3A = arith.addi %mul3A_0, %arg0 : i32
    %rem3A = arith.constant 16 : i32
    %rem3A_1 = arith.remsi %add3A, %rem3A : i32
    %mul3A_2 = arith.constant 128 : i32
    %mul3A_3 = arith.muli %rem3A_1, %mul3A_2 : i32
    "tpu.region"() ({
      %run_scoped3A = tpu.sem_alloc : memref<!tpu.dma_semaphore, #tpu.memory_space<semaphore_mem>>
      %dma_start3A_32 = arith.constant 0 : i32
      %dma_start3A_33 = tpu.memref_slice %arg3[%add3A, %dma_start3A_32] : memref<32x128xi32, #tpu.memory_space<hbm>> -> memref<1x64xi32, #tpu.memory_space<hbm>>
      %dma_start3A_34 = tpu.memref_squeeze %dma_start3A_33 : memref<1x64xi32, #tpu.memory_space<hbm>> -> memref<64xi32, #tpu.memory_space<hbm>>
      %dma_start3A_35 = arith.constant 0 : i32
      %dma_start3A_36 = tpu.memref_slice %arg3[%add3A, %dma_start3A_35] : memref<32x128xi32, #tpu.memory_space<hbm>> -> memref<1x64xi32, #tpu.memory_space<hbm>>
      %dma_start3A_37 = tpu.memref_squeeze %dma_start3A_36 : memref<1x64xi32, #tpu.memory_space<hbm>> -> memref<64xi32, #tpu.memory_space<hbm>>
      tpu.enqueue_dma source(%dma_start3A_37 : memref<64xi32, #tpu.memory_space<hbm>>) target(%arg5 : memref<64xi32, #tpu.memory_space<vmem>>) target_semaphore(%run_scoped3A : memref<!tpu.dma_semaphore, #tpu.memory_space<semaphore_mem>>)
      %dma_wait3A_38 = arith.constant 0 : i32
      %dma_wait3A_39 = tpu.memref_slice %arg3[%add3A, %dma_wait3A_38] : memref<32x128xi32, #tpu.memory_space<hbm>> -> memref<1x64xi32, #tpu.memory_space<hbm>>
      %dma_wait3A_40 = tpu.memref_squeeze %dma_wait3A_39 : memref<1x64xi32, #tpu.memory_space<hbm>> -> memref<64xi32, #tpu.memory_space<hbm>>
      %dma_wait3A_41 = arith.constant 0 : i32
      %dma_wait3A_42 = tpu.memref_slice %arg3[%add3A, %dma_wait3A_41] : memref<32x128xi32, #tpu.memory_space<hbm>> -> memref<1x64xi32, #tpu.memory_space<hbm>>
      %dma_wait3A_43 = tpu.memref_squeeze %dma_wait3A_42 : memref<1x64xi32, #tpu.memory_space<hbm>> -> memref<64xi32, #tpu.memory_space<hbm>>
      tpu.wait_dma2 semaphore(%run_scoped3A : memref<!tpu.dma_semaphore, #tpu.memory_space<semaphore_mem>>) src(%dma_wait3A_43 : memref<64xi32, #tpu.memory_space<hbm>>) dst(%arg5 : memref<64xi32, #tpu.memory_space<vmem>>)
      tpu.yield
    }) : () -> ()
    "tpu.region"() ({
      %run_scoped3A = tpu.sem_alloc : memref<!tpu.dma_semaphore, #tpu.memory_space<semaphore_mem>>
      %dma_start3A_32 = arith.constant 64 : i32
      %dma_start3A_33 = tpu.memref_slice %arg3[%add3A, %dma_start3A_32] : memref<32x128xi32, #tpu.memory_space<hbm>> -> memref<1x64xi32, #tpu.memory_space<hbm>>
      %dma_start3A_34 = tpu.memref_squeeze %dma_start3A_33 : memref<1x64xi32, #tpu.memory_space<hbm>> -> memref<64xi32, #tpu.memory_space<hbm>>
      %dma_start3A_35 = arith.constant 64 : i32
      %dma_start3A_36 = tpu.memref_slice %arg3[%add3A, %dma_start3A_35] : memref<32x128xi32, #tpu.memory_space<hbm>> -> memref<1x64xi32, #tpu.memory_space<hbm>>
      %dma_start3A_37 = tpu.memref_squeeze %dma_start3A_36 : memref<1x64xi32, #tpu.memory_space<hbm>> -> memref<64xi32, #tpu.memory_space<hbm>>
      tpu.enqueue_dma source(%dma_start3A_37 : memref<64xi32, #tpu.memory_space<hbm>>) target(%arg6 : memref<64xi32, #tpu.memory_space<vmem>>) target_semaphore(%run_scoped3A : memref<!tpu.dma_semaphore, #tpu.memory_space<semaphore_mem>>)
      %dma_wait3A_38 = arith.constant 64 : i32
      %dma_wait3A_39 = tpu.memref_slice %arg3[%add3A, %dma_wait3A_38] : memref<32x128xi32, #tpu.memory_space<hbm>> -> memref<1x64xi32, #tpu.memory_space<hbm>>
      %dma_wait3A_40 = tpu.memref_squeeze %dma_wait3A_39 : memref<1x64xi32, #tpu.memory_space<hbm>> -> memref<64xi32, #tpu.memory_space<hbm>>
      %dma_wait3A_41 = arith.constant 64 : i32
      %dma_wait3A_42 = tpu.memref_slice %arg3[%add3A, %dma_wait3A_41] : memref<32x128xi32, #tpu.memory_space<hbm>> -> memref<1x64xi32, #tpu.memory_space<hbm>>
      %dma_wait3A_43 = tpu.memref_squeeze %dma_wait3A_42 : memref<1x64xi32, #tpu.memory_space<hbm>> -> memref<64xi32, #tpu.memory_space<hbm>>
      tpu.wait_dma2 semaphore(%run_scoped3A : memref<!tpu.dma_semaphore, #tpu.memory_space<semaphore_mem>>) src(%dma_wait3A_43 : memref<64xi32, #tpu.memory_space<hbm>>) dst(%arg6 : memref<64xi32, #tpu.memory_space<vmem>>)
      tpu.yield
    }) : () -> ()
    %dma_start3A = arith.constant 0 : i32
    %dma_start3A_4 = tpu.memref_slice %arg2[%mul3A_3, %dma_start3A] : memref<2048x768xf32, #tpu.memory_space<hbm>> -> memref<64x768xf32, #tpu.memory_space<hbm>>
    %dma_start3A_5 = arith.constant 0 : i32
    %dma_start3A_6 = tpu.memref_slice %arg2[%mul3A_3, %dma_start3A_5] : memref<2048x768xf32, #tpu.memory_space<hbm>> -> memref<64x768xf32, #tpu.memory_space<hbm>>
    tpu.enqueue_dma source(%dma_start3A_6 : memref<64x768xf32, #tpu.memory_space<hbm>>) target(%arg7 : memref<64x768xf32, #tpu.memory_space<vmem>>) target_semaphore(%arg9 : memref<!tpu.dma_semaphore, #tpu.memory_space<semaphore_mem>>)
    %add3A_7 = arith.constant 64 : i32
    %add3A_8 = arith.addi %mul3A_3, %add3A_7 : i32
    %dma_start3A_9 = arith.constant 0 : i32
    %dma_start3A_10 = tpu.memref_slice %arg2[%add3A_8, %dma_start3A_9] : memref<2048x768xf32, #tpu.memory_space<hbm>> -> memref<64x768xf32, #tpu.memory_space<hbm>>
    %dma_start3A_11 = arith.constant 0 : i32
    %dma_start3A_12 = tpu.memref_slice %arg2[%add3A_8, %dma_start3A_11] : memref<2048x768xf32, #tpu.memory_space<hbm>> -> memref<64x768xf32, #tpu.memory_space<hbm>>
    tpu.enqueue_dma source(%dma_start3A_12 : memref<64x768xf32, #tpu.memory_space<hbm>>) target(%arg8 : memref<64x768xf32, #tpu.memory_space<vmem>>) target_semaphore(%arg10 : memref<!tpu.dma_semaphore, #tpu.memory_space<semaphore_mem>>)
    %dma_wait3A = arith.constant 0 : i32
    %dma_wait3A_13 = tpu.memref_slice %arg2[%mul3A_3, %dma_wait3A] : memref<2048x768xf32, #tpu.memory_space<hbm>> -> memref<64x768xf32, #tpu.memory_space<hbm>>
    %dma_wait3A_14 = arith.constant 0 : i32
    %dma_wait3A_15 = tpu.memref_slice %arg2[%mul3A_3, %dma_wait3A_14] : memref<2048x768xf32, #tpu.memory_space<hbm>> -> memref<64x768xf32, #tpu.memory_space<hbm>>
    tpu.wait_dma2 semaphore(%arg9 : memref<!tpu.dma_semaphore, #tpu.memory_space<semaphore_mem>>) src(%dma_wait3A_15 : memref<64x768xf32, #tpu.memory_space<hbm>>) dst(%arg7 : memref<64x768xf32, #tpu.memory_space<vmem>>)
    %dma_start3A_16 = arith.constant 0 : i32
    %dma_start3A_17 = arith.constant 0 : i32
    %dma_start3A_18 = tpu.memref_slice %arg4[%dma_start3A_16, %dma_start3A_17] : memref<4096x768xf32, #tpu.memory_space<hbm>> -> memref<4096x768xf32, #tpu.memory_space<hbm>>
    tpu.enqueue_indirect_dma source(%arg7 : memref<64x768xf32, #tpu.memory_space<vmem>>) target(%dma_start3A_18 : memref<4096x768xf32, #tpu.memory_space<hbm>>) offsets(%arg5 : memref<64xi32, #tpu.memory_space<vmem>>) semaphore(%arg11 : memref<!tpu.dma_semaphore, #tpu.memory_space<semaphore_mem>>)
    %dma_wait3A_19 = arith.constant 0 : i32
    %dma_wait3A_20 = tpu.memref_slice %arg2[%add3A_8, %dma_wait3A_19] : memref<2048x768xf32, #tpu.memory_space<hbm>> -> memref<64x768xf32, #tpu.memory_space<hbm>>
    %dma_wait3A_21 = arith.constant 0 : i32
    %dma_wait3A_22 = tpu.memref_slice %arg2[%add3A_8, %dma_wait3A_21] : memref<2048x768xf32, #tpu.memory_space<hbm>> -> memref<64x768xf32, #tpu.memory_space<hbm>>
    tpu.wait_dma2 semaphore(%arg10 : memref<!tpu.dma_semaphore, #tpu.memory_space<semaphore_mem>>) src(%dma_wait3A_22 : memref<64x768xf32, #tpu.memory_space<hbm>>) dst(%arg8 : memref<64x768xf32, #tpu.memory_space<vmem>>)
    %dma_start3A_23 = arith.constant 0 : i32
    %dma_start3A_24 = arith.constant 0 : i32
    %dma_start3A_25 = tpu.memref_slice %arg4[%dma_start3A_23, %dma_start3A_24] : memref<4096x768xf32, #tpu.memory_space<hbm>> -> memref<4096x768xf32, #tpu.memory_space<hbm>>
    tpu.enqueue_indirect_dma source(%arg8 : memref<64x768xf32, #tpu.memory_space<vmem>>) target(%dma_start3A_25 : memref<4096x768xf32, #tpu.memory_space<hbm>>) offsets(%arg6 : memref<64xi32, #tpu.memory_space<vmem>>) semaphore(%arg12 : memref<!tpu.dma_semaphore, #tpu.memory_space<semaphore_mem>>)
    %dma_wait3A_26 = arith.constant 0 : i32
    %dma_wait3A_27 = arith.constant 0 : i32
    %dma_wait3A_28 = tpu.memref_slice %arg4[%dma_wait3A_26, %dma_wait3A_27] : memref<4096x768xf32, #tpu.memory_space<hbm>> -> memref<4096x768xf32, #tpu.memory_space<hbm>>
    tpu.wait_indirect_dma semaphore(%arg11 : memref<!tpu.dma_semaphore, #tpu.memory_space<semaphore_mem>>) src(%arg7 : memref<64x768xf32, #tpu.memory_space<vmem>>) dst(%dma_wait3A_28 : memref<4096x768xf32, #tpu.memory_space<hbm>>)
    %dma_wait3A_29 = arith.constant 0 : i32
    %dma_wait3A_30 = arith.constant 0 : i32
    %dma_wait3A_31 = tpu.memref_slice %arg4[%dma_wait3A_29, %dma_wait3A_30] : memref<4096x768xf32, #tpu.memory_space<hbm>> -> memref<4096x768xf32, #tpu.memory_space<hbm>>
    tpu.wait_indirect_dma semaphore(%arg12 : memref<!tpu.dma_semaphore, #tpu.memory_space<semaphore_mem>>) src(%arg8 : memref<64x768xf32, #tpu.memory_space<vmem>>) dst(%dma_wait3A_31 : memref<4096x768xf32, #tpu.memory_space<hbm>>)
    return
  }
}

module attributes {stable_mosaic.version = 14 : i64} {
  func.func @_gate_body(%arg0: i32, %arg1: memref<256x768xf32, #tpu.memory_space<vmem>>, %arg2: memref<768x128xf32, #tpu.memory_space<vmem>>, %arg3: memref<1x128xf32, #tpu.memory_space<vmem>>, %arg4: memref<256x8xi32, #tpu.memory_space<vmem>>, %arg5: memref<256x8xf32, #tpu.memory_space<vmem>>) attributes {dimension_semantics = [#tpu.dimension_semantics<arbitrary>], iteration_bounds = array<i64: 8>, scalar_prefetch = 0 : i64, scratch_operands = 0 : i64, tpu.core_type = #tpu.core_type<tc>, window_params = [{transform_indices = @transform_0, window_bounds = array<i64: 256, 768>}, {pipeline_mode = #tpu.pipeline_mode<synchronous>, transform_indices = @transform_1, window_bounds = array<i64: 768, 128>}, {pipeline_mode = #tpu.pipeline_mode<synchronous>, transform_indices = @transform_2, window_bounds = array<i64: 1, 128>}, {transform_indices = @transform_3, window_bounds = array<i64: 256, 8>}, {transform_indices = @transform_4, window_bounds = array<i64: 256, 8>}]} {
    %get3A = arith.constant 0 : index
    %get3A_0 = arith.constant 0 : index
    %get3A_1 = vector.load %arg1[%get3A, %get3A_0] : memref<256x768xf32, #tpu.memory_space<vmem>>, vector<256x768xf32>
    %get3A_2 = arith.constant 0 : index
    %get3A_3 = arith.constant 0 : index
    %get3A_4 = vector.load %arg2[%get3A_2, %get3A_3] : memref<768x128xf32, #tpu.memory_space<vmem>>, vector<768x128xf32>
    %dot_general3A = arith.constant dense<0.000000e+00> : vector<256x128xf32>
    %dot_general3A_5 = tpu.matmul %get3A_1, %get3A_4, %dot_general3A {dimension_numbers = #tpu.dot_dimension_numbers<[1], [0], [0], [1], [0, 0, 1, 1], [], []>, transpose_lhs_hint = false} : vector<256x768xf32>, vector<768x128xf32>, vector<256x128xf32> -> vector<256x128xf32>
    %get3A_6 = arith.constant 0 : index
    %get3A_7 = arith.constant 0 : index
    %get3A_8 = vector.load %arg3[%get3A_6, %get3A_7] : memref<1x128xf32, #tpu.memory_space<vmem>>, vector<1x128xf32>
    %add3A = vector.broadcast %get3A_8 : vector<1x128xf32> to vector<256x128xf32>
    %add3A_9 = arith.addf %dot_general3A_5, %add3A : vector<256x128xf32>
    %reduce_max3A = arith.constant dense<0xFF800000> : vector<256xf32>
    %reduce_max3A_10 = vector.multi_reduction <maximumf>, %add3A_9, %reduce_max3A [1] : vector<256x128xf32> to vector<256xf32>
    %broadcast_in_dim3A = vector.shape_cast %reduce_max3A_10 : vector<256xf32> to vector<256x1xf32>
    %sub3A = vector.broadcast %broadcast_in_dim3A : vector<256x1xf32> to vector<256x128xf32>
    %sub3A_11 = arith.subf %add3A_9, %sub3A : vector<256x128xf32>
    %exp3A = math.exp %sub3A_11 : vector<256x128xf32>
    %reduce_sum3A = arith.constant dense<0.000000e+00> : vector<256xf32>
    %reduce_sum3A_12 = vector.multi_reduction <add>, %exp3A, %reduce_sum3A [1] : vector<256x128xf32> to vector<256xf32>
    %broadcast_in_dim3A_13 = vector.shape_cast %reduce_sum3A_12 : vector<256xf32> to vector<256x1xf32>
    %div3A = vector.broadcast %broadcast_in_dim3A_13 : vector<256x1xf32> to vector<256x128xf32>
    %div3A_14 = arith.divf %exp3A, %div3A : vector<256x128xf32>
    %iota3A = tpu.iota {dimensions = array<i32: 1>} : vector<256x128xi32>
    %reduce_max3A_15 = arith.constant dense<0xFF800000> : vector<256xf32>
    %reduce_max3A_16 = vector.multi_reduction <maximumf>, %div3A_14, %reduce_max3A_15 [1] : vector<256x128xf32> to vector<256xf32>
    %broadcast_in_dim3A_17 = vector.shape_cast %reduce_max3A_16 : vector<256xf32> to vector<256x1xf32>
    %ge3A = vector.broadcast %broadcast_in_dim3A_17 : vector<256x1xf32> to vector<256x128xf32>
    %ge3A_18 = arith.cmpf oge, %div3A_14, %ge3A : vector<256x128xf32>
    %jit3A = arith.constant 1073741824 : i32
    %broadcast_in_dim3A_19 = vector.broadcast %jit3A : i32 to vector<256x128xi32>
    %select_n3A = arith.select %ge3A_18, %iota3A, %broadcast_in_dim3A_19 : vector<256x128xi1>, vector<256x128xi32>
    %reduce_min3A = arith.constant dense<2147483647> : vector<256xi32>
    %reduce_min3A_20 = vector.multi_reduction <minsi>, %select_n3A, %reduce_min3A [1] : vector<256x128xi32> to vector<256xi32>
    %broadcast_in_dim3A_21 = vector.shape_cast %reduce_min3A_20 : vector<256xi32> to vector<256x1xi32>
    %eq3A = vector.broadcast %broadcast_in_dim3A_21 : vector<256x1xi32> to vector<256x128xi32>
    %eq3A_22 = arith.cmpi eq, %iota3A, %eq3A : vector<256x128xi32>
    %jit3A_23 = arith.constant -1.000000e+00 : f32
    %broadcast_in_dim3A_24 = vector.broadcast %jit3A_23 : f32 to vector<256x128xf32>
    %select_n3A_25 = arith.select %eq3A_22, %broadcast_in_dim3A_24, %div3A_14 : vector<256x128xi1>, vector<256x128xf32>
    %reduce_max3A_26 = arith.constant dense<0xFF800000> : vector<256xf32>
    %reduce_max3A_27 = vector.multi_reduction <maximumf>, %select_n3A_25, %reduce_max3A_26 [1] : vector<256x128xf32> to vector<256xf32>
    %broadcast_in_dim3A_28 = vector.shape_cast %reduce_max3A_27 : vector<256xf32> to vector<256x1xf32>
    %ge3A_29 = vector.broadcast %broadcast_in_dim3A_28 : vector<256x1xf32> to vector<256x128xf32>
    %ge3A_30 = arith.cmpf oge, %select_n3A_25, %ge3A_29 : vector<256x128xf32>
    %jit3A_31 = arith.constant 1073741824 : i32
    %broadcast_in_dim3A_32 = vector.broadcast %jit3A_31 : i32 to vector<256x128xi32>
    %select_n3A_33 = arith.select %ge3A_30, %iota3A, %broadcast_in_dim3A_32 : vector<256x128xi1>, vector<256x128xi32>
    %reduce_min3A_34 = arith.constant dense<2147483647> : vector<256xi32>
    %reduce_min3A_35 = vector.multi_reduction <minsi>, %select_n3A_33, %reduce_min3A_34 [1] : vector<256x128xi32> to vector<256xi32>
    %broadcast_in_dim3A_36 = vector.shape_cast %reduce_min3A_35 : vector<256xi32> to vector<256x1xi32>
    %iota3A_37 = tpu.iota {dimensions = array<i32: 1>} : vector<256x8xi32>
    %eq3A_38 = arith.constant 0 : i32
    %eq3A_39 = vector.broadcast %eq3A_38 : i32 to vector<256x8xi32>
    %eq3A_40 = arith.cmpi eq, %iota3A_37, %eq3A_39 : vector<256x8xi32>
    %jit3A_41 = arith.constant 0 : i32
    %broadcast_in_dim3A_42 = vector.shape_cast %broadcast_in_dim3A_21 : vector<256x1xi32> to vector<256x1xi32>
    %broadcast_in_dim3A_43 = vector.broadcast %broadcast_in_dim3A_42 : vector<256x1xi32> to vector<256x8xi32>
    %broadcast_in_dim3A_44 = vector.broadcast %jit3A_41 : i32 to vector<256x8xi32>
    %select_n3A_45 = arith.select %eq3A_40, %broadcast_in_dim3A_43, %broadcast_in_dim3A_44 : vector<256x8xi1>, vector<256x8xi32>
    %eq3A_46 = arith.constant 1 : i32
    %eq3A_47 = vector.broadcast %eq3A_46 : i32 to vector<256x8xi32>
    %eq3A_48 = arith.cmpi eq, %iota3A_37, %eq3A_47 : vector<256x8xi32>
    %jit3A_49 = arith.constant 0 : i32
    %broadcast_in_dim3A_50 = vector.shape_cast %broadcast_in_dim3A_36 : vector<256x1xi32> to vector<256x1xi32>
    %broadcast_in_dim3A_51 = vector.broadcast %broadcast_in_dim3A_50 : vector<256x1xi32> to vector<256x8xi32>
    %broadcast_in_dim3A_52 = vector.broadcast %jit3A_49 : i32 to vector<256x8xi32>
    %select_n3A_53 = arith.select %eq3A_48, %broadcast_in_dim3A_51, %broadcast_in_dim3A_52 : vector<256x8xi1>, vector<256x8xi32>
    %add3A_54 = arith.addi %select_n3A_45, %select_n3A_53 : vector<256x8xi32>
    %swap3A = arith.constant 0 : index
    %swap3A_55 = arith.constant 0 : index
    %swap3A_56 = vector.load %arg4[%swap3A, %swap3A_55] : memref<256x8xi32, #tpu.memory_space<vmem>>, vector<256x8xi32>
    tpu.vector_store %arg4[%swap3A, %swap3A_55], %add3A_54 {strides = array<i32>} : memref<256x8xi32, #tpu.memory_space<vmem>>, vector<256x8xi32>,
    %eq3A_57 = arith.constant 0 : i32
    %eq3A_58 = vector.broadcast %eq3A_57 : i32 to vector<256x8xi32>
    %eq3A_59 = arith.cmpi eq, %iota3A_37, %eq3A_58 : vector<256x8xi32>
    %jit3A_60 = arith.constant 0.000000e+00 : f32
    %broadcast_in_dim3A_61 = vector.shape_cast %broadcast_in_dim3A_17 : vector<256x1xf32> to vector<256x1xf32>
    %broadcast_in_dim3A_62 = vector.broadcast %broadcast_in_dim3A_61 : vector<256x1xf32> to vector<256x8xf32>
    %broadcast_in_dim3A_63 = vector.broadcast %jit3A_60 : f32 to vector<256x8xf32>
    %select_n3A_64 = arith.select %eq3A_59, %broadcast_in_dim3A_62, %broadcast_in_dim3A_63 : vector<256x8xi1>, vector<256x8xf32>
    %eq3A_65 = arith.constant 1 : i32
    %eq3A_66 = vector.broadcast %eq3A_65 : i32 to vector<256x8xi32>
    %eq3A_67 = arith.cmpi eq, %iota3A_37, %eq3A_66 : vector<256x8xi32>
    %jit3A_68 = arith.constant 0.000000e+00 : f32
    %broadcast_in_dim3A_69 = vector.shape_cast %broadcast_in_dim3A_28 : vector<256x1xf32> to vector<256x1xf32>
    %broadcast_in_dim3A_70 = vector.broadcast %broadcast_in_dim3A_69 : vector<256x1xf32> to vector<256x8xf32>
    %broadcast_in_dim3A_71 = vector.broadcast %jit3A_68 : f32 to vector<256x8xf32>
    %select_n3A_72 = arith.select %eq3A_67, %broadcast_in_dim3A_70, %broadcast_in_dim3A_71 : vector<256x8xi1>, vector<256x8xf32>
    %add3A_73 = arith.addf %select_n3A_64, %select_n3A_72 : vector<256x8xf32>
    %swap3A_74 = arith.constant 0 : index
    %swap3A_75 = arith.constant 0 : index
    %swap3A_76 = vector.load %arg5[%swap3A_74, %swap3A_75] : memref<256x8xf32, #tpu.memory_space<vmem>>, vector<256x8xf32>
    tpu.vector_store %arg5[%swap3A_74, %swap3A_75], %add3A_73 {strides = array<i32>} : memref<256x8xf32, #tpu.memory_space<vmem>>, vector<256x8xf32>,
    return
  }
  func.func @transform_0(%arg0: i32) -> (i32, i32) {
    %c0_i32 = arith.constant 0 : i32
    %c0_i32_0 = arith.constant 0 : i32
    return %arg0, %c0_i32 : i32, i32
  }
  func.func @transform_1(%arg0: i32) -> (i32, i32) {
    %c0_i32 = arith.constant 0 : i32
    %c0_i32_0 = arith.constant 0 : i32
    %c0_i32_1 = arith.constant 0 : i32
    return %c0_i32, %c0_i32_0 : i32, i32
  }
  func.func @transform_2(%arg0: i32) -> (i32, i32) {
    %c0_i32 = arith.constant 0 : i32
    %c0_i32_0 = arith.constant 0 : i32
    %c0_i32_1 = arith.constant 0 : i32
    return %c0_i32, %c0_i32_0 : i32, i32
  }
  func.func @transform_3(%arg0: i32) -> (i32, i32) {
    %c0_i32 = arith.constant 0 : i32
    %c0_i32_0 = arith.constant 0 : i32
    return %arg0, %c0_i32 : i32, i32
  }
  func.func @transform_4(%arg0: i32) -> (i32, i32) {
    %c0_i32 = arith.constant 0 : i32
    %c0_i32_0 = arith.constant 0 : i32
    return %arg0, %c0_i32 : i32, i32
  }
}

module attributes {stable_mosaic.version = 14 : i64} {
  func.func @_ffn_body(%arg0: i32, %arg1: memref<15xi32, #tpu.memory_space<smem>>, %arg2: memref<15xi32, #tpu.memory_space<smem>>, %arg3: memref<15xi32, #tpu.memory_space<smem>>, %arg4: memref<15xi32, #tpu.memory_space<smem>>, %arg5: memref<512x768xf32, #tpu.memory_space<vmem>>, %arg6: memref<1x768x2048xf32, #tpu.memory_space<vmem>>, %arg7: memref<1x1x2048xf32, #tpu.memory_space<vmem>>, %arg8: memref<1x2048x768xf32, #tpu.memory_space<vmem>>, %arg9: memref<1x1x768xf32, #tpu.memory_space<vmem>>, %arg10: memref<512x768xf32, #tpu.memory_space<vmem>>) attributes {dimension_semantics = [#tpu.dimension_semantics<arbitrary>], iteration_bounds = array<i64: 15>, scalar_prefetch = 4 : i64, scratch_operands = 0 : i64, tpu.core_type = #tpu.core_type<tc>, window_params = [{transform_indices = @transform_0, window_bounds = array<i64: 512, 768>}, {transform_indices = @transform_1, window_bounds = array<i64: 1, 768, 2048>}, {transform_indices = @transform_2, window_bounds = array<i64: 1, 1, 2048>}, {transform_indices = @transform_3, window_bounds = array<i64: 1, 2048, 768>}, {transform_indices = @transform_4, window_bounds = array<i64: 1, 1, 768>}, {transform_indices = @transform_5, window_bounds = array<i64: 512, 768>}]} {
    %get3A = arith.constant 0 : index
    %get3A_0 = arith.constant 0 : index
    %get3A_1 = vector.load %arg5[%get3A, %get3A_0] : memref<512x768xf32, #tpu.memory_space<vmem>>, vector<512x768xf32>
    %get3A_2 = arith.constant 0 : index
    %get3A_3 = arith.constant 0 : index
    %get3A_4 = arith.constant 0 : index
    %get3A_5 = vector.load %arg6[%get3A_2, %get3A_3, %get3A_4] : memref<1x768x2048xf32, #tpu.memory_space<vmem>>, vector<1x768x2048xf32>
    %get3A_6 = vector.shape_cast %get3A_5 : vector<1x768x2048xf32> to vector<768x2048xf32>
    %dot_general3A = arith.constant dense<0.000000e+00> : vector<512x2048xf32>
    %dot_general3A_7 = tpu.matmul %get3A_1, %get3A_6, %dot_general3A {dimension_numbers = #tpu.dot_dimension_numbers<[1], [0], [0], [1], [0, 0, 1, 1], [], []>, transpose_lhs_hint = false} : vector<512x768xf32>, vector<768x2048xf32>, vector<512x2048xf32> -> vector<512x2048xf32>
    %get3A_8 = arith.constant 0 : index
    %get3A_9 = arith.constant 0 : index
    %get3A_10 = arith.constant 0 : index
    %get3A_11 = vector.load %arg7[%get3A_8, %get3A_9, %get3A_10] : memref<1x1x2048xf32, #tpu.memory_space<vmem>>, vector<1x1x2048xf32>
    %get3A_12 = vector.shape_cast %get3A_11 : vector<1x1x2048xf32> to vector<1x2048xf32>
    %add3A = vector.broadcast %get3A_12 : vector<1x2048xf32> to vector<512x2048xf32>
    %add3A_13 = arith.addf %dot_general3A_7, %add3A : vector<512x2048xf32>
    %max3A = arith.constant 0.000000e+00 : f32
    %max3A_14 = vector.broadcast %max3A : f32 to vector<512x2048xf32>
    %max3A_15 = arith.maximumf %add3A_13, %max3A_14 : vector<512x2048xf32>
    %get3A_16 = arith.constant 0 : index
    %get3A_17 = arith.constant 0 : index
    %get3A_18 = arith.constant 0 : index
    %get3A_19 = vector.load %arg8[%get3A_16, %get3A_17, %get3A_18] : memref<1x2048x768xf32, #tpu.memory_space<vmem>>, vector<1x2048x768xf32>
    %get3A_20 = vector.shape_cast %get3A_19 : vector<1x2048x768xf32> to vector<2048x768xf32>
    %dot_general3A_21 = arith.constant dense<0.000000e+00> : vector<512x768xf32>
    %dot_general3A_22 = tpu.matmul %max3A_15, %get3A_20, %dot_general3A_21 {dimension_numbers = #tpu.dot_dimension_numbers<[1], [0], [0], [1], [0, 0, 1, 1], [], []>, transpose_lhs_hint = false} : vector<512x2048xf32>, vector<2048x768xf32>, vector<512x768xf32> -> vector<512x768xf32>
    %get3A_23 = arith.constant 0 : index
    %get3A_24 = arith.constant 0 : index
    %get3A_25 = arith.constant 0 : index
    %get3A_26 = vector.load %arg9[%get3A_23, %get3A_24, %get3A_25] : memref<1x1x768xf32, #tpu.memory_space<vmem>>, vector<1x1x768xf32>
    %get3A_27 = vector.shape_cast %get3A_26 : vector<1x1x768xf32> to vector<1x768xf32>
    %add3A_28 = vector.broadcast %get3A_27 : vector<1x768xf32> to vector<512x768xf32>
    %add3A_29 = arith.addf %dot_general3A_22, %add3A_28 : vector<512x768xf32>
    %iota3A = tpu.iota {dimensions = array<i32: 0>} : vector<512x1xi32>
    %get3A_30 = arith.index_cast %arg0 : i32 to index
    %get3A_31 = memref.load %arg3[%get3A_30] : memref<15xi32, #tpu.memory_space<smem>>
    %ge3A = vector.broadcast %get3A_31 : i32 to vector<512x1xi32>
    %ge3A_32 = arith.cmpi sge, %iota3A, %ge3A : vector<512x1xi32>
    %get3A_33 = arith.index_cast %arg0 : i32 to index
    %get3A_34 = memref.load %arg4[%get3A_33] : memref<15xi32, #tpu.memory_space<smem>>
    %lt3A = vector.broadcast %get3A_34 : i32 to vector<512x1xi32>
    %lt3A_35 = arith.cmpi slt, %iota3A, %lt3A : vector<512x1xi32>
    %and3A = arith.andi %ge3A_32, %lt3A_35 : vector<512x1xi1>
    %jit3A = arith.constant 0.000000e+00 : f32
    %broadcast_in_dim3A = vector.shape_cast %and3A : vector<512x1xi1> to vector<512x1xi1>
    %broadcast_in_dim3A_36 = vector.broadcast %broadcast_in_dim3A : vector<512x1xi1> to vector<512x768xi1>
    %broadcast_in_dim3A_37 = vector.broadcast %jit3A : f32 to vector<512x768xf32>
    %select_n3A = arith.select %broadcast_in_dim3A_36, %add3A_29, %broadcast_in_dim3A_37 : vector<512x768xi1>, vector<512x768xf32>
    %eq3A = arith.constant 0 : i32
    %eq3A_38 = arith.cmpi eq, %arg0, %eq3A : i32
    %get3A_39 = arith.index_cast %arg0 : i32 to index
    %get3A_40 = memref.load %arg1[%get3A_39] : memref<15xi32, #tpu.memory_space<smem>>
    %sub3A = arith.constant 1 : i32
    %sub3A_41 = arith.subi %arg0, %sub3A : i32
    %max3A_42 = arith.constant 0 : i32
    %max3A_43 = arith.maxsi %sub3A_41, %max3A_42 : i32
    %get3A_44 = arith.index_cast %max3A_43 : i32 to index
    %get3A_45 = memref.load %arg1[%get3A_44] : memref<15xi32, #tpu.memory_space<smem>>
    %ne3A = arith.cmpi ne, %get3A_40, %get3A_45 : i32
    %or3A = arith.ori %eq3A_38, %ne3A : i1
    %convert_element_type3A = arith.extui %or3A : i1 to i32
    %cond3A = arith.constant 0 : i32
    %cond3A_46 = arith.cmpi ne, %convert_element_type3A, %cond3A : i32
    scf.if %cond3A_46 {
      %swap3A = arith.constant 0 : index
      %swap3A_51 = arith.constant 0 : index
      %swap3A_52 = vector.load %arg10[%swap3A, %swap3A_51] : memref<512x768xf32, #tpu.memory_space<vmem>>, vector<512x768xf32>
      tpu.vector_store %arg10[%swap3A, %swap3A_51], %select_n3A {strides = array<i32>} : memref<512x768xf32, #tpu.memory_space<vmem>>, vector<512x768xf32>,
    } else {
    }
    %not3A = arith.constant true
    %not3A_47 = arith.xori %or3A, %not3A : i1
    %convert_element_type3A_48 = arith.extui %not3A_47 : i1 to i32
    %cond3A_49 = arith.constant 0 : i32
    %cond3A_50 = arith.cmpi ne, %convert_element_type3A_48, %cond3A_49 : i32
    scf.if %cond3A_50 {
      %get3A_51 = arith.constant 0 : index
      %get3A_52 = arith.constant 0 : index
      %get3A_53 = vector.load %arg10[%get3A_51, %get3A_52] : memref<512x768xf32, #tpu.memory_space<vmem>>, vector<512x768xf32>
      %add3A_54 = arith.addf %get3A_53, %select_n3A : vector<512x768xf32>
      %swap3A = arith.constant 0 : index
      %swap3A_55 = arith.constant 0 : index
      %swap3A_56 = vector.load %arg10[%swap3A, %swap3A_55] : memref<512x768xf32, #tpu.memory_space<vmem>>, vector<512x768xf32>
      tpu.vector_store %arg10[%swap3A, %swap3A_55], %add3A_54 {strides = array<i32>} : memref<512x768xf32, #tpu.memory_space<vmem>>, vector<512x768xf32>,
    } else {
    }
    return
  }
  func.func @transform_0(%arg0: i32, %arg1: memref<15xi32, #tpu.memory_space<smem>>, %arg2: memref<15xi32, #tpu.memory_space<smem>>, %arg3: memref<15xi32, #tpu.memory_space<smem>>, %arg4: memref<15xi32, #tpu.memory_space<smem>>) -> (i32, i32) {
    %get3A = arith.index_cast %arg0 : i32 to index
    %get3A_0 = memref.load %arg1[%get3A] : memref<15xi32, #tpu.memory_space<smem>>
    %c0_i32 = arith.constant 0 : i32
    %c0_i32_1 = arith.constant 0 : i32
    return %get3A_0, %c0_i32 : i32, i32
  }
  func.func @transform_1(%arg0: i32, %arg1: memref<15xi32, #tpu.memory_space<smem>>, %arg2: memref<15xi32, #tpu.memory_space<smem>>, %arg3: memref<15xi32, #tpu.memory_space<smem>>, %arg4: memref<15xi32, #tpu.memory_space<smem>>) -> (i32, i32, i32) {
    %get3A = arith.index_cast %arg0 : i32 to index
    %get3A_0 = memref.load %arg2[%get3A] : memref<15xi32, #tpu.memory_space<smem>>
    %c0_i32 = arith.constant 0 : i32
    %c0_i32_1 = arith.constant 0 : i32
    %c0_i32_2 = arith.constant 0 : i32
    return %get3A_0, %c0_i32, %c0_i32_1 : i32, i32, i32
  }
  func.func @transform_2(%arg0: i32, %arg1: memref<15xi32, #tpu.memory_space<smem>>, %arg2: memref<15xi32, #tpu.memory_space<smem>>, %arg3: memref<15xi32, #tpu.memory_space<smem>>, %arg4: memref<15xi32, #tpu.memory_space<smem>>) -> (i32, i32, i32) {
    %get3A = arith.index_cast %arg0 : i32 to index
    %get3A_0 = memref.load %arg2[%get3A] : memref<15xi32, #tpu.memory_space<smem>>
    %c0_i32 = arith.constant 0 : i32
    %c0_i32_1 = arith.constant 0 : i32
    %c0_i32_2 = arith.constant 0 : i32
    return %get3A_0, %c0_i32, %c0_i32_1 : i32, i32, i32
  }
  func.func @transform_3(%arg0: i32, %arg1: memref<15xi32, #tpu.memory_space<smem>>, %arg2: memref<15xi32, #tpu.memory_space<smem>>, %arg3: memref<15xi32, #tpu.memory_space<smem>>, %arg4: memref<15xi32, #tpu.memory_space<smem>>) -> (i32, i32, i32) {
    %get3A = arith.index_cast %arg0 : i32 to index
    %get3A_0 = memref.load %arg2[%get3A] : memref<15xi32, #tpu.memory_space<smem>>
    %c0_i32 = arith.constant 0 : i32
    %c0_i32_1 = arith.constant 0 : i32
    %c0_i32_2 = arith.constant 0 : i32
    return %get3A_0, %c0_i32, %c0_i32_1 : i32, i32, i32
  }
  func.func @transform_4(%arg0: i32, %arg1: memref<15xi32, #tpu.memory_space<smem>>, %arg2: memref<15xi32, #tpu.memory_space<smem>>, %arg3: memref<15xi32, #tpu.memory_space<smem>>, %arg4: memref<15xi32, #tpu.memory_space<smem>>) -> (i32, i32, i32) {
    %get3A = arith.index_cast %arg0 : i32 to index
    %get3A_0 = memref.load %arg2[%get3A] : memref<15xi32, #tpu.memory_space<smem>>
    %c0_i32 = arith.constant 0 : i32
    %c0_i32_1 = arith.constant 0 : i32
    %c0_i32_2 = arith.constant 0 : i32
    return %get3A_0, %c0_i32, %c0_i32_1 : i32, i32, i32
  }
  func.func @transform_5(%arg0: i32, %arg1: memref<15xi32, #tpu.memory_space<smem>>, %arg2: memref<15xi32, #tpu.memory_space<smem>>, %arg3: memref<15xi32, #tpu.memory_space<smem>>, %arg4: memref<15xi32, #tpu.memory_space<smem>>) -> (i32, i32) {
    %get3A = arith.index_cast %arg0 : i32 to index
    %get3A_0 = memref.load %arg1[%get3A] : memref<15xi32, #tpu.memory_space<smem>>
    %c0_i32 = arith.constant 0 : i32
    %c0_i32_1 = arith.constant 0 : i32
    return %get3A_0, %c0_i32 : i32, i32
  }
}

module attributes {stable_mosaic.version = 14 : i64} {
  func.func @_sort_body(%arg0: memref<32x128xi32, #tpu.memory_space<vmem>>, %arg1: memref<32x128xi32, #tpu.memory_space<vmem>>, %arg2: memref<8x128xi32, #tpu.memory_space<vmem>>) attributes {dimension_semantics = [], scalar_prefetch = 0 : i64, scratch_operands = 0 : i64, tpu.core_type = #tpu.core_type<tc>} {
    %get3A = arith.constant 0 : index
    %get3A_0 = arith.constant 0 : index
    %get3A_1 = vector.load %arg0[%get3A, %get3A_0] : memref<32x128xi32, #tpu.memory_space<vmem>>, vector<32x128xi32>
    %iota3A = tpu.iota {dimensions = array<i32: 0>} : vector<32x32xi32>
    %iota3A_2 = tpu.iota {dimensions = array<i32: 1>} : vector<32x32xi32>
    %lt3A = arith.cmpi slt, %iota3A_2, %iota3A : vector<32x32xi32>
    %jit3A = arith.constant 1.000000e+00 : f32
    %jit3A_3 = arith.constant 0.000000e+00 : f32
    %broadcast_in_dim3A = vector.broadcast %jit3A : f32 to vector<32x32xf32>
    %broadcast_in_dim3A_4 = vector.broadcast %jit3A_3 : f32 to vector<32x32xf32>
    %select_n3A = arith.select %lt3A, %broadcast_in_dim3A, %broadcast_in_dim3A_4 : vector<32x32xi1>, vector<32x32xf32>
    %iota3A_5 = tpu.iota {dimensions = array<i32: 0>} : vector<128x128xi32>
    %iota3A_6 = tpu.iota {dimensions = array<i32: 1>} : vector<128x128xi32>
    %lt3A_7 = arith.cmpi slt, %iota3A_5, %iota3A_6 : vector<128x128xi32>
    %jit3A_8 = arith.constant 1.000000e+00 : f32
    %jit3A_9 = arith.constant 0.000000e+00 : f32
    %broadcast_in_dim3A_10 = vector.broadcast %jit3A_8 : f32 to vector<128x128xf32>
    %broadcast_in_dim3A_11 = vector.broadcast %jit3A_9 : f32 to vector<128x128xf32>
    %select_n3A_12 = arith.select %lt3A_7, %broadcast_in_dim3A_10, %broadcast_in_dim3A_11 : vector<128x128xi1>, vector<128x128xf32>
    %iota3A_13 = tpu.iota {dimensions = array<i32: 1>} : vector<32x128xi32>
    %broadcast_in_dim3A_14 = arith.constant 0.000000e+00 : f32
    %broadcast_in_dim3A_15 = vector.broadcast %broadcast_in_dim3A_14 : f32 to vector<32x128xf32>
    %eq3A = arith.constant 0 : i32
    %eq3A_16 = vector.broadcast %eq3A : i32 to vector<32x128xi32>
    %eq3A_17 = arith.cmpi eq, %get3A_1, %eq3A_16 : vector<32x128xi32>
    %convert_element_type3A = arith.extui %eq3A_17 : vector<32x128xi1> to vector<32x128xi32>
    %convert_element_type3A_18 = arith.sitofp %convert_element_type3A : vector<32x128xi32> to vector<32x128xf32>
    %reduce_sum3A = arith.constant dense<0.000000e+00> : vector<32xf32>
    %reduce_sum3A_19 = vector.multi_reduction <add>, %convert_element_type3A_18, %reduce_sum3A [1] : vector<32x128xf32> to vector<32xf32>
    %broadcast_in_dim3A_20 = vector.shape_cast %reduce_sum3A_19 : vector<32xf32> to vector<32x1xf32>
    %eq3A_21 = arith.constant 0 : i32
    %eq3A_22 = vector.broadcast %eq3A_21 : i32 to vector<32x128xi32>
    %eq3A_23 = arith.cmpi eq, %iota3A_13, %eq3A_22 : vector<32x128xi32>
    %jit3A_24 = arith.constant 1.000000e+00 : f32
    %jit3A_25 = arith.constant 0.000000e+00 : f32
    %broadcast_in_dim3A_26 = vector.broadcast %jit3A_24 : f32 to vector<32x128xf32>
    %broadcast_in_dim3A_27 = vector.broadcast %jit3A_25 : f32 to vector<32x128xf32>
    %select_n3A_28 = arith.select %eq3A_23, %broadcast_in_dim3A_26, %broadcast_in_dim3A_27 : vector<32x128xi1>, vector<32x128xf32>
    %mul3A = vector.broadcast %broadcast_in_dim3A_20 : vector<32x1xf32> to vector<32x128xf32>
    %mul3A_29 = arith.mulf %mul3A, %select_n3A_28 : vector<32x128xf32>
    %add3A = arith.addf %broadcast_in_dim3A_15, %mul3A_29 : vector<32x128xf32>
    %eq3A_30 = arith.constant 1 : i32
    %eq3A_31 = vector.broadcast %eq3A_30 : i32 to vector<32x128xi32>
    %eq3A_32 = arith.cmpi eq, %get3A_1, %eq3A_31 : vector<32x128xi32>
    %convert_element_type3A_33 = arith.extui %eq3A_32 : vector<32x128xi1> to vector<32x128xi32>
    %convert_element_type3A_34 = arith.sitofp %convert_element_type3A_33 : vector<32x128xi32> to vector<32x128xf32>
    %reduce_sum3A_35 = arith.constant dense<0.000000e+00> : vector<32xf32>
    %reduce_sum3A_36 = vector.multi_reduction <add>, %convert_element_type3A_34, %reduce_sum3A_35 [1] : vector<32x128xf32> to vector<32xf32>
    %broadcast_in_dim3A_37 = vector.shape_cast %reduce_sum3A_36 : vector<32xf32> to vector<32x1xf32>
    %eq3A_38 = arith.constant 1 : i32
    %eq3A_39 = vector.broadcast %eq3A_38 : i32 to vector<32x128xi32>
    %eq3A_40 = arith.cmpi eq, %iota3A_13, %eq3A_39 : vector<32x128xi32>
    %jit3A_41 = arith.constant 1.000000e+00 : f32
    %jit3A_42 = arith.constant 0.000000e+00 : f32
    %broadcast_in_dim3A_43 = vector.broadcast %jit3A_41 : f32 to vector<32x128xf32>
    %broadcast_in_dim3A_44 = vector.broadcast %jit3A_42 : f32 to vector<32x128xf32>
    %select_n3A_45 = arith.select %eq3A_40, %broadcast_in_dim3A_43, %broadcast_in_dim3A_44 : vector<32x128xi1>, vector<32x128xf32>
    %mul3A_46 = vector.broadcast %broadcast_in_dim3A_37 : vector<32x1xf32> to vector<32x128xf32>
    %mul3A_47 = arith.mulf %mul3A_46, %select_n3A_45 : vector<32x128xf32>
    %add3A_48 = arith.addf %add3A, %mul3A_47 : vector<32x128xf32>
    %eq3A_49 = arith.constant 2 : i32
    %eq3A_50 = vector.broadcast %eq3A_49 : i32 to vector<32x128xi32>
    %eq3A_51 = arith.cmpi eq, %get3A_1, %eq3A_50 : vector<32x128xi32>
    %convert_element_type3A_52 = arith.extui %eq3A_51 : vector<32x128xi1> to vector<32x128xi32>
    %convert_element_type3A_53 = arith.sitofp %convert_element_type3A_52 : vector<32x128xi32> to vector<32x128xf32>
    %reduce_sum3A_54 = arith.constant dense<0.000000e+00> : vector<32xf32>
    %reduce_sum3A_55 = vector.multi_reduction <add>, %convert_element_type3A_53, %reduce_sum3A_54 [1] : vector<32x128xf32> to vector<32xf32>
    %broadcast_in_dim3A_56 = vector.shape_cast %reduce_sum3A_55 : vector<32xf32> to vector<32x1xf32>
    %eq3A_57 = arith.constant 2 : i32
    %eq3A_58 = vector.broadcast %eq3A_57 : i32 to vector<32x128xi32>
    %eq3A_59 = arith.cmpi eq, %iota3A_13, %eq3A_58 : vector<32x128xi32>
    %jit3A_60 = arith.constant 1.000000e+00 : f32
    %jit3A_61 = arith.constant 0.000000e+00 : f32
    %broadcast_in_dim3A_62 = vector.broadcast %jit3A_60 : f32 to vector<32x128xf32>
    %broadcast_in_dim3A_63 = vector.broadcast %jit3A_61 : f32 to vector<32x128xf32>
    %select_n3A_64 = arith.select %eq3A_59, %broadcast_in_dim3A_62, %broadcast_in_dim3A_63 : vector<32x128xi1>, vector<32x128xf32>
    %mul3A_65 = vector.broadcast %broadcast_in_dim3A_56 : vector<32x1xf32> to vector<32x128xf32>
    %mul3A_66 = arith.mulf %mul3A_65, %select_n3A_64 : vector<32x128xf32>
    %add3A_67 = arith.addf %add3A_48, %mul3A_66 : vector<32x128xf32>
    %eq3A_68 = arith.constant 3 : i32
    %eq3A_69 = vector.broadcast %eq3A_68 : i32 to vector<32x128xi32>
    %eq3A_70 = arith.cmpi eq, %get3A_1, %eq3A_69 : vector<32x128xi32>
    %convert_element_type3A_71 = arith.extui %eq3A_70 : vector<32x128xi1> to vector<32x128xi32>
    %convert_element_type3A_72 = arith.sitofp %convert_element_type3A_71 : vector<32x128xi32> to vector<32x128xf32>
    %reduce_sum3A_73 = arith.constant dense<0.000000e+00> : vector<32xf32>
    %reduce_sum3A_74 = vector.multi_reduction <add>, %convert_element_type3A_72, %reduce_sum3A_73 [1] : vector<32x128xf32> to vector<32xf32>
    %broadcast_in_dim3A_75 = vector.shape_cast %reduce_sum3A_74 : vector<32xf32> to vector<32x1xf32>
    %eq3A_76 = arith.constant 3 : i32
    %eq3A_77 = vector.broadcast %eq3A_76 : i32 to vector<32x128xi32>
    %eq3A_78 = arith.cmpi eq, %iota3A_13, %eq3A_77 : vector<32x128xi32>
    %jit3A_79 = arith.constant 1.000000e+00 : f32
    %jit3A_80 = arith.constant 0.000000e+00 : f32
    %broadcast_in_dim3A_81 = vector.broadcast %jit3A_79 : f32 to vector<32x128xf32>
    %broadcast_in_dim3A_82 = vector.broadcast %jit3A_80 : f32 to vector<32x128xf32>
    %select_n3A_83 = arith.select %eq3A_78, %broadcast_in_dim3A_81, %broadcast_in_dim3A_82 : vector<32x128xi1>, vector<32x128xf32>
    %mul3A_84 = vector.broadcast %broadcast_in_dim3A_75 : vector<32x1xf32> to vector<32x128xf32>
    %mul3A_85 = arith.mulf %mul3A_84, %select_n3A_83 : vector<32x128xf32>
    %add3A_86 = arith.addf %add3A_67, %mul3A_85 : vector<32x128xf32>
    %eq3A_87 = arith.constant 4 : i32
    %eq3A_88 = vector.broadcast %eq3A_87 : i32 to vector<32x128xi32>
    %eq3A_89 = arith.cmpi eq, %get3A_1, %eq3A_88 : vector<32x128xi32>
    %convert_element_type3A_90 = arith.extui %eq3A_89 : vector<32x128xi1> to vector<32x128xi32>
    %convert_element_type3A_91 = arith.sitofp %convert_element_type3A_90 : vector<32x128xi32> to vector<32x128xf32>
    %reduce_sum3A_92 = arith.constant dense<0.000000e+00> : vector<32xf32>
    %reduce_sum3A_93 = vector.multi_reduction <add>, %convert_element_type3A_91, %reduce_sum3A_92 [1] : vector<32x128xf32> to vector<32xf32>
    %broadcast_in_dim3A_94 = vector.shape_cast %reduce_sum3A_93 : vector<32xf32> to vector<32x1xf32>
    %eq3A_95 = arith.constant 4 : i32
    %eq3A_96 = vector.broadcast %eq3A_95 : i32 to vector<32x128xi32>
    %eq3A_97 = arith.cmpi eq, %iota3A_13, %eq3A_96 : vector<32x128xi32>
    %jit3A_98 = arith.constant 1.000000e+00 : f32
    %jit3A_99 = arith.constant 0.000000e+00 : f32
    %broadcast_in_dim3A_100 = vector.broadcast %jit3A_98 : f32 to vector<32x128xf32>
    %broadcast_in_dim3A_101 = vector.broadcast %jit3A_99 : f32 to vector<32x128xf32>
    %select_n3A_102 = arith.select %eq3A_97, %broadcast_in_dim3A_100, %broadcast_in_dim3A_101 : vector<32x128xi1>, vector<32x128xf32>
    %mul3A_103 = vector.broadcast %broadcast_in_dim3A_94 : vector<32x1xf32> to vector<32x128xf32>
    %mul3A_104 = arith.mulf %mul3A_103, %select_n3A_102 : vector<32x128xf32>
    %add3A_105 = arith.addf %add3A_86, %mul3A_104 : vector<32x128xf32>
    %eq3A_106 = arith.constant 5 : i32
    %eq3A_107 = vector.broadcast %eq3A_106 : i32 to vector<32x128xi32>
    %eq3A_108 = arith.cmpi eq, %get3A_1, %eq3A_107 : vector<32x128xi32>
    %convert_element_type3A_109 = arith.extui %eq3A_108 : vector<32x128xi1> to vector<32x128xi32>
    %convert_element_type3A_110 = arith.sitofp %convert_element_type3A_109 : vector<32x128xi32> to vector<32x128xf32>
    %reduce_sum3A_111 = arith.constant dense<0.000000e+00> : vector<32xf32>
    %reduce_sum3A_112 = vector.multi_reduction <add>, %convert_element_type3A_110, %reduce_sum3A_111 [1] : vector<32x128xf32> to vector<32xf32>
    %broadcast_in_dim3A_113 = vector.shape_cast %reduce_sum3A_112 : vector<32xf32> to vector<32x1xf32>
    %eq3A_114 = arith.constant 5 : i32
    %eq3A_115 = vector.broadcast %eq3A_114 : i32 to vector<32x128xi32>
    %eq3A_116 = arith.cmpi eq, %iota3A_13, %eq3A_115 : vector<32x128xi32>
    %jit3A_117 = arith.constant 1.000000e+00 : f32
    %jit3A_118 = arith.constant 0.000000e+00 : f32
    %broadcast_in_dim3A_119 = vector.broadcast %jit3A_117 : f32 to vector<32x128xf32>
    %broadcast_in_dim3A_120 = vector.broadcast %jit3A_118 : f32 to vector<32x128xf32>
    %select_n3A_121 = arith.select %eq3A_116, %broadcast_in_dim3A_119, %broadcast_in_dim3A_120 : vector<32x128xi1>, vector<32x128xf32>
    %mul3A_122 = vector.broadcast %broadcast_in_dim3A_113 : vector<32x1xf32> to vector<32x128xf32>
    %mul3A_123 = arith.mulf %mul3A_122, %select_n3A_121 : vector<32x128xf32>
    %add3A_124 = arith.addf %add3A_105, %mul3A_123 : vector<32x128xf32>
    %eq3A_125 = arith.constant 6 : i32
    %eq3A_126 = vector.broadcast %eq3A_125 : i32 to vector<32x128xi32>
    %eq3A_127 = arith.cmpi eq, %get3A_1, %eq3A_126 : vector<32x128xi32>
    %convert_element_type3A_128 = arith.extui %eq3A_127 : vector<32x128xi1> to vector<32x128xi32>
    %convert_element_type3A_129 = arith.sitofp %convert_element_type3A_128 : vector<32x128xi32> to vector<32x128xf32>
    %reduce_sum3A_130 = arith.constant dense<0.000000e+00> : vector<32xf32>
    %reduce_sum3A_131 = vector.multi_reduction <add>, %convert_element_type3A_129, %reduce_sum3A_130 [1] : vector<32x128xf32> to vector<32xf32>
    %broadcast_in_dim3A_132 = vector.shape_cast %reduce_sum3A_131 : vector<32xf32> to vector<32x1xf32>
    %eq3A_133 = arith.constant 6 : i32
    %eq3A_134 = vector.broadcast %eq3A_133 : i32 to vector<32x128xi32>
    %eq3A_135 = arith.cmpi eq, %iota3A_13, %eq3A_134 : vector<32x128xi32>
    %jit3A_136 = arith.constant 1.000000e+00 : f32
    %jit3A_137 = arith.constant 0.000000e+00 : f32
    %broadcast_in_dim3A_138 = vector.broadcast %jit3A_136 : f32 to vector<32x128xf32>
    %broadcast_in_dim3A_139 = vector.broadcast %jit3A_137 : f32 to vector<32x128xf32>
    %select_n3A_140 = arith.select %eq3A_135, %broadcast_in_dim3A_138, %broadcast_in_dim3A_139 : vector<32x128xi1>, vector<32x128xf32>
    %mul3A_141 = vector.broadcast %broadcast_in_dim3A_132 : vector<32x1xf32> to vector<32x128xf32>
    %mul3A_142 = arith.mulf %mul3A_141, %select_n3A_140 : vector<32x128xf32>
    %add3A_143 = arith.addf %add3A_124, %mul3A_142 : vector<32x128xf32>
    %eq3A_144 = arith.constant 7 : i32
    %eq3A_145 = vector.broadcast %eq3A_144 : i32 to vector<32x128xi32>
    %eq3A_146 = arith.cmpi eq, %get3A_1, %eq3A_145 : vector<32x128xi32>
    %convert_element_type3A_147 = arith.extui %eq3A_146 : vector<32x128xi1> to vector<32x128xi32>
    %convert_element_type3A_148 = arith.sitofp %convert_element_type3A_147 : vector<32x128xi32> to vector<32x128xf32>
    %reduce_sum3A_149 = arith.constant dense<0.000000e+00> : vector<32xf32>
    %reduce_sum3A_150 = vector.multi_reduction <add>, %convert_element_type3A_148, %reduce_sum3A_149 [1] : vector<32x128xf32> to vector<32xf32>
    %broadcast_in_dim3A_151 = vector.shape_cast %reduce_sum3A_150 : vector<32xf32> to vector<32x1xf32>
    %eq3A_152 = arith.constant 7 : i32
    %eq3A_153 = vector.broadcast %eq3A_152 : i32 to vector<32x128xi32>
    %eq3A_154 = arith.cmpi eq, %iota3A_13, %eq3A_153 : vector<32x128xi32>
    %jit3A_155 = arith.constant 1.000000e+00 : f32
    %jit3A_156 = arith.constant 0.000000e+00 : f32
    %broadcast_in_dim3A_157 = vector.broadcast %jit3A_155 : f32 to vector<32x128xf32>
    %broadcast_in_dim3A_158 = vector.broadcast %jit3A_156 : f32 to vector<32x128xf32>
    %select_n3A_159 = arith.select %eq3A_154, %broadcast_in_dim3A_157, %broadcast_in_dim3A_158 : vector<32x128xi1>, vector<32x128xf32>
    %mul3A_160 = vector.broadcast %broadcast_in_dim3A_151 : vector<32x1xf32> to vector<32x128xf32>
    %mul3A_161 = arith.mulf %mul3A_160, %select_n3A_159 : vector<32x128xf32>
    %add3A_162 = arith.addf %add3A_143, %mul3A_161 : vector<32x128xf32>
    %dot_general3A = arith.constant dense<0.000000e+00> : vector<32x128xf32>
    %dot_general3A_163 = tpu.matmul %select_n3A, %add3A_162, %dot_general3A {dimension_numbers = #tpu.dot_dimension_numbers<[1], [0], [0], [1], [0, 0, 1, 1], [], []>, transpose_lhs_hint = false} : vector<32x32xf32>, vector<32x128xf32>, vector<32x128xf32> -> vector<32x128xf32>
    %reduce_sum3A_164 = arith.constant dense<0.000000e+00> : vector<128xf32>
    %reduce_sum3A_165 = vector.multi_reduction <add>, %add3A_162, %reduce_sum3A_164 [0] : vector<32x128xf32> to vector<128xf32>
    %broadcast_in_dim3A_166 = vector.shape_cast %reduce_sum3A_165 : vector<128xf32> to vector<1x128xf32>
    %iota3A_167 = tpu.iota {dimensions = array<i32: 1>} : vector<1x128xi32>
    %broadcast_in_dim3A_168 = arith.constant 0.000000e+00 : f32
    %broadcast_in_dim3A_169 = vector.broadcast %broadcast_in_dim3A_168 : f32 to vector<1x128xf32>
    %broadcast_in_dim3A_170 = arith.constant 0.000000e+00 : f32
    %broadcast_in_dim3A_171 = vector.broadcast %broadcast_in_dim3A_170 : f32 to vector<1x1xf32>
    %eq3A_172 = arith.constant 0 : i32
    %eq3A_173 = vector.broadcast %eq3A_172 : i32 to vector<1x128xi32>
    %eq3A_174 = arith.cmpi eq, %iota3A_167, %eq3A_173 : vector<1x128xi32>
    %jit3A_175 = arith.constant 0.000000e+00 : f32
    %broadcast_in_dim3A_176 = vector.shape_cast %broadcast_in_dim3A_171 : vector<1x1xf32> to vector<1x1xf32>
    %broadcast_in_dim3A_177 = vector.broadcast %broadcast_in_dim3A_176 : vector<1x1xf32> to vector<1x128xf32>
    %broadcast_in_dim3A_178 = vector.broadcast %jit3A_175 : f32 to vector<1x128xf32>
    %select_n3A_179 = arith.select %eq3A_174, %broadcast_in_dim3A_177, %broadcast_in_dim3A_178 : vector<1x128xi1>, vector<1x128xf32>
    %add3A_180 = arith.addf %broadcast_in_dim3A_169, %select_n3A_179 : vector<1x128xf32>
    %eq3A_181 = arith.constant 0 : i32
    %eq3A_182 = vector.broadcast %eq3A_181 : i32 to vector<1x128xi32>
    %eq3A_183 = arith.cmpi eq, %iota3A_167, %eq3A_182 : vector<1x128xi32>
    %jit3A_184 = arith.constant 0.000000e+00 : f32
    %broadcast_in_dim3A_185 = vector.broadcast %jit3A_184 : f32 to vector<1x128xf32>
    %select_n3A_186 = arith.select %eq3A_183, %broadcast_in_dim3A_166, %broadcast_in_dim3A_185 : vector<1x128xi1>, vector<1x128xf32>
    %reduce_sum3A_187 = arith.constant dense<0.000000e+00> : vector<1xf32>
    %reduce_sum3A_188 = vector.multi_reduction <add>, %select_n3A_186, %reduce_sum3A_187 [1] : vector<1x128xf32> to vector<1xf32>
    %broadcast_in_dim3A_189 = vector.shape_cast %reduce_sum3A_188 : vector<1xf32> to vector<1x1xf32>
    %add3A_190 = arith.addf %broadcast_in_dim3A_171, %broadcast_in_dim3A_189 : vector<1x1xf32>
    %eq3A_191 = arith.constant 1 : i32
    %eq3A_192 = vector.broadcast %eq3A_191 : i32 to vector<1x128xi32>
    %eq3A_193 = arith.cmpi eq, %iota3A_167, %eq3A_192 : vector<1x128xi32>
    %jit3A_194 = arith.constant 0.000000e+00 : f32
    %broadcast_in_dim3A_195 = vector.shape_cast %add3A_190 : vector<1x1xf32> to vector<1x1xf32>
    %broadcast_in_dim3A_196 = vector.broadcast %broadcast_in_dim3A_195 : vector<1x1xf32> to vector<1x128xf32>
    %broadcast_in_dim3A_197 = vector.broadcast %jit3A_194 : f32 to vector<1x128xf32>
    %select_n3A_198 = arith.select %eq3A_193, %broadcast_in_dim3A_196, %broadcast_in_dim3A_197 : vector<1x128xi1>, vector<1x128xf32>
    %add3A_199 = arith.addf %add3A_180, %select_n3A_198 : vector<1x128xf32>
    %eq3A_200 = arith.constant 1 : i32
    %eq3A_201 = vector.broadcast %eq3A_200 : i32 to vector<1x128xi32>
    %eq3A_202 = arith.cmpi eq, %iota3A_167, %eq3A_201 : vector<1x128xi32>
    %jit3A_203 = arith.constant 0.000000e+00 : f32
    %broadcast_in_dim3A_204 = vector.broadcast %jit3A_203 : f32 to vector<1x128xf32>
    %select_n3A_205 = arith.select %eq3A_202, %broadcast_in_dim3A_166, %broadcast_in_dim3A_204 : vector<1x128xi1>, vector<1x128xf32>
    %reduce_sum3A_206 = arith.constant dense<0.000000e+00> : vector<1xf32>
    %reduce_sum3A_207 = vector.multi_reduction <add>, %select_n3A_205, %reduce_sum3A_206 [1] : vector<1x128xf32> to vector<1xf32>
    %broadcast_in_dim3A_208 = vector.shape_cast %reduce_sum3A_207 : vector<1xf32> to vector<1x1xf32>
    %add3A_209 = arith.addf %add3A_190, %broadcast_in_dim3A_208 : vector<1x1xf32>
    %eq3A_210 = arith.constant 2 : i32
    %eq3A_211 = vector.broadcast %eq3A_210 : i32 to vector<1x128xi32>
    %eq3A_212 = arith.cmpi eq, %iota3A_167, %eq3A_211 : vector<1x128xi32>
    %jit3A_213 = arith.constant 0.000000e+00 : f32
    %broadcast_in_dim3A_214 = vector.shape_cast %add3A_209 : vector<1x1xf32> to vector<1x1xf32>
    %broadcast_in_dim3A_215 = vector.broadcast %broadcast_in_dim3A_214 : vector<1x1xf32> to vector<1x128xf32>
    %broadcast_in_dim3A_216 = vector.broadcast %jit3A_213 : f32 to vector<1x128xf32>
    %select_n3A_217 = arith.select %eq3A_212, %broadcast_in_dim3A_215, %broadcast_in_dim3A_216 : vector<1x128xi1>, vector<1x128xf32>
    %add3A_218 = arith.addf %add3A_199, %select_n3A_217 : vector<1x128xf32>
    %eq3A_219 = arith.constant 2 : i32
    %eq3A_220 = vector.broadcast %eq3A_219 : i32 to vector<1x128xi32>
    %eq3A_221 = arith.cmpi eq, %iota3A_167, %eq3A_220 : vector<1x128xi32>
    %jit3A_222 = arith.constant 0.000000e+00 : f32
    %broadcast_in_dim3A_223 = vector.broadcast %jit3A_222 : f32 to vector<1x128xf32>
    %select_n3A_224 = arith.select %eq3A_221, %broadcast_in_dim3A_166, %broadcast_in_dim3A_223 : vector<1x128xi1>, vector<1x128xf32>
    %reduce_sum3A_225 = arith.constant dense<0.000000e+00> : vector<1xf32>
    %reduce_sum3A_226 = vector.multi_reduction <add>, %select_n3A_224, %reduce_sum3A_225 [1] : vector<1x128xf32> to vector<1xf32>
    %broadcast_in_dim3A_227 = vector.shape_cast %reduce_sum3A_226 : vector<1xf32> to vector<1x1xf32>
    %add3A_228 = arith.addf %add3A_209, %broadcast_in_dim3A_227 : vector<1x1xf32>
    %eq3A_229 = arith.constant 3 : i32
    %eq3A_230 = vector.broadcast %eq3A_229 : i32 to vector<1x128xi32>
    %eq3A_231 = arith.cmpi eq, %iota3A_167, %eq3A_230 : vector<1x128xi32>
    %jit3A_232 = arith.constant 0.000000e+00 : f32
    %broadcast_in_dim3A_233 = vector.shape_cast %add3A_228 : vector<1x1xf32> to vector<1x1xf32>
    %broadcast_in_dim3A_234 = vector.broadcast %broadcast_in_dim3A_233 : vector<1x1xf32> to vector<1x128xf32>
    %broadcast_in_dim3A_235 = vector.broadcast %jit3A_232 : f32 to vector<1x128xf32>
    %select_n3A_236 = arith.select %eq3A_231, %broadcast_in_dim3A_234, %broadcast_in_dim3A_235 : vector<1x128xi1>, vector<1x128xf32>
    %add3A_237 = arith.addf %add3A_218, %select_n3A_236 : vector<1x128xf32>
    %eq3A_238 = arith.constant 3 : i32
    %eq3A_239 = vector.broadcast %eq3A_238 : i32 to vector<1x128xi32>
    %eq3A_240 = arith.cmpi eq, %iota3A_167, %eq3A_239 : vector<1x128xi32>
    %jit3A_241 = arith.constant 0.000000e+00 : f32
    %broadcast_in_dim3A_242 = vector.broadcast %jit3A_241 : f32 to vector<1x128xf32>
    %select_n3A_243 = arith.select %eq3A_240, %broadcast_in_dim3A_166, %broadcast_in_dim3A_242 : vector<1x128xi1>, vector<1x128xf32>
    %reduce_sum3A_244 = arith.constant dense<0.000000e+00> : vector<1xf32>
    %reduce_sum3A_245 = vector.multi_reduction <add>, %select_n3A_243, %reduce_sum3A_244 [1] : vector<1x128xf32> to vector<1xf32>
    %broadcast_in_dim3A_246 = vector.shape_cast %reduce_sum3A_245 : vector<1xf32> to vector<1x1xf32>
    %add3A_247 = arith.addf %add3A_228, %broadcast_in_dim3A_246 : vector<1x1xf32>
    %eq3A_248 = arith.constant 4 : i32
    %eq3A_249 = vector.broadcast %eq3A_248 : i32 to vector<1x128xi32>
    %eq3A_250 = arith.cmpi eq, %iota3A_167, %eq3A_249 : vector<1x128xi32>
    %jit3A_251 = arith.constant 0.000000e+00 : f32
    %broadcast_in_dim3A_252 = vector.shape_cast %add3A_247 : vector<1x1xf32> to vector<1x1xf32>
    %broadcast_in_dim3A_253 = vector.broadcast %broadcast_in_dim3A_252 : vector<1x1xf32> to vector<1x128xf32>
    %broadcast_in_dim3A_254 = vector.broadcast %jit3A_251 : f32 to vector<1x128xf32>
    %select_n3A_255 = arith.select %eq3A_250, %broadcast_in_dim3A_253, %broadcast_in_dim3A_254 : vector<1x128xi1>, vector<1x128xf32>
    %add3A_256 = arith.addf %add3A_237, %select_n3A_255 : vector<1x128xf32>
    %eq3A_257 = arith.constant 4 : i32
    %eq3A_258 = vector.broadcast %eq3A_257 : i32 to vector<1x128xi32>
    %eq3A_259 = arith.cmpi eq, %iota3A_167, %eq3A_258 : vector<1x128xi32>
    %jit3A_260 = arith.constant 0.000000e+00 : f32
    %broadcast_in_dim3A_261 = vector.broadcast %jit3A_260 : f32 to vector<1x128xf32>
    %select_n3A_262 = arith.select %eq3A_259, %broadcast_in_dim3A_166, %broadcast_in_dim3A_261 : vector<1x128xi1>, vector<1x128xf32>
    %reduce_sum3A_263 = arith.constant dense<0.000000e+00> : vector<1xf32>
    %reduce_sum3A_264 = vector.multi_reduction <add>, %select_n3A_262, %reduce_sum3A_263 [1] : vector<1x128xf32> to vector<1xf32>
    %broadcast_in_dim3A_265 = vector.shape_cast %reduce_sum3A_264 : vector<1xf32> to vector<1x1xf32>
    %add3A_266 = arith.addf %add3A_247, %broadcast_in_dim3A_265 : vector<1x1xf32>
    %eq3A_267 = arith.constant 5 : i32
    %eq3A_268 = vector.broadcast %eq3A_267 : i32 to vector<1x128xi32>
    %eq3A_269 = arith.cmpi eq, %iota3A_167, %eq3A_268 : vector<1x128xi32>
    %jit3A_270 = arith.constant 0.000000e+00 : f32
    %broadcast_in_dim3A_271 = vector.shape_cast %add3A_266 : vector<1x1xf32> to vector<1x1xf32>
    %broadcast_in_dim3A_272 = vector.broadcast %broadcast_in_dim3A_271 : vector<1x1xf32> to vector<1x128xf32>
    %broadcast_in_dim3A_273 = vector.broadcast %jit3A_270 : f32 to vector<1x128xf32>
    %select_n3A_274 = arith.select %eq3A_269, %broadcast_in_dim3A_272, %broadcast_in_dim3A_273 : vector<1x128xi1>, vector<1x128xf32>
    %add3A_275 = arith.addf %add3A_256, %select_n3A_274 : vector<1x128xf32>
    %eq3A_276 = arith.constant 5 : i32
    %eq3A_277 = vector.broadcast %eq3A_276 : i32 to vector<1x128xi32>
    %eq3A_278 = arith.cmpi eq, %iota3A_167, %eq3A_277 : vector<1x128xi32>
    %jit3A_279 = arith.constant 0.000000e+00 : f32
    %broadcast_in_dim3A_280 = vector.broadcast %jit3A_279 : f32 to vector<1x128xf32>
    %select_n3A_281 = arith.select %eq3A_278, %broadcast_in_dim3A_166, %broadcast_in_dim3A_280 : vector<1x128xi1>, vector<1x128xf32>
    %reduce_sum3A_282 = arith.constant dense<0.000000e+00> : vector<1xf32>
    %reduce_sum3A_283 = vector.multi_reduction <add>, %select_n3A_281, %reduce_sum3A_282 [1] : vector<1x128xf32> to vector<1xf32>
    %broadcast_in_dim3A_284 = vector.shape_cast %reduce_sum3A_283 : vector<1xf32> to vector<1x1xf32>
    %add3A_285 = arith.addf %add3A_266, %broadcast_in_dim3A_284 : vector<1x1xf32>
    %eq3A_286 = arith.constant 6 : i32
    %eq3A_287 = vector.broadcast %eq3A_286 : i32 to vector<1x128xi32>
    %eq3A_288 = arith.cmpi eq, %iota3A_167, %eq3A_287 : vector<1x128xi32>
    %jit3A_289 = arith.constant 0.000000e+00 : f32
    %broadcast_in_dim3A_290 = vector.shape_cast %add3A_285 : vector<1x1xf32> to vector<1x1xf32>
    %broadcast_in_dim3A_291 = vector.broadcast %broadcast_in_dim3A_290 : vector<1x1xf32> to vector<1x128xf32>
    %broadcast_in_dim3A_292 = vector.broadcast %jit3A_289 : f32 to vector<1x128xf32>
    %select_n3A_293 = arith.select %eq3A_288, %broadcast_in_dim3A_291, %broadcast_in_dim3A_292 : vector<1x128xi1>, vector<1x128xf32>
    %add3A_294 = arith.addf %add3A_275, %select_n3A_293 : vector<1x128xf32>
    %eq3A_295 = arith.constant 6 : i32
    %eq3A_296 = vector.broadcast %eq3A_295 : i32 to vector<1x128xi32>
    %eq3A_297 = arith.cmpi eq, %iota3A_167, %eq3A_296 : vector<1x128xi32>
    %jit3A_298 = arith.constant 0.000000e+00 : f32
    %broadcast_in_dim3A_299 = vector.broadcast %jit3A_298 : f32 to vector<1x128xf32>
    %select_n3A_300 = arith.select %eq3A_297, %broadcast_in_dim3A_166, %broadcast_in_dim3A_299 : vector<1x128xi1>, vector<1x128xf32>
    %reduce_sum3A_301 = arith.constant dense<0.000000e+00> : vector<1xf32>
    %reduce_sum3A_302 = vector.multi_reduction <add>, %select_n3A_300, %reduce_sum3A_301 [1] : vector<1x128xf32> to vector<1xf32>
    %broadcast_in_dim3A_303 = vector.shape_cast %reduce_sum3A_302 : vector<1xf32> to vector<1x1xf32>
    %add3A_304 = arith.addf %add3A_285, %broadcast_in_dim3A_303 : vector<1x1xf32>
    %eq3A_305 = arith.constant 7 : i32
    %eq3A_306 = vector.broadcast %eq3A_305 : i32 to vector<1x128xi32>
    %eq3A_307 = arith.cmpi eq, %iota3A_167, %eq3A_306 : vector<1x128xi32>
    %jit3A_308 = arith.constant 0.000000e+00 : f32
    %broadcast_in_dim3A_309 = vector.shape_cast %add3A_304 : vector<1x1xf32> to vector<1x1xf32>
    %broadcast_in_dim3A_310 = vector.broadcast %broadcast_in_dim3A_309 : vector<1x1xf32> to vector<1x128xf32>
    %broadcast_in_dim3A_311 = vector.broadcast %jit3A_308 : f32 to vector<1x128xf32>
    %select_n3A_312 = arith.select %eq3A_307, %broadcast_in_dim3A_310, %broadcast_in_dim3A_311 : vector<1x128xi1>, vector<1x128xf32>
    %add3A_313 = arith.addf %add3A_294, %select_n3A_312 : vector<1x128xf32>
    %broadcast_in_dim3A_314 = arith.constant 0.000000e+00 : f32
    %broadcast_in_dim3A_315 = vector.broadcast %broadcast_in_dim3A_314 : f32 to vector<32x128xf32>
    %eq3A_316 = arith.constant 0 : i32
    %eq3A_317 = vector.broadcast %eq3A_316 : i32 to vector<32x128xi32>
    %eq3A_318 = arith.cmpi eq, %get3A_1, %eq3A_317 : vector<32x128xi32>
    %convert_element_type3A_319 = arith.extui %eq3A_318 : vector<32x128xi1> to vector<32x128xi32>
    %convert_element_type3A_320 = arith.sitofp %convert_element_type3A_319 : vector<32x128xi32> to vector<32x128xf32>
    %dot_general3A_321 = arith.constant dense<0.000000e+00> : vector<32x128xf32>
    %dot_general3A_322 = tpu.matmul %convert_element_type3A_320, %select_n3A_12, %dot_general3A_321 {dimension_numbers = #tpu.dot_dimension_numbers<[1], [0], [0], [1], [0, 0, 1, 1], [], []>, transpose_lhs_hint = false} : vector<32x128xf32>, vector<128x128xf32>, vector<32x128xf32> -> vector<32x128xf32>
    %eq3A_323 = arith.constant 0 : i32
    %eq3A_324 = vector.broadcast %eq3A_323 : i32 to vector<32x128xi32>
    %eq3A_325 = arith.cmpi eq, %iota3A_13, %eq3A_324 : vector<32x128xi32>
    %jit3A_326 = arith.constant 0.000000e+00 : f32
    %broadcast_in_dim3A_327 = vector.broadcast %jit3A_326 : f32 to vector<32x128xf32>
    %select_n3A_328 = arith.select %eq3A_325, %dot_general3A_163, %broadcast_in_dim3A_327 : vector<32x128xi1>, vector<32x128xf32>
    %reduce_sum3A_329 = arith.constant dense<0.000000e+00> : vector<32xf32>
    %reduce_sum3A_330 = vector.multi_reduction <add>, %select_n3A_328, %reduce_sum3A_329 [1] : vector<32x128xf32> to vector<32xf32>
    %broadcast_in_dim3A_331 = vector.shape_cast %reduce_sum3A_330 : vector<32xf32> to vector<32x1xf32>
    %eq3A_332 = arith.constant 0 : i32
    %eq3A_333 = vector.broadcast %eq3A_332 : i32 to vector<1x128xi32>
    %eq3A_334 = arith.cmpi eq, %iota3A_167, %eq3A_333 : vector<1x128xi32>
    %jit3A_335 = arith.constant 0.000000e+00 : f32
    %broadcast_in_dim3A_336 = vector.broadcast %jit3A_335 : f32 to vector<1x128xf32>
    %select_n3A_337 = arith.select %eq3A_334, %add3A_313, %broadcast_in_dim3A_336 : vector<1x128xi1>, vector<1x128xf32>
    %reduce_sum3A_338 = arith.constant dense<0.000000e+00> : vector<1xf32>
    %reduce_sum3A_339 = vector.multi_reduction <add>, %select_n3A_337, %reduce_sum3A_338 [1] : vector<1x128xf32> to vector<1xf32>
    %broadcast_in_dim3A_340 = vector.shape_cast %reduce_sum3A_339 : vector<1xf32> to vector<1x1xf32>
    %add3A_341 = vector.broadcast %broadcast_in_dim3A_331 : vector<32x1xf32> to vector<32x128xf32>
    %add3A_342 = arith.addf %dot_general3A_322, %add3A_341 : vector<32x128xf32>
    %add3A_343 = vector.broadcast %broadcast_in_dim3A_340 : vector<1x1xf32> to vector<32x128xf32>
    %add3A_344 = arith.addf %add3A_342, %add3A_343 : vector<32x128xf32>
    %mul3A_345 = arith.mulf %convert_element_type3A_320, %add3A_344 : vector<32x128xf32>
    %add3A_346 = arith.addf %broadcast_in_dim3A_315, %mul3A_345 : vector<32x128xf32>
    %eq3A_347 = arith.constant 1 : i32
    %eq3A_348 = vector.broadcast %eq3A_347 : i32 to vector<32x128xi32>
    %eq3A_349 = arith.cmpi eq, %get3A_1, %eq3A_348 : vector<32x128xi32>
    %convert_element_type3A_350 = arith.extui %eq3A_349 : vector<32x128xi1> to vector<32x128xi32>
    %convert_element_type3A_351 = arith.sitofp %convert_element_type3A_350 : vector<32x128xi32> to vector<32x128xf32>
    %dot_general3A_352 = arith.constant dense<0.000000e+00> : vector<32x128xf32>
    %dot_general3A_353 = tpu.matmul %convert_element_type3A_351, %select_n3A_12, %dot_general3A_352 {dimension_numbers = #tpu.dot_dimension_numbers<[1], [0], [0], [1], [0, 0, 1, 1], [], []>, transpose_lhs_hint = false} : vector<32x128xf32>, vector<128x128xf32>, vector<32x128xf32> -> vector<32x128xf32>
    %eq3A_354 = arith.constant 1 : i32
    %eq3A_355 = vector.broadcast %eq3A_354 : i32 to vector<32x128xi32>
    %eq3A_356 = arith.cmpi eq, %iota3A_13, %eq3A_355 : vector<32x128xi32>
    %jit3A_357 = arith.constant 0.000000e+00 : f32
    %broadcast_in_dim3A_358 = vector.broadcast %jit3A_357 : f32 to vector<32x128xf32>
    %select_n3A_359 = arith.select %eq3A_356, %dot_general3A_163, %broadcast_in_dim3A_358 : vector<32x128xi1>, vector<32x128xf32>
    %reduce_sum3A_360 = arith.constant dense<0.000000e+00> : vector<32xf32>
    %reduce_sum3A_361 = vector.multi_reduction <add>, %select_n3A_359, %reduce_sum3A_360 [1] : vector<32x128xf32> to vector<32xf32>
    %broadcast_in_dim3A_362 = vector.shape_cast %reduce_sum3A_361 : vector<32xf32> to vector<32x1xf32>
    %eq3A_363 = arith.constant 1 : i32
    %eq3A_364 = vector.broadcast %eq3A_363 : i32 to vector<1x128xi32>
    %eq3A_365 = arith.cmpi eq, %iota3A_167, %eq3A_364 : vector<1x128xi32>
    %jit3A_366 = arith.constant 0.000000e+00 : f32
    %broadcast_in_dim3A_367 = vector.broadcast %jit3A_366 : f32 to vector<1x128xf32>
    %select_n3A_368 = arith.select %eq3A_365, %add3A_313, %broadcast_in_dim3A_367 : vector<1x128xi1>, vector<1x128xf32>
    %reduce_sum3A_369 = arith.constant dense<0.000000e+00> : vector<1xf32>
    %reduce_sum3A_370 = vector.multi_reduction <add>, %select_n3A_368, %reduce_sum3A_369 [1] : vector<1x128xf32> to vector<1xf32>
    %broadcast_in_dim3A_371 = vector.shape_cast %reduce_sum3A_370 : vector<1xf32> to vector<1x1xf32>
    %add3A_372 = vector.broadcast %broadcast_in_dim3A_362 : vector<32x1xf32> to vector<32x128xf32>
    %add3A_373 = arith.addf %dot_general3A_353, %add3A_372 : vector<32x128xf32>
    %add3A_374 = vector.broadcast %broadcast_in_dim3A_371 : vector<1x1xf32> to vector<32x128xf32>
    %add3A_375 = arith.addf %add3A_373, %add3A_374 : vector<32x128xf32>
    %mul3A_376 = arith.mulf %convert_element_type3A_351, %add3A_375 : vector<32x128xf32>
    %add3A_377 = arith.addf %add3A_346, %mul3A_376 : vector<32x128xf32>
    %eq3A_378 = arith.constant 2 : i32
    %eq3A_379 = vector.broadcast %eq3A_378 : i32 to vector<32x128xi32>
    %eq3A_380 = arith.cmpi eq, %get3A_1, %eq3A_379 : vector<32x128xi32>
    %convert_element_type3A_381 = arith.extui %eq3A_380 : vector<32x128xi1> to vector<32x128xi32>
    %convert_element_type3A_382 = arith.sitofp %convert_element_type3A_381 : vector<32x128xi32> to vector<32x128xf32>
    %dot_general3A_383 = arith.constant dense<0.000000e+00> : vector<32x128xf32>
    %dot_general3A_384 = tpu.matmul %convert_element_type3A_382, %select_n3A_12, %dot_general3A_383 {dimension_numbers = #tpu.dot_dimension_numbers<[1], [0], [0], [1], [0, 0, 1, 1], [], []>, transpose_lhs_hint = false} : vector<32x128xf32>, vector<128x128xf32>, vector<32x128xf32> -> vector<32x128xf32>
    %eq3A_385 = arith.constant 2 : i32
    %eq3A_386 = vector.broadcast %eq3A_385 : i32 to vector<32x128xi32>
    %eq3A_387 = arith.cmpi eq, %iota3A_13, %eq3A_386 : vector<32x128xi32>
    %jit3A_388 = arith.constant 0.000000e+00 : f32
    %broadcast_in_dim3A_389 = vector.broadcast %jit3A_388 : f32 to vector<32x128xf32>
    %select_n3A_390 = arith.select %eq3A_387, %dot_general3A_163, %broadcast_in_dim3A_389 : vector<32x128xi1>, vector<32x128xf32>
    %reduce_sum3A_391 = arith.constant dense<0.000000e+00> : vector<32xf32>
    %reduce_sum3A_392 = vector.multi_reduction <add>, %select_n3A_390, %reduce_sum3A_391 [1] : vector<32x128xf32> to vector<32xf32>
    %broadcast_in_dim3A_393 = vector.shape_cast %reduce_sum3A_392 : vector<32xf32> to vector<32x1xf32>
    %eq3A_394 = arith.constant 2 : i32
    %eq3A_395 = vector.broadcast %eq3A_394 : i32 to vector<1x128xi32>
    %eq3A_396 = arith.cmpi eq, %iota3A_167, %eq3A_395 : vector<1x128xi32>
    %jit3A_397 = arith.constant 0.000000e+00 : f32
    %broadcast_in_dim3A_398 = vector.broadcast %jit3A_397 : f32 to vector<1x128xf32>
    %select_n3A_399 = arith.select %eq3A_396, %add3A_313, %broadcast_in_dim3A_398 : vector<1x128xi1>, vector<1x128xf32>
    %reduce_sum3A_400 = arith.constant dense<0.000000e+00> : vector<1xf32>
    %reduce_sum3A_401 = vector.multi_reduction <add>, %select_n3A_399, %reduce_sum3A_400 [1] : vector<1x128xf32> to vector<1xf32>
    %broadcast_in_dim3A_402 = vector.shape_cast %reduce_sum3A_401 : vector<1xf32> to vector<1x1xf32>
    %add3A_403 = vector.broadcast %broadcast_in_dim3A_393 : vector<32x1xf32> to vector<32x128xf32>
    %add3A_404 = arith.addf %dot_general3A_384, %add3A_403 : vector<32x128xf32>
    %add3A_405 = vector.broadcast %broadcast_in_dim3A_402 : vector<1x1xf32> to vector<32x128xf32>
    %add3A_406 = arith.addf %add3A_404, %add3A_405 : vector<32x128xf32>
    %mul3A_407 = arith.mulf %convert_element_type3A_382, %add3A_406 : vector<32x128xf32>
    %add3A_408 = arith.addf %add3A_377, %mul3A_407 : vector<32x128xf32>
    %eq3A_409 = arith.constant 3 : i32
    %eq3A_410 = vector.broadcast %eq3A_409 : i32 to vector<32x128xi32>
    %eq3A_411 = arith.cmpi eq, %get3A_1, %eq3A_410 : vector<32x128xi32>
    %convert_element_type3A_412 = arith.extui %eq3A_411 : vector<32x128xi1> to vector<32x128xi32>
    %convert_element_type3A_413 = arith.sitofp %convert_element_type3A_412 : vector<32x128xi32> to vector<32x128xf32>
    %dot_general3A_414 = arith.constant dense<0.000000e+00> : vector<32x128xf32>
    %dot_general3A_415 = tpu.matmul %convert_element_type3A_413, %select_n3A_12, %dot_general3A_414 {dimension_numbers = #tpu.dot_dimension_numbers<[1], [0], [0], [1], [0, 0, 1, 1], [], []>, transpose_lhs_hint = false} : vector<32x128xf32>, vector<128x128xf32>, vector<32x128xf32> -> vector<32x128xf32>
    %eq3A_416 = arith.constant 3 : i32
    %eq3A_417 = vector.broadcast %eq3A_416 : i32 to vector<32x128xi32>
    %eq3A_418 = arith.cmpi eq, %iota3A_13, %eq3A_417 : vector<32x128xi32>
    %jit3A_419 = arith.constant 0.000000e+00 : f32
    %broadcast_in_dim3A_420 = vector.broadcast %jit3A_419 : f32 to vector<32x128xf32>
    %select_n3A_421 = arith.select %eq3A_418, %dot_general3A_163, %broadcast_in_dim3A_420 : vector<32x128xi1>, vector<32x128xf32>
    %reduce_sum3A_422 = arith.constant dense<0.000000e+00> : vector<32xf32>
    %reduce_sum3A_423 = vector.multi_reduction <add>, %select_n3A_421, %reduce_sum3A_422 [1] : vector<32x128xf32> to vector<32xf32>
    %broadcast_in_dim3A_424 = vector.shape_cast %reduce_sum3A_423 : vector<32xf32> to vector<32x1xf32>
    %eq3A_425 = arith.constant 3 : i32
    %eq3A_426 = vector.broadcast %eq3A_425 : i32 to vector<1x128xi32>
    %eq3A_427 = arith.cmpi eq, %iota3A_167, %eq3A_426 : vector<1x128xi32>
    %jit3A_428 = arith.constant 0.000000e+00 : f32
    %broadcast_in_dim3A_429 = vector.broadcast %jit3A_428 : f32 to vector<1x128xf32>
    %select_n3A_430 = arith.select %eq3A_427, %add3A_313, %broadcast_in_dim3A_429 : vector<1x128xi1>, vector<1x128xf32>
    %reduce_sum3A_431 = arith.constant dense<0.000000e+00> : vector<1xf32>
    %reduce_sum3A_432 = vector.multi_reduction <add>, %select_n3A_430, %reduce_sum3A_431 [1] : vector<1x128xf32> to vector<1xf32>
    %broadcast_in_dim3A_433 = vector.shape_cast %reduce_sum3A_432 : vector<1xf32> to vector<1x1xf32>
    %add3A_434 = vector.broadcast %broadcast_in_dim3A_424 : vector<32x1xf32> to vector<32x128xf32>
    %add3A_435 = arith.addf %dot_general3A_415, %add3A_434 : vector<32x128xf32>
    %add3A_436 = vector.broadcast %broadcast_in_dim3A_433 : vector<1x1xf32> to vector<32x128xf32>
    %add3A_437 = arith.addf %add3A_435, %add3A_436 : vector<32x128xf32>
    %mul3A_438 = arith.mulf %convert_element_type3A_413, %add3A_437 : vector<32x128xf32>
    %add3A_439 = arith.addf %add3A_408, %mul3A_438 : vector<32x128xf32>
    %eq3A_440 = arith.constant 4 : i32
    %eq3A_441 = vector.broadcast %eq3A_440 : i32 to vector<32x128xi32>
    %eq3A_442 = arith.cmpi eq, %get3A_1, %eq3A_441 : vector<32x128xi32>
    %convert_element_type3A_443 = arith.extui %eq3A_442 : vector<32x128xi1> to vector<32x128xi32>
    %convert_element_type3A_444 = arith.sitofp %convert_element_type3A_443 : vector<32x128xi32> to vector<32x128xf32>
    %dot_general3A_445 = arith.constant dense<0.000000e+00> : vector<32x128xf32>
    %dot_general3A_446 = tpu.matmul %convert_element_type3A_444, %select_n3A_12, %dot_general3A_445 {dimension_numbers = #tpu.dot_dimension_numbers<[1], [0], [0], [1], [0, 0, 1, 1], [], []>, transpose_lhs_hint = false} : vector<32x128xf32>, vector<128x128xf32>, vector<32x128xf32> -> vector<32x128xf32>
    %eq3A_447 = arith.constant 4 : i32
    %eq3A_448 = vector.broadcast %eq3A_447 : i32 to vector<32x128xi32>
    %eq3A_449 = arith.cmpi eq, %iota3A_13, %eq3A_448 : vector<32x128xi32>
    %jit3A_450 = arith.constant 0.000000e+00 : f32
    %broadcast_in_dim3A_451 = vector.broadcast %jit3A_450 : f32 to vector<32x128xf32>
    %select_n3A_452 = arith.select %eq3A_449, %dot_general3A_163, %broadcast_in_dim3A_451 : vector<32x128xi1>, vector<32x128xf32>
    %reduce_sum3A_453 = arith.constant dense<0.000000e+00> : vector<32xf32>
    %reduce_sum3A_454 = vector.multi_reduction <add>, %select_n3A_452, %reduce_sum3A_453 [1] : vector<32x128xf32> to vector<32xf32>
    %broadcast_in_dim3A_455 = vector.shape_cast %reduce_sum3A_454 : vector<32xf32> to vector<32x1xf32>
    %eq3A_456 = arith.constant 4 : i32
    %eq3A_457 = vector.broadcast %eq3A_456 : i32 to vector<1x128xi32>
    %eq3A_458 = arith.cmpi eq, %iota3A_167, %eq3A_457 : vector<1x128xi32>
    %jit3A_459 = arith.constant 0.000000e+00 : f32
    %broadcast_in_dim3A_460 = vector.broadcast %jit3A_459 : f32 to vector<1x128xf32>
    %select_n3A_461 = arith.select %eq3A_458, %add3A_313, %broadcast_in_dim3A_460 : vector<1x128xi1>, vector<1x128xf32>
    %reduce_sum3A_462 = arith.constant dense<0.000000e+00> : vector<1xf32>
    %reduce_sum3A_463 = vector.multi_reduction <add>, %select_n3A_461, %reduce_sum3A_462 [1] : vector<1x128xf32> to vector<1xf32>
    %broadcast_in_dim3A_464 = vector.shape_cast %reduce_sum3A_463 : vector<1xf32> to vector<1x1xf32>
    %add3A_465 = vector.broadcast %broadcast_in_dim3A_455 : vector<32x1xf32> to vector<32x128xf32>
    %add3A_466 = arith.addf %dot_general3A_446, %add3A_465 : vector<32x128xf32>
    %add3A_467 = vector.broadcast %broadcast_in_dim3A_464 : vector<1x1xf32> to vector<32x128xf32>
    %add3A_468 = arith.addf %add3A_466, %add3A_467 : vector<32x128xf32>
    %mul3A_469 = arith.mulf %convert_element_type3A_444, %add3A_468 : vector<32x128xf32>
    %add3A_470 = arith.addf %add3A_439, %mul3A_469 : vector<32x128xf32>
    %eq3A_471 = arith.constant 5 : i32
    %eq3A_472 = vector.broadcast %eq3A_471 : i32 to vector<32x128xi32>
    %eq3A_473 = arith.cmpi eq, %get3A_1, %eq3A_472 : vector<32x128xi32>
    %convert_element_type3A_474 = arith.extui %eq3A_473 : vector<32x128xi1> to vector<32x128xi32>
    %convert_element_type3A_475 = arith.sitofp %convert_element_type3A_474 : vector<32x128xi32> to vector<32x128xf32>
    %dot_general3A_476 = arith.constant dense<0.000000e+00> : vector<32x128xf32>
    %dot_general3A_477 = tpu.matmul %convert_element_type3A_475, %select_n3A_12, %dot_general3A_476 {dimension_numbers = #tpu.dot_dimension_numbers<[1], [0], [0], [1], [0, 0, 1, 1], [], []>, transpose_lhs_hint = false} : vector<32x128xf32>, vector<128x128xf32>, vector<32x128xf32> -> vector<32x128xf32>
    %eq3A_478 = arith.constant 5 : i32
    %eq3A_479 = vector.broadcast %eq3A_478 : i32 to vector<32x128xi32>
    %eq3A_480 = arith.cmpi eq, %iota3A_13, %eq3A_479 : vector<32x128xi32>
    %jit3A_481 = arith.constant 0.000000e+00 : f32
    %broadcast_in_dim3A_482 = vector.broadcast %jit3A_481 : f32 to vector<32x128xf32>
    %select_n3A_483 = arith.select %eq3A_480, %dot_general3A_163, %broadcast_in_dim3A_482 : vector<32x128xi1>, vector<32x128xf32>
    %reduce_sum3A_484 = arith.constant dense<0.000000e+00> : vector<32xf32>
    %reduce_sum3A_485 = vector.multi_reduction <add>, %select_n3A_483, %reduce_sum3A_484 [1] : vector<32x128xf32> to vector<32xf32>
    %broadcast_in_dim3A_486 = vector.shape_cast %reduce_sum3A_485 : vector<32xf32> to vector<32x1xf32>
    %eq3A_487 = arith.constant 5 : i32
    %eq3A_488 = vector.broadcast %eq3A_487 : i32 to vector<1x128xi32>
    %eq3A_489 = arith.cmpi eq, %iota3A_167, %eq3A_488 : vector<1x128xi32>
    %jit3A_490 = arith.constant 0.000000e+00 : f32
    %broadcast_in_dim3A_491 = vector.broadcast %jit3A_490 : f32 to vector<1x128xf32>
    %select_n3A_492 = arith.select %eq3A_489, %add3A_313, %broadcast_in_dim3A_491 : vector<1x128xi1>, vector<1x128xf32>
    %reduce_sum3A_493 = arith.constant dense<0.000000e+00> : vector<1xf32>
    %reduce_sum3A_494 = vector.multi_reduction <add>, %select_n3A_492, %reduce_sum3A_493 [1] : vector<1x128xf32> to vector<1xf32>
    %broadcast_in_dim3A_495 = vector.shape_cast %reduce_sum3A_494 : vector<1xf32> to vector<1x1xf32>
    %add3A_496 = vector.broadcast %broadcast_in_dim3A_486 : vector<32x1xf32> to vector<32x128xf32>
    %add3A_497 = arith.addf %dot_general3A_477, %add3A_496 : vector<32x128xf32>
    %add3A_498 = vector.broadcast %broadcast_in_dim3A_495 : vector<1x1xf32> to vector<32x128xf32>
    %add3A_499 = arith.addf %add3A_497, %add3A_498 : vector<32x128xf32>
    %mul3A_500 = arith.mulf %convert_element_type3A_475, %add3A_499 : vector<32x128xf32>
    %add3A_501 = arith.addf %add3A_470, %mul3A_500 : vector<32x128xf32>
    %eq3A_502 = arith.constant 6 : i32
    %eq3A_503 = vector.broadcast %eq3A_502 : i32 to vector<32x128xi32>
    %eq3A_504 = arith.cmpi eq, %get3A_1, %eq3A_503 : vector<32x128xi32>
    %convert_element_type3A_505 = arith.extui %eq3A_504 : vector<32x128xi1> to vector<32x128xi32>
    %convert_element_type3A_506 = arith.sitofp %convert_element_type3A_505 : vector<32x128xi32> to vector<32x128xf32>
    %dot_general3A_507 = arith.constant dense<0.000000e+00> : vector<32x128xf32>
    %dot_general3A_508 = tpu.matmul %convert_element_type3A_506, %select_n3A_12, %dot_general3A_507 {dimension_numbers = #tpu.dot_dimension_numbers<[1], [0], [0], [1], [0, 0, 1, 1], [], []>, transpose_lhs_hint = false} : vector<32x128xf32>, vector<128x128xf32>, vector<32x128xf32> -> vector<32x128xf32>
    %eq3A_509 = arith.constant 6 : i32
    %eq3A_510 = vector.broadcast %eq3A_509 : i32 to vector<32x128xi32>
    %eq3A_511 = arith.cmpi eq, %iota3A_13, %eq3A_510 : vector<32x128xi32>
    %jit3A_512 = arith.constant 0.000000e+00 : f32
    %broadcast_in_dim3A_513 = vector.broadcast %jit3A_512 : f32 to vector<32x128xf32>
    %select_n3A_514 = arith.select %eq3A_511, %dot_general3A_163, %broadcast_in_dim3A_513 : vector<32x128xi1>, vector<32x128xf32>
    %reduce_sum3A_515 = arith.constant dense<0.000000e+00> : vector<32xf32>
    %reduce_sum3A_516 = vector.multi_reduction <add>, %select_n3A_514, %reduce_sum3A_515 [1] : vector<32x128xf32> to vector<32xf32>
    %broadcast_in_dim3A_517 = vector.shape_cast %reduce_sum3A_516 : vector<32xf32> to vector<32x1xf32>
    %eq3A_518 = arith.constant 6 : i32
    %eq3A_519 = vector.broadcast %eq3A_518 : i32 to vector<1x128xi32>
    %eq3A_520 = arith.cmpi eq, %iota3A_167, %eq3A_519 : vector<1x128xi32>
    %jit3A_521 = arith.constant 0.000000e+00 : f32
    %broadcast_in_dim3A_522 = vector.broadcast %jit3A_521 : f32 to vector<1x128xf32>
    %select_n3A_523 = arith.select %eq3A_520, %add3A_313, %broadcast_in_dim3A_522 : vector<1x128xi1>, vector<1x128xf32>
    %reduce_sum3A_524 = arith.constant dense<0.000000e+00> : vector<1xf32>
    %reduce_sum3A_525 = vector.multi_reduction <add>, %select_n3A_523, %reduce_sum3A_524 [1] : vector<1x128xf32> to vector<1xf32>
    %broadcast_in_dim3A_526 = vector.shape_cast %reduce_sum3A_525 : vector<1xf32> to vector<1x1xf32>
    %add3A_527 = vector.broadcast %broadcast_in_dim3A_517 : vector<32x1xf32> to vector<32x128xf32>
    %add3A_528 = arith.addf %dot_general3A_508, %add3A_527 : vector<32x128xf32>
    %add3A_529 = vector.broadcast %broadcast_in_dim3A_526 : vector<1x1xf32> to vector<32x128xf32>
    %add3A_530 = arith.addf %add3A_528, %add3A_529 : vector<32x128xf32>
    %mul3A_531 = arith.mulf %convert_element_type3A_506, %add3A_530 : vector<32x128xf32>
    %add3A_532 = arith.addf %add3A_501, %mul3A_531 : vector<32x128xf32>
    %eq3A_533 = arith.constant 7 : i32
    %eq3A_534 = vector.broadcast %eq3A_533 : i32 to vector<32x128xi32>
    %eq3A_535 = arith.cmpi eq, %get3A_1, %eq3A_534 : vector<32x128xi32>
    %convert_element_type3A_536 = arith.extui %eq3A_535 : vector<32x128xi1> to vector<32x128xi32>
    %convert_element_type3A_537 = arith.sitofp %convert_element_type3A_536 : vector<32x128xi32> to vector<32x128xf32>
    %dot_general3A_538 = arith.constant dense<0.000000e+00> : vector<32x128xf32>
    %dot_general3A_539 = tpu.matmul %convert_element_type3A_537, %select_n3A_12, %dot_general3A_538 {dimension_numbers = #tpu.dot_dimension_numbers<[1], [0], [0], [1], [0, 0, 1, 1], [], []>, transpose_lhs_hint = false} : vector<32x128xf32>, vector<128x128xf32>, vector<32x128xf32> -> vector<32x128xf32>
    %eq3A_540 = arith.constant 7 : i32
    %eq3A_541 = vector.broadcast %eq3A_540 : i32 to vector<32x128xi32>
    %eq3A_542 = arith.cmpi eq, %iota3A_13, %eq3A_541 : vector<32x128xi32>
    %jit3A_543 = arith.constant 0.000000e+00 : f32
    %broadcast_in_dim3A_544 = vector.broadcast %jit3A_543 : f32 to vector<32x128xf32>
    %select_n3A_545 = arith.select %eq3A_542, %dot_general3A_163, %broadcast_in_dim3A_544 : vector<32x128xi1>, vector<32x128xf32>
    %reduce_sum3A_546 = arith.constant dense<0.000000e+00> : vector<32xf32>
    %reduce_sum3A_547 = vector.multi_reduction <add>, %select_n3A_545, %reduce_sum3A_546 [1] : vector<32x128xf32> to vector<32xf32>
    %broadcast_in_dim3A_548 = vector.shape_cast %reduce_sum3A_547 : vector<32xf32> to vector<32x1xf32>
    %eq3A_549 = arith.constant 7 : i32
    %eq3A_550 = vector.broadcast %eq3A_549 : i32 to vector<1x128xi32>
    %eq3A_551 = arith.cmpi eq, %iota3A_167, %eq3A_550 : vector<1x128xi32>
    %jit3A_552 = arith.constant 0.000000e+00 : f32
    %broadcast_in_dim3A_553 = vector.broadcast %jit3A_552 : f32 to vector<1x128xf32>
    %select_n3A_554 = arith.select %eq3A_551, %add3A_313, %broadcast_in_dim3A_553 : vector<1x128xi1>, vector<1x128xf32>
    %reduce_sum3A_555 = arith.constant dense<0.000000e+00> : vector<1xf32>
    %reduce_sum3A_556 = vector.multi_reduction <add>, %select_n3A_554, %reduce_sum3A_555 [1] : vector<1x128xf32> to vector<1xf32>
    %broadcast_in_dim3A_557 = vector.shape_cast %reduce_sum3A_556 : vector<1xf32> to vector<1x1xf32>
    %add3A_558 = vector.broadcast %broadcast_in_dim3A_548 : vector<32x1xf32> to vector<32x128xf32>
    %add3A_559 = arith.addf %dot_general3A_539, %add3A_558 : vector<32x128xf32>
    %add3A_560 = vector.broadcast %broadcast_in_dim3A_557 : vector<1x1xf32> to vector<32x128xf32>
    %add3A_561 = arith.addf %add3A_559, %add3A_560 : vector<32x128xf32>
    %mul3A_562 = arith.mulf %convert_element_type3A_537, %add3A_561 : vector<32x128xf32>
    %add3A_563 = arith.addf %add3A_532, %mul3A_562 : vector<32x128xf32>
    %convert_element_type3A_564 = arith.fptosi %add3A_563 : vector<32x128xf32> to vector<32x128xi32>
    %swap3A = arith.constant 0 : index
    %swap3A_565 = arith.constant 0 : index
    %swap3A_566 = vector.load %arg1[%swap3A, %swap3A_565] : memref<32x128xi32, #tpu.memory_space<vmem>>, vector<32x128xi32>
    tpu.vector_store %arg1[%swap3A, %swap3A_565], %convert_element_type3A_564 {strides = array<i32>} : memref<32x128xi32, #tpu.memory_space<vmem>>, vector<32x128xi32>,
    %div3A = arith.constant 5.120000e+02 : f32
    %div3A_567 = vector.broadcast %div3A : f32 to vector<1x128xf32>
    %div3A_568 = arith.divf %add3A_313, %div3A_567 : vector<1x128xf32>
    %floor3A = math.floor %div3A_568 : vector<1x128xf32>
    %add3A_569 = arith.addf %add3A_313, %broadcast_in_dim3A_166 : vector<1x128xf32>
    %gt3A = arith.constant 0.000000e+00 : f32
    %gt3A_570 = vector.broadcast %gt3A : f32 to vector<1x128xf32>
    %gt3A_571 = arith.cmpf ogt, %broadcast_in_dim3A_166, %gt3A_570 : vector<1x128xf32>
    %sub3A = arith.constant 1.000000e+00 : f32
    %sub3A_572 = vector.broadcast %sub3A : f32 to vector<1x128xf32>
    %sub3A_573 = arith.subf %add3A_569, %sub3A_572 : vector<1x128xf32>
    %div3A_574 = arith.constant 5.120000e+02 : f32
    %div3A_575 = vector.broadcast %div3A_574 : f32 to vector<1x128xf32>
    %div3A_576 = arith.divf %sub3A_573, %div3A_575 : vector<1x128xf32>
    %floor3A_577 = math.floor %div3A_576 : vector<1x128xf32>
    %sub3A_578 = arith.constant 1.000000e+00 : f32
    %sub3A_579 = vector.broadcast %sub3A_578 : f32 to vector<1x128xf32>
    %sub3A_580 = arith.subf %floor3A, %sub3A_579 : vector<1x128xf32>
    %select_n3A_581 = arith.select %gt3A_571, %floor3A_577, %sub3A_580 : vector<1x128xi1>, vector<1x128xf32>
    %sub3A_582 = arith.subf %select_n3A_581, %floor3A : vector<1x128xf32>
    %add3A_583 = arith.constant 1.000000e+00 : f32
    %add3A_584 = vector.broadcast %add3A_583 : f32 to vector<1x128xf32>
    %add3A_585 = arith.addf %sub3A_582, %add3A_584 : vector<1x128xf32>
    %max3A = arith.constant 0.000000e+00 : f32
    %max3A_586 = vector.broadcast %max3A : f32 to vector<1x128xf32>
    %max3A_587 = arith.maximumf %add3A_585, %max3A_586 : vector<1x128xf32>
    %broadcast_in_dim3A_588 = arith.constant 0.000000e+00 : f32
    %broadcast_in_dim3A_589 = vector.broadcast %broadcast_in_dim3A_588 : f32 to vector<1x128xf32>
    %broadcast_in_dim3A_590 = arith.constant 0.000000e+00 : f32
    %broadcast_in_dim3A_591 = vector.broadcast %broadcast_in_dim3A_590 : f32 to vector<1x1xf32>
    %eq3A_592 = arith.constant 0 : i32
    %eq3A_593 = vector.broadcast %eq3A_592 : i32 to vector<1x128xi32>
    %eq3A_594 = arith.cmpi eq, %iota3A_167, %eq3A_593 : vector<1x128xi32>
    %jit3A_595 = arith.constant 0.000000e+00 : f32
    %broadcast_in_dim3A_596 = vector.broadcast %jit3A_595 : f32 to vector<1x128xf32>
    %select_n3A_597 = arith.select %eq3A_594, %max3A_587, %broadcast_in_dim3A_596 : vector<1x128xi1>, vector<1x128xf32>
    %reduce_sum3A_598 = arith.constant dense<0.000000e+00> : vector<1xf32>
    %reduce_sum3A_599 = vector.multi_reduction <add>, %select_n3A_597, %reduce_sum3A_598 [1] : vector<1x128xf32> to vector<1xf32>
    %broadcast_in_dim3A_600 = vector.shape_cast %reduce_sum3A_599 : vector<1xf32> to vector<1x1xf32>
    %add3A_601 = arith.addf %broadcast_in_dim3A_591, %broadcast_in_dim3A_600 : vector<1x1xf32>
    %eq3A_602 = arith.constant 0 : i32
    %eq3A_603 = vector.broadcast %eq3A_602 : i32 to vector<1x128xi32>
    %eq3A_604 = arith.cmpi eq, %iota3A_167, %eq3A_603 : vector<1x128xi32>
    %jit3A_605 = arith.constant 0.000000e+00 : f32
    %broadcast_in_dim3A_606 = vector.shape_cast %add3A_601 : vector<1x1xf32> to vector<1x1xf32>
    %broadcast_in_dim3A_607 = vector.broadcast %broadcast_in_dim3A_606 : vector<1x1xf32> to vector<1x128xf32>
    %broadcast_in_dim3A_608 = vector.broadcast %jit3A_605 : f32 to vector<1x128xf32>
    %select_n3A_609 = arith.select %eq3A_604, %broadcast_in_dim3A_607, %broadcast_in_dim3A_608 : vector<1x128xi1>, vector<1x128xf32>
    %add3A_610 = arith.addf %broadcast_in_dim3A_589, %select_n3A_609 : vector<1x128xf32>
    %eq3A_611 = arith.constant 1 : i32
    %eq3A_612 = vector.broadcast %eq3A_611 : i32 to vector<1x128xi32>
    %eq3A_613 = arith.cmpi eq, %iota3A_167, %eq3A_612 : vector<1x128xi32>
    %jit3A_614 = arith.constant 0.000000e+00 : f32
    %broadcast_in_dim3A_615 = vector.broadcast %jit3A_614 : f32 to vector<1x128xf32>
    %select_n3A_616 = arith.select %eq3A_613, %max3A_587, %broadcast_in_dim3A_615 : vector<1x128xi1>, vector<1x128xf32>
    %reduce_sum3A_617 = arith.constant dense<0.000000e+00> : vector<1xf32>
    %reduce_sum3A_618 = vector.multi_reduction <add>, %select_n3A_616, %reduce_sum3A_617 [1] : vector<1x128xf32> to vector<1xf32>
    %broadcast_in_dim3A_619 = vector.shape_cast %reduce_sum3A_618 : vector<1xf32> to vector<1x1xf32>
    %add3A_620 = arith.addf %add3A_601, %broadcast_in_dim3A_619 : vector<1x1xf32>
    %eq3A_621 = arith.constant 1 : i32
    %eq3A_622 = vector.broadcast %eq3A_621 : i32 to vector<1x128xi32>
    %eq3A_623 = arith.cmpi eq, %iota3A_167, %eq3A_622 : vector<1x128xi32>
    %jit3A_624 = arith.constant 0.000000e+00 : f32
    %broadcast_in_dim3A_625 = vector.shape_cast %add3A_620 : vector<1x1xf32> to vector<1x1xf32>
    %broadcast_in_dim3A_626 = vector.broadcast %broadcast_in_dim3A_625 : vector<1x1xf32> to vector<1x128xf32>
    %broadcast_in_dim3A_627 = vector.broadcast %jit3A_624 : f32 to vector<1x128xf32>
    %select_n3A_628 = arith.select %eq3A_623, %broadcast_in_dim3A_626, %broadcast_in_dim3A_627 : vector<1x128xi1>, vector<1x128xf32>
    %add3A_629 = arith.addf %add3A_610, %select_n3A_628 : vector<1x128xf32>
    %eq3A_630 = arith.constant 2 : i32
    %eq3A_631 = vector.broadcast %eq3A_630 : i32 to vector<1x128xi32>
    %eq3A_632 = arith.cmpi eq, %iota3A_167, %eq3A_631 : vector<1x128xi32>
    %jit3A_633 = arith.constant 0.000000e+00 : f32
    %broadcast_in_dim3A_634 = vector.broadcast %jit3A_633 : f32 to vector<1x128xf32>
    %select_n3A_635 = arith.select %eq3A_632, %max3A_587, %broadcast_in_dim3A_634 : vector<1x128xi1>, vector<1x128xf32>
    %reduce_sum3A_636 = arith.constant dense<0.000000e+00> : vector<1xf32>
    %reduce_sum3A_637 = vector.multi_reduction <add>, %select_n3A_635, %reduce_sum3A_636 [1] : vector<1x128xf32> to vector<1xf32>
    %broadcast_in_dim3A_638 = vector.shape_cast %reduce_sum3A_637 : vector<1xf32> to vector<1x1xf32>
    %add3A_639 = arith.addf %add3A_620, %broadcast_in_dim3A_638 : vector<1x1xf32>
    %eq3A_640 = arith.constant 2 : i32
    %eq3A_641 = vector.broadcast %eq3A_640 : i32 to vector<1x128xi32>
    %eq3A_642 = arith.cmpi eq, %iota3A_167, %eq3A_641 : vector<1x128xi32>
    %jit3A_643 = arith.constant 0.000000e+00 : f32
    %broadcast_in_dim3A_644 = vector.shape_cast %add3A_639 : vector<1x1xf32> to vector<1x1xf32>
    %broadcast_in_dim3A_645 = vector.broadcast %broadcast_in_dim3A_644 : vector<1x1xf32> to vector<1x128xf32>
    %broadcast_in_dim3A_646 = vector.broadcast %jit3A_643 : f32 to vector<1x128xf32>
    %select_n3A_647 = arith.select %eq3A_642, %broadcast_in_dim3A_645, %broadcast_in_dim3A_646 : vector<1x128xi1>, vector<1x128xf32>
    %add3A_648 = arith.addf %add3A_629, %select_n3A_647 : vector<1x128xf32>
    %eq3A_649 = arith.constant 3 : i32
    %eq3A_650 = vector.broadcast %eq3A_649 : i32 to vector<1x128xi32>
    %eq3A_651 = arith.cmpi eq, %iota3A_167, %eq3A_650 : vector<1x128xi32>
    %jit3A_652 = arith.constant 0.000000e+00 : f32
    %broadcast_in_dim3A_653 = vector.broadcast %jit3A_652 : f32 to vector<1x128xf32>
    %select_n3A_654 = arith.select %eq3A_651, %max3A_587, %broadcast_in_dim3A_653 : vector<1x128xi1>, vector<1x128xf32>
    %reduce_sum3A_655 = arith.constant dense<0.000000e+00> : vector<1xf32>
    %reduce_sum3A_656 = vector.multi_reduction <add>, %select_n3A_654, %reduce_sum3A_655 [1] : vector<1x128xf32> to vector<1xf32>
    %broadcast_in_dim3A_657 = vector.shape_cast %reduce_sum3A_656 : vector<1xf32> to vector<1x1xf32>
    %add3A_658 = arith.addf %add3A_639, %broadcast_in_dim3A_657 : vector<1x1xf32>
    %eq3A_659 = arith.constant 3 : i32
    %eq3A_660 = vector.broadcast %eq3A_659 : i32 to vector<1x128xi32>
    %eq3A_661 = arith.cmpi eq, %iota3A_167, %eq3A_660 : vector<1x128xi32>
    %jit3A_662 = arith.constant 0.000000e+00 : f32
    %broadcast_in_dim3A_663 = vector.shape_cast %add3A_658 : vector<1x1xf32> to vector<1x1xf32>
    %broadcast_in_dim3A_664 = vector.broadcast %broadcast_in_dim3A_663 : vector<1x1xf32> to vector<1x128xf32>
    %broadcast_in_dim3A_665 = vector.broadcast %jit3A_662 : f32 to vector<1x128xf32>
    %select_n3A_666 = arith.select %eq3A_661, %broadcast_in_dim3A_664, %broadcast_in_dim3A_665 : vector<1x128xi1>, vector<1x128xf32>
    %add3A_667 = arith.addf %add3A_648, %select_n3A_666 : vector<1x128xf32>
    %eq3A_668 = arith.constant 4 : i32
    %eq3A_669 = vector.broadcast %eq3A_668 : i32 to vector<1x128xi32>
    %eq3A_670 = arith.cmpi eq, %iota3A_167, %eq3A_669 : vector<1x128xi32>
    %jit3A_671 = arith.constant 0.000000e+00 : f32
    %broadcast_in_dim3A_672 = vector.broadcast %jit3A_671 : f32 to vector<1x128xf32>
    %select_n3A_673 = arith.select %eq3A_670, %max3A_587, %broadcast_in_dim3A_672 : vector<1x128xi1>, vector<1x128xf32>
    %reduce_sum3A_674 = arith.constant dense<0.000000e+00> : vector<1xf32>
    %reduce_sum3A_675 = vector.multi_reduction <add>, %select_n3A_673, %reduce_sum3A_674 [1] : vector<1x128xf32> to vector<1xf32>
    %broadcast_in_dim3A_676 = vector.shape_cast %reduce_sum3A_675 : vector<1xf32> to vector<1x1xf32>
    %add3A_677 = arith.addf %add3A_658, %broadcast_in_dim3A_676 : vector<1x1xf32>
    %eq3A_678 = arith.constant 4 : i32
    %eq3A_679 = vector.broadcast %eq3A_678 : i32 to vector<1x128xi32>
    %eq3A_680 = arith.cmpi eq, %iota3A_167, %eq3A_679 : vector<1x128xi32>
    %jit3A_681 = arith.constant 0.000000e+00 : f32
    %broadcast_in_dim3A_682 = vector.shape_cast %add3A_677 : vector<1x1xf32> to vector<1x1xf32>
    %broadcast_in_dim3A_683 = vector.broadcast %broadcast_in_dim3A_682 : vector<1x1xf32> to vector<1x128xf32>
    %broadcast_in_dim3A_684 = vector.broadcast %jit3A_681 : f32 to vector<1x128xf32>
    %select_n3A_685 = arith.select %eq3A_680, %broadcast_in_dim3A_683, %broadcast_in_dim3A_684 : vector<1x128xi1>, vector<1x128xf32>
    %add3A_686 = arith.addf %add3A_667, %select_n3A_685 : vector<1x128xf32>
    %eq3A_687 = arith.constant 5 : i32
    %eq3A_688 = vector.broadcast %eq3A_687 : i32 to vector<1x128xi32>
    %eq3A_689 = arith.cmpi eq, %iota3A_167, %eq3A_688 : vector<1x128xi32>
    %jit3A_690 = arith.constant 0.000000e+00 : f32
    %broadcast_in_dim3A_691 = vector.broadcast %jit3A_690 : f32 to vector<1x128xf32>
    %select_n3A_692 = arith.select %eq3A_689, %max3A_587, %broadcast_in_dim3A_691 : vector<1x128xi1>, vector<1x128xf32>
    %reduce_sum3A_693 = arith.constant dense<0.000000e+00> : vector<1xf32>
    %reduce_sum3A_694 = vector.multi_reduction <add>, %select_n3A_692, %reduce_sum3A_693 [1] : vector<1x128xf32> to vector<1xf32>
    %broadcast_in_dim3A_695 = vector.shape_cast %reduce_sum3A_694 : vector<1xf32> to vector<1x1xf32>
    %add3A_696 = arith.addf %add3A_677, %broadcast_in_dim3A_695 : vector<1x1xf32>
    %eq3A_697 = arith.constant 5 : i32
    %eq3A_698 = vector.broadcast %eq3A_697 : i32 to vector<1x128xi32>
    %eq3A_699 = arith.cmpi eq, %iota3A_167, %eq3A_698 : vector<1x128xi32>
    %jit3A_700 = arith.constant 0.000000e+00 : f32
    %broadcast_in_dim3A_701 = vector.shape_cast %add3A_696 : vector<1x1xf32> to vector<1x1xf32>
    %broadcast_in_dim3A_702 = vector.broadcast %broadcast_in_dim3A_701 : vector<1x1xf32> to vector<1x128xf32>
    %broadcast_in_dim3A_703 = vector.broadcast %jit3A_700 : f32 to vector<1x128xf32>
    %select_n3A_704 = arith.select %eq3A_699, %broadcast_in_dim3A_702, %broadcast_in_dim3A_703 : vector<1x128xi1>, vector<1x128xf32>
    %add3A_705 = arith.addf %add3A_686, %select_n3A_704 : vector<1x128xf32>
    %eq3A_706 = arith.constant 6 : i32
    %eq3A_707 = vector.broadcast %eq3A_706 : i32 to vector<1x128xi32>
    %eq3A_708 = arith.cmpi eq, %iota3A_167, %eq3A_707 : vector<1x128xi32>
    %jit3A_709 = arith.constant 0.000000e+00 : f32
    %broadcast_in_dim3A_710 = vector.broadcast %jit3A_709 : f32 to vector<1x128xf32>
    %select_n3A_711 = arith.select %eq3A_708, %max3A_587, %broadcast_in_dim3A_710 : vector<1x128xi1>, vector<1x128xf32>
    %reduce_sum3A_712 = arith.constant dense<0.000000e+00> : vector<1xf32>
    %reduce_sum3A_713 = vector.multi_reduction <add>, %select_n3A_711, %reduce_sum3A_712 [1] : vector<1x128xf32> to vector<1xf32>
    %broadcast_in_dim3A_714 = vector.shape_cast %reduce_sum3A_713 : vector<1xf32> to vector<1x1xf32>
    %add3A_715 = arith.addf %add3A_696, %broadcast_in_dim3A_714 : vector<1x1xf32>
    %eq3A_716 = arith.constant 6 : i32
    %eq3A_717 = vector.broadcast %eq3A_716 : i32 to vector<1x128xi32>
    %eq3A_718 = arith.cmpi eq, %iota3A_167, %eq3A_717 : vector<1x128xi32>
    %jit3A_719 = arith.constant 0.000000e+00 : f32
    %broadcast_in_dim3A_720 = vector.shape_cast %add3A_715 : vector<1x1xf32> to vector<1x1xf32>
    %broadcast_in_dim3A_721 = vector.broadcast %broadcast_in_dim3A_720 : vector<1x1xf32> to vector<1x128xf32>
    %broadcast_in_dim3A_722 = vector.broadcast %jit3A_719 : f32 to vector<1x128xf32>
    %select_n3A_723 = arith.select %eq3A_718, %broadcast_in_dim3A_721, %broadcast_in_dim3A_722 : vector<1x128xi1>, vector<1x128xf32>
    %add3A_724 = arith.addf %add3A_705, %select_n3A_723 : vector<1x128xf32>
    %eq3A_725 = arith.constant 7 : i32
    %eq3A_726 = vector.broadcast %eq3A_725 : i32 to vector<1x128xi32>
    %eq3A_727 = arith.cmpi eq, %iota3A_167, %eq3A_726 : vector<1x128xi32>
    %jit3A_728 = arith.constant 0.000000e+00 : f32
    %broadcast_in_dim3A_729 = vector.broadcast %jit3A_728 : f32 to vector<1x128xf32>
    %select_n3A_730 = arith.select %eq3A_727, %max3A_587, %broadcast_in_dim3A_729 : vector<1x128xi1>, vector<1x128xf32>
    %reduce_sum3A_731 = arith.constant dense<0.000000e+00> : vector<1xf32>
    %reduce_sum3A_732 = vector.multi_reduction <add>, %select_n3A_730, %reduce_sum3A_731 [1] : vector<1x128xf32> to vector<1xf32>
    %broadcast_in_dim3A_733 = vector.shape_cast %reduce_sum3A_732 : vector<1xf32> to vector<1x1xf32>
    %add3A_734 = arith.addf %add3A_715, %broadcast_in_dim3A_733 : vector<1x1xf32>
    %eq3A_735 = arith.constant 7 : i32
    %eq3A_736 = vector.broadcast %eq3A_735 : i32 to vector<1x128xi32>
    %eq3A_737 = arith.cmpi eq, %iota3A_167, %eq3A_736 : vector<1x128xi32>
    %jit3A_738 = arith.constant 0.000000e+00 : f32
    %broadcast_in_dim3A_739 = vector.shape_cast %add3A_734 : vector<1x1xf32> to vector<1x1xf32>
    %broadcast_in_dim3A_740 = vector.broadcast %broadcast_in_dim3A_739 : vector<1x1xf32> to vector<1x128xf32>
    %broadcast_in_dim3A_741 = vector.broadcast %jit3A_738 : f32 to vector<1x128xf32>
    %select_n3A_742 = arith.select %eq3A_737, %broadcast_in_dim3A_740, %broadcast_in_dim3A_741 : vector<1x128xi1>, vector<1x128xf32>
    %add3A_743 = arith.addf %add3A_724, %select_n3A_742 : vector<1x128xf32>
    %sub3A_744 = arith.subf %add3A_743, %max3A_587 : vector<1x128xf32>
    %iota3A_745 = tpu.iota {dimensions = array<i32: 1>} : vector<1x128xi32>
    %convert_element_type3A_746 = arith.sitofp %iota3A_745 : vector<1x128xi32> to vector<1x128xf32>
    %broadcast_in_dim3A_747 = arith.constant 0.000000e+00 : f32
    %broadcast_in_dim3A_748 = vector.broadcast %broadcast_in_dim3A_747 : f32 to vector<1x128xf32>
    %eq3A_749 = arith.constant 0 : i32
    %eq3A_750 = vector.broadcast %eq3A_749 : i32 to vector<1x128xi32>
    %eq3A_751 = arith.cmpi eq, %iota3A_167, %eq3A_750 : vector<1x128xi32>
    %jit3A_752 = arith.constant 0.000000e+00 : f32
    %broadcast_in_dim3A_753 = vector.broadcast %jit3A_752 : f32 to vector<1x128xf32>
    %select_n3A_754 = arith.select %eq3A_751, %add3A_743, %broadcast_in_dim3A_753 : vector<1x128xi1>, vector<1x128xf32>
    %reduce_sum3A_755 = arith.constant dense<0.000000e+00> : vector<1xf32>
    %reduce_sum3A_756 = vector.multi_reduction <add>, %select_n3A_754, %reduce_sum3A_755 [1] : vector<1x128xf32> to vector<1xf32>
    %broadcast_in_dim3A_757 = vector.shape_cast %reduce_sum3A_756 : vector<1xf32> to vector<1x1xf32>
    %ge3A = vector.broadcast %broadcast_in_dim3A_757 : vector<1x1xf32> to vector<1x128xf32>
    %ge3A_758 = arith.cmpf oge, %convert_element_type3A_746, %ge3A : vector<1x128xf32>
    %jit3A_759 = arith.constant 1.000000e+00 : f32
    %jit3A_760 = arith.constant 0.000000e+00 : f32
    %broadcast_in_dim3A_761 = vector.broadcast %jit3A_759 : f32 to vector<1x128xf32>
    %broadcast_in_dim3A_762 = vector.broadcast %jit3A_760 : f32 to vector<1x128xf32>
    %select_n3A_763 = arith.select %ge3A_758, %broadcast_in_dim3A_761, %broadcast_in_dim3A_762 : vector<1x128xi1>, vector<1x128xf32>
    %add3A_764 = arith.addf %broadcast_in_dim3A_748, %select_n3A_763 : vector<1x128xf32>
    %eq3A_765 = arith.constant 1 : i32
    %eq3A_766 = vector.broadcast %eq3A_765 : i32 to vector<1x128xi32>
    %eq3A_767 = arith.cmpi eq, %iota3A_167, %eq3A_766 : vector<1x128xi32>
    %jit3A_768 = arith.constant 0.000000e+00 : f32
    %broadcast_in_dim3A_769 = vector.broadcast %jit3A_768 : f32 to vector<1x128xf32>
    %select_n3A_770 = arith.select %eq3A_767, %add3A_743, %broadcast_in_dim3A_769 : vector<1x128xi1>, vector<1x128xf32>
    %reduce_sum3A_771 = arith.constant dense<0.000000e+00> : vector<1xf32>
    %reduce_sum3A_772 = vector.multi_reduction <add>, %select_n3A_770, %reduce_sum3A_771 [1] : vector<1x128xf32> to vector<1xf32>
    %broadcast_in_dim3A_773 = vector.shape_cast %reduce_sum3A_772 : vector<1xf32> to vector<1x1xf32>
    %ge3A_774 = vector.broadcast %broadcast_in_dim3A_773 : vector<1x1xf32> to vector<1x128xf32>
    %ge3A_775 = arith.cmpf oge, %convert_element_type3A_746, %ge3A_774 : vector<1x128xf32>
    %jit3A_776 = arith.constant 1.000000e+00 : f32
    %jit3A_777 = arith.constant 0.000000e+00 : f32
    %broadcast_in_dim3A_778 = vector.broadcast %jit3A_776 : f32 to vector<1x128xf32>
    %broadcast_in_dim3A_779 = vector.broadcast %jit3A_777 : f32 to vector<1x128xf32>
    %select_n3A_780 = arith.select %ge3A_775, %broadcast_in_dim3A_778, %broadcast_in_dim3A_779 : vector<1x128xi1>, vector<1x128xf32>
    %add3A_781 = arith.addf %add3A_764, %select_n3A_780 : vector<1x128xf32>
    %eq3A_782 = arith.constant 2 : i32
    %eq3A_783 = vector.broadcast %eq3A_782 : i32 to vector<1x128xi32>
    %eq3A_784 = arith.cmpi eq, %iota3A_167, %eq3A_783 : vector<1x128xi32>
    %jit3A_785 = arith.constant 0.000000e+00 : f32
    %broadcast_in_dim3A_786 = vector.broadcast %jit3A_785 : f32 to vector<1x128xf32>
    %select_n3A_787 = arith.select %eq3A_784, %add3A_743, %broadcast_in_dim3A_786 : vector<1x128xi1>, vector<1x128xf32>
    %reduce_sum3A_788 = arith.constant dense<0.000000e+00> : vector<1xf32>
    %reduce_sum3A_789 = vector.multi_reduction <add>, %select_n3A_787, %reduce_sum3A_788 [1] : vector<1x128xf32> to vector<1xf32>
    %broadcast_in_dim3A_790 = vector.shape_cast %reduce_sum3A_789 : vector<1xf32> to vector<1x1xf32>
    %ge3A_791 = vector.broadcast %broadcast_in_dim3A_790 : vector<1x1xf32> to vector<1x128xf32>
    %ge3A_792 = arith.cmpf oge, %convert_element_type3A_746, %ge3A_791 : vector<1x128xf32>
    %jit3A_793 = arith.constant 1.000000e+00 : f32
    %jit3A_794 = arith.constant 0.000000e+00 : f32
    %broadcast_in_dim3A_795 = vector.broadcast %jit3A_793 : f32 to vector<1x128xf32>
    %broadcast_in_dim3A_796 = vector.broadcast %jit3A_794 : f32 to vector<1x128xf32>
    %select_n3A_797 = arith.select %ge3A_792, %broadcast_in_dim3A_795, %broadcast_in_dim3A_796 : vector<1x128xi1>, vector<1x128xf32>
    %add3A_798 = arith.addf %add3A_781, %select_n3A_797 : vector<1x128xf32>
    %eq3A_799 = arith.constant 3 : i32
    %eq3A_800 = vector.broadcast %eq3A_799 : i32 to vector<1x128xi32>
    %eq3A_801 = arith.cmpi eq, %iota3A_167, %eq3A_800 : vector<1x128xi32>
    %jit3A_802 = arith.constant 0.000000e+00 : f32
    %broadcast_in_dim3A_803 = vector.broadcast %jit3A_802 : f32 to vector<1x128xf32>
    %select_n3A_804 = arith.select %eq3A_801, %add3A_743, %broadcast_in_dim3A_803 : vector<1x128xi1>, vector<1x128xf32>
    %reduce_sum3A_805 = arith.constant dense<0.000000e+00> : vector<1xf32>
    %reduce_sum3A_806 = vector.multi_reduction <add>, %select_n3A_804, %reduce_sum3A_805 [1] : vector<1x128xf32> to vector<1xf32>
    %broadcast_in_dim3A_807 = vector.shape_cast %reduce_sum3A_806 : vector<1xf32> to vector<1x1xf32>
    %ge3A_808 = vector.broadcast %broadcast_in_dim3A_807 : vector<1x1xf32> to vector<1x128xf32>
    %ge3A_809 = arith.cmpf oge, %convert_element_type3A_746, %ge3A_808 : vector<1x128xf32>
    %jit3A_810 = arith.constant 1.000000e+00 : f32
    %jit3A_811 = arith.constant 0.000000e+00 : f32
    %broadcast_in_dim3A_812 = vector.broadcast %jit3A_810 : f32 to vector<1x128xf32>
    %broadcast_in_dim3A_813 = vector.broadcast %jit3A_811 : f32 to vector<1x128xf32>
    %select_n3A_814 = arith.select %ge3A_809, %broadcast_in_dim3A_812, %broadcast_in_dim3A_813 : vector<1x128xi1>, vector<1x128xf32>
    %add3A_815 = arith.addf %add3A_798, %select_n3A_814 : vector<1x128xf32>
    %eq3A_816 = arith.constant 4 : i32
    %eq3A_817 = vector.broadcast %eq3A_816 : i32 to vector<1x128xi32>
    %eq3A_818 = arith.cmpi eq, %iota3A_167, %eq3A_817 : vector<1x128xi32>
    %jit3A_819 = arith.constant 0.000000e+00 : f32
    %broadcast_in_dim3A_820 = vector.broadcast %jit3A_819 : f32 to vector<1x128xf32>
    %select_n3A_821 = arith.select %eq3A_818, %add3A_743, %broadcast_in_dim3A_820 : vector<1x128xi1>, vector<1x128xf32>
    %reduce_sum3A_822 = arith.constant dense<0.000000e+00> : vector<1xf32>
    %reduce_sum3A_823 = vector.multi_reduction <add>, %select_n3A_821, %reduce_sum3A_822 [1] : vector<1x128xf32> to vector<1xf32>
    %broadcast_in_dim3A_824 = vector.shape_cast %reduce_sum3A_823 : vector<1xf32> to vector<1x1xf32>
    %ge3A_825 = vector.broadcast %broadcast_in_dim3A_824 : vector<1x1xf32> to vector<1x128xf32>
    %ge3A_826 = arith.cmpf oge, %convert_element_type3A_746, %ge3A_825 : vector<1x128xf32>
    %jit3A_827 = arith.constant 1.000000e+00 : f32
    %jit3A_828 = arith.constant 0.000000e+00 : f32
    %broadcast_in_dim3A_829 = vector.broadcast %jit3A_827 : f32 to vector<1x128xf32>
    %broadcast_in_dim3A_830 = vector.broadcast %jit3A_828 : f32 to vector<1x128xf32>
    %select_n3A_831 = arith.select %ge3A_826, %broadcast_in_dim3A_829, %broadcast_in_dim3A_830 : vector<1x128xi1>, vector<1x128xf32>
    %add3A_832 = arith.addf %add3A_815, %select_n3A_831 : vector<1x128xf32>
    %eq3A_833 = arith.constant 5 : i32
    %eq3A_834 = vector.broadcast %eq3A_833 : i32 to vector<1x128xi32>
    %eq3A_835 = arith.cmpi eq, %iota3A_167, %eq3A_834 : vector<1x128xi32>
    %jit3A_836 = arith.constant 0.000000e+00 : f32
    %broadcast_in_dim3A_837 = vector.broadcast %jit3A_836 : f32 to vector<1x128xf32>
    %select_n3A_838 = arith.select %eq3A_835, %add3A_743, %broadcast_in_dim3A_837 : vector<1x128xi1>, vector<1x128xf32>
    %reduce_sum3A_839 = arith.constant dense<0.000000e+00> : vector<1xf32>
    %reduce_sum3A_840 = vector.multi_reduction <add>, %select_n3A_838, %reduce_sum3A_839 [1] : vector<1x128xf32> to vector<1xf32>
    %broadcast_in_dim3A_841 = vector.shape_cast %reduce_sum3A_840 : vector<1xf32> to vector<1x1xf32>
    %ge3A_842 = vector.broadcast %broadcast_in_dim3A_841 : vector<1x1xf32> to vector<1x128xf32>
    %ge3A_843 = arith.cmpf oge, %convert_element_type3A_746, %ge3A_842 : vector<1x128xf32>
    %jit3A_844 = arith.constant 1.000000e+00 : f32
    %jit3A_845 = arith.constant 0.000000e+00 : f32
    %broadcast_in_dim3A_846 = vector.broadcast %jit3A_844 : f32 to vector<1x128xf32>
    %broadcast_in_dim3A_847 = vector.broadcast %jit3A_845 : f32 to vector<1x128xf32>
    %select_n3A_848 = arith.select %ge3A_843, %broadcast_in_dim3A_846, %broadcast_in_dim3A_847 : vector<1x128xi1>, vector<1x128xf32>
    %add3A_849 = arith.addf %add3A_832, %select_n3A_848 : vector<1x128xf32>
    %eq3A_850 = arith.constant 6 : i32
    %eq3A_851 = vector.broadcast %eq3A_850 : i32 to vector<1x128xi32>
    %eq3A_852 = arith.cmpi eq, %iota3A_167, %eq3A_851 : vector<1x128xi32>
    %jit3A_853 = arith.constant 0.000000e+00 : f32
    %broadcast_in_dim3A_854 = vector.broadcast %jit3A_853 : f32 to vector<1x128xf32>
    %select_n3A_855 = arith.select %eq3A_852, %add3A_743, %broadcast_in_dim3A_854 : vector<1x128xi1>, vector<1x128xf32>
    %reduce_sum3A_856 = arith.constant dense<0.000000e+00> : vector<1xf32>
    %reduce_sum3A_857 = vector.multi_reduction <add>, %select_n3A_855, %reduce_sum3A_856 [1] : vector<1x128xf32> to vector<1xf32>
    %broadcast_in_dim3A_858 = vector.shape_cast %reduce_sum3A_857 : vector<1xf32> to vector<1x1xf32>
    %ge3A_859 = vector.broadcast %broadcast_in_dim3A_858 : vector<1x1xf32> to vector<1x128xf32>
    %ge3A_860 = arith.cmpf oge, %convert_element_type3A_746, %ge3A_859 : vector<1x128xf32>
    %jit3A_861 = arith.constant 1.000000e+00 : f32
    %jit3A_862 = arith.constant 0.000000e+00 : f32
    %broadcast_in_dim3A_863 = vector.broadcast %jit3A_861 : f32 to vector<1x128xf32>
    %broadcast_in_dim3A_864 = vector.broadcast %jit3A_862 : f32 to vector<1x128xf32>
    %select_n3A_865 = arith.select %ge3A_860, %broadcast_in_dim3A_863, %broadcast_in_dim3A_864 : vector<1x128xi1>, vector<1x128xf32>
    %add3A_866 = arith.addf %add3A_849, %select_n3A_865 : vector<1x128xf32>
    %eq3A_867 = arith.constant 7 : i32
    %eq3A_868 = vector.broadcast %eq3A_867 : i32 to vector<1x128xi32>
    %eq3A_869 = arith.cmpi eq, %iota3A_167, %eq3A_868 : vector<1x128xi32>
    %jit3A_870 = arith.constant 0.000000e+00 : f32
    %broadcast_in_dim3A_871 = vector.broadcast %jit3A_870 : f32 to vector<1x128xf32>
    %select_n3A_872 = arith.select %eq3A_869, %add3A_743, %broadcast_in_dim3A_871 : vector<1x128xi1>, vector<1x128xf32>
    %reduce_sum3A_873 = arith.constant dense<0.000000e+00> : vector<1xf32>
    %reduce_sum3A_874 = vector.multi_reduction <add>, %select_n3A_872, %reduce_sum3A_873 [1] : vector<1x128xf32> to vector<1xf32>
    %broadcast_in_dim3A_875 = vector.shape_cast %reduce_sum3A_874 : vector<1xf32> to vector<1x1xf32>
    %ge3A_876 = vector.broadcast %broadcast_in_dim3A_875 : vector<1x1xf32> to vector<1x128xf32>
    %ge3A_877 = arith.cmpf oge, %convert_element_type3A_746, %ge3A_876 : vector<1x128xf32>
    %jit3A_878 = arith.constant 1.000000e+00 : f32
    %jit3A_879 = arith.constant 0.000000e+00 : f32
    %broadcast_in_dim3A_880 = vector.broadcast %jit3A_878 : f32 to vector<1x128xf32>
    %broadcast_in_dim3A_881 = vector.broadcast %jit3A_879 : f32 to vector<1x128xf32>
    %select_n3A_882 = arith.select %ge3A_877, %broadcast_in_dim3A_880, %broadcast_in_dim3A_881 : vector<1x128xi1>, vector<1x128xf32>
    %add3A_883 = arith.addf %add3A_866, %select_n3A_882 : vector<1x128xf32>
    %min3A = arith.constant 7.000000e+00 : f32
    %min3A_884 = vector.broadcast %min3A : f32 to vector<1x128xf32>
    %min3A_885 = arith.minimumf %add3A_883, %min3A_884 : vector<1x128xf32>
    %lt3A_886 = vector.broadcast %add3A_734 : vector<1x1xf32> to vector<1x128xf32>
    %lt3A_887 = arith.cmpf olt, %convert_element_type3A_746, %lt3A_886 : vector<1x128xf32>
    %broadcast_in_dim3A_888 = arith.constant 0.000000e+00 : f32
    %broadcast_in_dim3A_889 = vector.broadcast %broadcast_in_dim3A_888 : f32 to vector<1x128xf32>
    %broadcast_in_dim3A_890 = arith.constant 0.000000e+00 : f32
    %broadcast_in_dim3A_891 = vector.broadcast %broadcast_in_dim3A_890 : f32 to vector<1x128xf32>
    %broadcast_in_dim3A_892 = arith.constant 0.000000e+00 : f32
    %broadcast_in_dim3A_893 = vector.broadcast %broadcast_in_dim3A_892 : f32 to vector<1x128xf32>
    %eq3A_894 = arith.constant 0.000000e+00 : f32
    %eq3A_895 = vector.broadcast %eq3A_894 : f32 to vector<1x128xf32>
    %eq3A_896 = arith.cmpf oeq, %min3A_885, %eq3A_895 : vector<1x128xf32>
    %eq3A_897 = arith.constant 0 : i32
    %eq3A_898 = vector.broadcast %eq3A_897 : i32 to vector<1x128xi32>
    %eq3A_899 = arith.cmpi eq, %iota3A_167, %eq3A_898 : vector<1x128xi32>
    %jit3A_900 = arith.constant 0.000000e+00 : f32
    %broadcast_in_dim3A_901 = vector.broadcast %jit3A_900 : f32 to vector<1x128xf32>
    %select_n3A_902 = arith.select %eq3A_899, %floor3A, %broadcast_in_dim3A_901 : vector<1x128xi1>, vector<1x128xf32>
    %reduce_sum3A_903 = arith.constant dense<0.000000e+00> : vector<1xf32>
    %reduce_sum3A_904 = vector.multi_reduction <add>, %select_n3A_902, %reduce_sum3A_903 [1] : vector<1x128xf32> to vector<1xf32>
    %broadcast_in_dim3A_905 = vector.shape_cast %reduce_sum3A_904 : vector<1xf32> to vector<1x1xf32>
    %eq3A_906 = arith.constant 0 : i32
    %eq3A_907 = vector.broadcast %eq3A_906 : i32 to vector<1x128xi32>
    %eq3A_908 = arith.cmpi eq, %iota3A_167, %eq3A_907 : vector<1x128xi32>
    %jit3A_909 = arith.constant 0.000000e+00 : f32
    %broadcast_in_dim3A_910 = vector.broadcast %jit3A_909 : f32 to vector<1x128xf32>
    %select_n3A_911 = arith.select %eq3A_908, %sub3A_744, %broadcast_in_dim3A_910 : vector<1x128xi1>, vector<1x128xf32>
    %reduce_sum3A_912 = arith.constant dense<0.000000e+00> : vector<1xf32>
    %reduce_sum3A_913 = vector.multi_reduction <add>, %select_n3A_911, %reduce_sum3A_912 [1] : vector<1x128xf32> to vector<1xf32>
    %broadcast_in_dim3A_914 = vector.shape_cast %reduce_sum3A_913 : vector<1xf32> to vector<1x1xf32>
    %sub3A_915 = vector.broadcast %broadcast_in_dim3A_914 : vector<1x1xf32> to vector<1x128xf32>
    %sub3A_916 = arith.subf %convert_element_type3A_746, %sub3A_915 : vector<1x128xf32>
    %add3A_917 = vector.broadcast %broadcast_in_dim3A_905 : vector<1x1xf32> to vector<1x128xf32>
    %add3A_918 = arith.addf %add3A_917, %sub3A_916 : vector<1x128xf32>
    %jit3A_919 = arith.constant 0.000000e+00 : f32
    %broadcast_in_dim3A_920 = vector.broadcast %jit3A_919 : f32 to vector<1x128xf32>
    %select_n3A_921 = arith.select %eq3A_896, %add3A_918, %broadcast_in_dim3A_920 : vector<1x128xi1>, vector<1x128xf32>
    %add3A_922 = arith.addf %broadcast_in_dim3A_889, %select_n3A_921 : vector<1x128xf32>
    %eq3A_923 = arith.constant 0 : i32
    %eq3A_924 = vector.broadcast %eq3A_923 : i32 to vector<1x128xi32>
    %eq3A_925 = arith.cmpi eq, %iota3A_167, %eq3A_924 : vector<1x128xi32>
    %jit3A_926 = arith.constant 0.000000e+00 : f32
    %broadcast_in_dim3A_927 = vector.broadcast %jit3A_926 : f32 to vector<1x128xf32>
    %select_n3A_928 = arith.select %eq3A_925, %add3A_313, %broadcast_in_dim3A_927 : vector<1x128xi1>, vector<1x128xf32>
    %reduce_sum3A_929 = arith.constant dense<0.000000e+00> : vector<1xf32>
    %reduce_sum3A_930 = vector.multi_reduction <add>, %select_n3A_928, %reduce_sum3A_929 [1] : vector<1x128xf32> to vector<1xf32>
    %broadcast_in_dim3A_931 = vector.shape_cast %reduce_sum3A_930 : vector<1xf32> to vector<1x1xf32>
    %mul3A_932 = arith.constant 5.120000e+02 : f32
    %mul3A_933 = vector.broadcast %mul3A_932 : f32 to vector<1x128xf32>
    %mul3A_934 = arith.mulf %add3A_918, %mul3A_933 : vector<1x128xf32>
    %sub3A_935 = vector.broadcast %broadcast_in_dim3A_931 : vector<1x1xf32> to vector<1x128xf32>
    %sub3A_936 = arith.subf %sub3A_935, %mul3A_934 : vector<1x128xf32>
    %jit3A_937 = arith.constant 0.000000e+00 : f32
    %jit3A_938 = arith.constant 5.120000e+02 : f32
    %max3A_939 = vector.broadcast %jit3A_937 : f32 to vector<1x128xf32>
    %max3A_940 = arith.maximumf %max3A_939, %sub3A_936 : vector<1x128xf32>
    %min3A_941 = vector.broadcast %jit3A_938 : f32 to vector<1x128xf32>
    %min3A_942 = arith.minimumf %min3A_941, %max3A_940 : vector<1x128xf32>
    %jit3A_943 = arith.constant 0.000000e+00 : f32
    %broadcast_in_dim3A_944 = vector.broadcast %jit3A_943 : f32 to vector<1x128xf32>
    %select_n3A_945 = arith.select %eq3A_896, %min3A_942, %broadcast_in_dim3A_944 : vector<1x128xi1>, vector<1x128xf32>
    %add3A_946 = arith.addf %broadcast_in_dim3A_891, %select_n3A_945 : vector<1x128xf32>
    %eq3A_947 = arith.constant 0 : i32
    %eq3A_948 = vector.broadcast %eq3A_947 : i32 to vector<1x128xi32>
    %eq3A_949 = arith.cmpi eq, %iota3A_167, %eq3A_948 : vector<1x128xi32>
    %jit3A_950 = arith.constant 0.000000e+00 : f32
    %broadcast_in_dim3A_951 = vector.broadcast %jit3A_950 : f32 to vector<1x128xf32>
    %select_n3A_952 = arith.select %eq3A_949, %add3A_569, %broadcast_in_dim3A_951 : vector<1x128xi1>, vector<1x128xf32>
    %reduce_sum3A_953 = arith.constant dense<0.000000e+00> : vector<1xf32>
    %reduce_sum3A_954 = vector.multi_reduction <add>, %select_n3A_952, %reduce_sum3A_953 [1] : vector<1x128xf32> to vector<1xf32>
    %broadcast_in_dim3A_955 = vector.shape_cast %reduce_sum3A_954 : vector<1xf32> to vector<1x1xf32>
    %mul3A_956 = arith.constant 5.120000e+02 : f32
    %mul3A_957 = vector.broadcast %mul3A_956 : f32 to vector<1x128xf32>
    %mul3A_958 = arith.mulf %add3A_918, %mul3A_957 : vector<1x128xf32>
    %sub3A_959 = vector.broadcast %broadcast_in_dim3A_955 : vector<1x1xf32> to vector<1x128xf32>
    %sub3A_960 = arith.subf %sub3A_959, %mul3A_958 : vector<1x128xf32>
    %jit3A_961 = arith.constant 0.000000e+00 : f32
    %jit3A_962 = arith.constant 5.120000e+02 : f32
    %max3A_963 = vector.broadcast %jit3A_961 : f32 to vector<1x128xf32>
    %max3A_964 = arith.maximumf %max3A_963, %sub3A_960 : vector<1x128xf32>
    %min3A_965 = vector.broadcast %jit3A_962 : f32 to vector<1x128xf32>
    %min3A_966 = arith.minimumf %min3A_965, %max3A_964 : vector<1x128xf32>
    %jit3A_967 = arith.constant 0.000000e+00 : f32
    %broadcast_in_dim3A_968 = vector.broadcast %jit3A_967 : f32 to vector<1x128xf32>
    %select_n3A_969 = arith.select %eq3A_896, %min3A_966, %broadcast_in_dim3A_968 : vector<1x128xi1>, vector<1x128xf32>
    %add3A_970 = arith.addf %broadcast_in_dim3A_893, %select_n3A_969 : vector<1x128xf32>
    %eq3A_971 = arith.constant 1.000000e+00 : f32
    %eq3A_972 = vector.broadcast %eq3A_971 : f32 to vector<1x128xf32>
    %eq3A_973 = arith.cmpf oeq, %min3A_885, %eq3A_972 : vector<1x128xf32>
    %eq3A_974 = arith.constant 1 : i32
    %eq3A_975 = vector.broadcast %eq3A_974 : i32 to vector<1x128xi32>
    %eq3A_976 = arith.cmpi eq, %iota3A_167, %eq3A_975 : vector<1x128xi32>
    %jit3A_977 = arith.constant 0.000000e+00 : f32
    %broadcast_in_dim3A_978 = vector.broadcast %jit3A_977 : f32 to vector<1x128xf32>
    %select_n3A_979 = arith.select %eq3A_976, %floor3A, %broadcast_in_dim3A_978 : vector<1x128xi1>, vector<1x128xf32>
    %reduce_sum3A_980 = arith.constant dense<0.000000e+00> : vector<1xf32>
    %reduce_sum3A_981 = vector.multi_reduction <add>, %select_n3A_979, %reduce_sum3A_980 [1] : vector<1x128xf32> to vector<1xf32>
    %broadcast_in_dim3A_982 = vector.shape_cast %reduce_sum3A_981 : vector<1xf32> to vector<1x1xf32>
    %eq3A_983 = arith.constant 1 : i32
    %eq3A_984 = vector.broadcast %eq3A_983 : i32 to vector<1x128xi32>
    %eq3A_985 = arith.cmpi eq, %iota3A_167, %eq3A_984 : vector<1x128xi32>
    %jit3A_986 = arith.constant 0.000000e+00 : f32
    %broadcast_in_dim3A_987 = vector.broadcast %jit3A_986 : f32 to vector<1x128xf32>
    %select_n3A_988 = arith.select %eq3A_985, %sub3A_744, %broadcast_in_dim3A_987 : vector<1x128xi1>, vector<1x128xf32>
    %reduce_sum3A_989 = arith.constant dense<0.000000e+00> : vector<1xf32>
    %reduce_sum3A_990 = vector.multi_reduction <add>, %select_n3A_988, %reduce_sum3A_989 [1] : vector<1x128xf32> to vector<1xf32>
    %broadcast_in_dim3A_991 = vector.shape_cast %reduce_sum3A_990 : vector<1xf32> to vector<1x1xf32>
    %sub3A_992 = vector.broadcast %broadcast_in_dim3A_991 : vector<1x1xf32> to vector<1x128xf32>
    %sub3A_993 = arith.subf %convert_element_type3A_746, %sub3A_992 : vector<1x128xf32>
    %add3A_994 = vector.broadcast %broadcast_in_dim3A_982 : vector<1x1xf32> to vector<1x128xf32>
    %add3A_995 = arith.addf %add3A_994, %sub3A_993 : vector<1x128xf32>
    %jit3A_996 = arith.constant 0.000000e+00 : f32
    %broadcast_in_dim3A_997 = vector.broadcast %jit3A_996 : f32 to vector<1x128xf32>
    %select_n3A_998 = arith.select %eq3A_973, %add3A_995, %broadcast_in_dim3A_997 : vector<1x128xi1>, vector<1x128xf32>
    %add3A_999 = arith.addf %add3A_922, %select_n3A_998 : vector<1x128xf32>
    %eq3A_1000 = arith.constant 1 : i32
    %eq3A_1001 = vector.broadcast %eq3A_1000 : i32 to vector<1x128xi32>
    %eq3A_1002 = arith.cmpi eq, %iota3A_167, %eq3A_1001 : vector<1x128xi32>
    %jit3A_1003 = arith.constant 0.000000e+00 : f32
    %broadcast_in_dim3A_1004 = vector.broadcast %jit3A_1003 : f32 to vector<1x128xf32>
    %select_n3A_1005 = arith.select %eq3A_1002, %add3A_313, %broadcast_in_dim3A_1004 : vector<1x128xi1>, vector<1x128xf32>
    %reduce_sum3A_1006 = arith.constant dense<0.000000e+00> : vector<1xf32>
    %reduce_sum3A_1007 = vector.multi_reduction <add>, %select_n3A_1005, %reduce_sum3A_1006 [1] : vector<1x128xf32> to vector<1xf32>
    %broadcast_in_dim3A_1008 = vector.shape_cast %reduce_sum3A_1007 : vector<1xf32> to vector<1x1xf32>
    %mul3A_1009 = arith.constant 5.120000e+02 : f32
    %mul3A_1010 = vector.broadcast %mul3A_1009 : f32 to vector<1x128xf32>
    %mul3A_1011 = arith.mulf %add3A_995, %mul3A_1010 : vector<1x128xf32>
    %sub3A_1012 = vector.broadcast %broadcast_in_dim3A_1008 : vector<1x1xf32> to vector<1x128xf32>
    %sub3A_1013 = arith.subf %sub3A_1012, %mul3A_1011 : vector<1x128xf32>
    %jit3A_1014 = arith.constant 0.000000e+00 : f32
    %jit3A_1015 = arith.constant 5.120000e+02 : f32
    %max3A_1016 = vector.broadcast %jit3A_1014 : f32 to vector<1x128xf32>
    %max3A_1017 = arith.maximumf %max3A_1016, %sub3A_1013 : vector<1x128xf32>
    %min3A_1018 = vector.broadcast %jit3A_1015 : f32 to vector<1x128xf32>
    %min3A_1019 = arith.minimumf %min3A_1018, %max3A_1017 : vector<1x128xf32>
    %jit3A_1020 = arith.constant 0.000000e+00 : f32
    %broadcast_in_dim3A_1021 = vector.broadcast %jit3A_1020 : f32 to vector<1x128xf32>
    %select_n3A_1022 = arith.select %eq3A_973, %min3A_1019, %broadcast_in_dim3A_1021 : vector<1x128xi1>, vector<1x128xf32>
    %add3A_1023 = arith.addf %add3A_946, %select_n3A_1022 : vector<1x128xf32>
    %eq3A_1024 = arith.constant 1 : i32
    %eq3A_1025 = vector.broadcast %eq3A_1024 : i32 to vector<1x128xi32>
    %eq3A_1026 = arith.cmpi eq, %iota3A_167, %eq3A_1025 : vector<1x128xi32>
    %jit3A_1027 = arith.constant 0.000000e+00 : f32
    %broadcast_in_dim3A_1028 = vector.broadcast %jit3A_1027 : f32 to vector<1x128xf32>
    %select_n3A_1029 = arith.select %eq3A_1026, %add3A_569, %broadcast_in_dim3A_1028 : vector<1x128xi1>, vector<1x128xf32>
    %reduce_sum3A_1030 = arith.constant dense<0.000000e+00> : vector<1xf32>
    %reduce_sum3A_1031 = vector.multi_reduction <add>, %select_n3A_1029, %reduce_sum3A_1030 [1] : vector<1x128xf32> to vector<1xf32>
    %broadcast_in_dim3A_1032 = vector.shape_cast %reduce_sum3A_1031 : vector<1xf32> to vector<1x1xf32>
    %mul3A_1033 = arith.constant 5.120000e+02 : f32
    %mul3A_1034 = vector.broadcast %mul3A_1033 : f32 to vector<1x128xf32>
    %mul3A_1035 = arith.mulf %add3A_995, %mul3A_1034 : vector<1x128xf32>
    %sub3A_1036 = vector.broadcast %broadcast_in_dim3A_1032 : vector<1x1xf32> to vector<1x128xf32>
    %sub3A_1037 = arith.subf %sub3A_1036, %mul3A_1035 : vector<1x128xf32>
    %jit3A_1038 = arith.constant 0.000000e+00 : f32
    %jit3A_1039 = arith.constant 5.120000e+02 : f32
    %max3A_1040 = vector.broadcast %jit3A_1038 : f32 to vector<1x128xf32>
    %max3A_1041 = arith.maximumf %max3A_1040, %sub3A_1037 : vector<1x128xf32>
    %min3A_1042 = vector.broadcast %jit3A_1039 : f32 to vector<1x128xf32>
    %min3A_1043 = arith.minimumf %min3A_1042, %max3A_1041 : vector<1x128xf32>
    %jit3A_1044 = arith.constant 0.000000e+00 : f32
    %broadcast_in_dim3A_1045 = vector.broadcast %jit3A_1044 : f32 to vector<1x128xf32>
    %select_n3A_1046 = arith.select %eq3A_973, %min3A_1043, %broadcast_in_dim3A_1045 : vector<1x128xi1>, vector<1x128xf32>
    %add3A_1047 = arith.addf %add3A_970, %select_n3A_1046 : vector<1x128xf32>
    %eq3A_1048 = arith.constant 2.000000e+00 : f32
    %eq3A_1049 = vector.broadcast %eq3A_1048 : f32 to vector<1x128xf32>
    %eq3A_1050 = arith.cmpf oeq, %min3A_885, %eq3A_1049 : vector<1x128xf32>
    %eq3A_1051 = arith.constant 2 : i32
    %eq3A_1052 = vector.broadcast %eq3A_1051 : i32 to vector<1x128xi32>
    %eq3A_1053 = arith.cmpi eq, %iota3A_167, %eq3A_1052 : vector<1x128xi32>
    %jit3A_1054 = arith.constant 0.000000e+00 : f32
    %broadcast_in_dim3A_1055 = vector.broadcast %jit3A_1054 : f32 to vector<1x128xf32>
    %select_n3A_1056 = arith.select %eq3A_1053, %floor3A, %broadcast_in_dim3A_1055 : vector<1x128xi1>, vector<1x128xf32>
    %reduce_sum3A_1057 = arith.constant dense<0.000000e+00> : vector<1xf32>
    %reduce_sum3A_1058 = vector.multi_reduction <add>, %select_n3A_1056, %reduce_sum3A_1057 [1] : vector<1x128xf32> to vector<1xf32>
    %broadcast_in_dim3A_1059 = vector.shape_cast %reduce_sum3A_1058 : vector<1xf32> to vector<1x1xf32>
    %eq3A_1060 = arith.constant 2 : i32
    %eq3A_1061 = vector.broadcast %eq3A_1060 : i32 to vector<1x128xi32>
    %eq3A_1062 = arith.cmpi eq, %iota3A_167, %eq3A_1061 : vector<1x128xi32>
    %jit3A_1063 = arith.constant 0.000000e+00 : f32
    %broadcast_in_dim3A_1064 = vector.broadcast %jit3A_1063 : f32 to vector<1x128xf32>
    %select_n3A_1065 = arith.select %eq3A_1062, %sub3A_744, %broadcast_in_dim3A_1064 : vector<1x128xi1>, vector<1x128xf32>
    %reduce_sum3A_1066 = arith.constant dense<0.000000e+00> : vector<1xf32>
    %reduce_sum3A_1067 = vector.multi_reduction <add>, %select_n3A_1065, %reduce_sum3A_1066 [1] : vector<1x128xf32> to vector<1xf32>
    %broadcast_in_dim3A_1068 = vector.shape_cast %reduce_sum3A_1067 : vector<1xf32> to vector<1x1xf32>
    %sub3A_1069 = vector.broadcast %broadcast_in_dim3A_1068 : vector<1x1xf32> to vector<1x128xf32>
    %sub3A_1070 = arith.subf %convert_element_type3A_746, %sub3A_1069 : vector<1x128xf32>
    %add3A_1071 = vector.broadcast %broadcast_in_dim3A_1059 : vector<1x1xf32> to vector<1x128xf32>
    %add3A_1072 = arith.addf %add3A_1071, %sub3A_1070 : vector<1x128xf32>
    %jit3A_1073 = arith.constant 0.000000e+00 : f32
    %broadcast_in_dim3A_1074 = vector.broadcast %jit3A_1073 : f32 to vector<1x128xf32>
    %select_n3A_1075 = arith.select %eq3A_1050, %add3A_1072, %broadcast_in_dim3A_1074 : vector<1x128xi1>, vector<1x128xf32>
    %add3A_1076 = arith.addf %add3A_999, %select_n3A_1075 : vector<1x128xf32>
    %eq3A_1077 = arith.constant 2 : i32
    %eq3A_1078 = vector.broadcast %eq3A_1077 : i32 to vector<1x128xi32>
    %eq3A_1079 = arith.cmpi eq, %iota3A_167, %eq3A_1078 : vector<1x128xi32>
    %jit3A_1080 = arith.constant 0.000000e+00 : f32
    %broadcast_in_dim3A_1081 = vector.broadcast %jit3A_1080 : f32 to vector<1x128xf32>
    %select_n3A_1082 = arith.select %eq3A_1079, %add3A_313, %broadcast_in_dim3A_1081 : vector<1x128xi1>, vector<1x128xf32>
    %reduce_sum3A_1083 = arith.constant dense<0.000000e+00> : vector<1xf32>
    %reduce_sum3A_1084 = vector.multi_reduction <add>, %select_n3A_1082, %reduce_sum3A_1083 [1] : vector<1x128xf32> to vector<1xf32>
    %broadcast_in_dim3A_1085 = vector.shape_cast %reduce_sum3A_1084 : vector<1xf32> to vector<1x1xf32>
    %mul3A_1086 = arith.constant 5.120000e+02 : f32
    %mul3A_1087 = vector.broadcast %mul3A_1086 : f32 to vector<1x128xf32>
    %mul3A_1088 = arith.mulf %add3A_1072, %mul3A_1087 : vector<1x128xf32>
    %sub3A_1089 = vector.broadcast %broadcast_in_dim3A_1085 : vector<1x1xf32> to vector<1x128xf32>
    %sub3A_1090 = arith.subf %sub3A_1089, %mul3A_1088 : vector<1x128xf32>
    %jit3A_1091 = arith.constant 0.000000e+00 : f32
    %jit3A_1092 = arith.constant 5.120000e+02 : f32
    %max3A_1093 = vector.broadcast %jit3A_1091 : f32 to vector<1x128xf32>
    %max3A_1094 = arith.maximumf %max3A_1093, %sub3A_1090 : vector<1x128xf32>
    %min3A_1095 = vector.broadcast %jit3A_1092 : f32 to vector<1x128xf32>
    %min3A_1096 = arith.minimumf %min3A_1095, %max3A_1094 : vector<1x128xf32>
    %jit3A_1097 = arith.constant 0.000000e+00 : f32
    %broadcast_in_dim3A_1098 = vector.broadcast %jit3A_1097 : f32 to vector<1x128xf32>
    %select_n3A_1099 = arith.select %eq3A_1050, %min3A_1096, %broadcast_in_dim3A_1098 : vector<1x128xi1>, vector<1x128xf32>
    %add3A_1100 = arith.addf %add3A_1023, %select_n3A_1099 : vector<1x128xf32>
    %eq3A_1101 = arith.constant 2 : i32
    %eq3A_1102 = vector.broadcast %eq3A_1101 : i32 to vector<1x128xi32>
    %eq3A_1103 = arith.cmpi eq, %iota3A_167, %eq3A_1102 : vector<1x128xi32>
    %jit3A_1104 = arith.constant 0.000000e+00 : f32
    %broadcast_in_dim3A_1105 = vector.broadcast %jit3A_1104 : f32 to vector<1x128xf32>
    %select_n3A_1106 = arith.select %eq3A_1103, %add3A_569, %broadcast_in_dim3A_1105 : vector<1x128xi1>, vector<1x128xf32>
    %reduce_sum3A_1107 = arith.constant dense<0.000000e+00> : vector<1xf32>
    %reduce_sum3A_1108 = vector.multi_reduction <add>, %select_n3A_1106, %reduce_sum3A_1107 [1] : vector<1x128xf32> to vector<1xf32>
    %broadcast_in_dim3A_1109 = vector.shape_cast %reduce_sum3A_1108 : vector<1xf32> to vector<1x1xf32>
    %mul3A_1110 = arith.constant 5.120000e+02 : f32
    %mul3A_1111 = vector.broadcast %mul3A_1110 : f32 to vector<1x128xf32>
    %mul3A_1112 = arith.mulf %add3A_1072, %mul3A_1111 : vector<1x128xf32>
    %sub3A_1113 = vector.broadcast %broadcast_in_dim3A_1109 : vector<1x1xf32> to vector<1x128xf32>
    %sub3A_1114 = arith.subf %sub3A_1113, %mul3A_1112 : vector<1x128xf32>
    %jit3A_1115 = arith.constant 0.000000e+00 : f32
    %jit3A_1116 = arith.constant 5.120000e+02 : f32
    %max3A_1117 = vector.broadcast %jit3A_1115 : f32 to vector<1x128xf32>
    %max3A_1118 = arith.maximumf %max3A_1117, %sub3A_1114 : vector<1x128xf32>
    %min3A_1119 = vector.broadcast %jit3A_1116 : f32 to vector<1x128xf32>
    %min3A_1120 = arith.minimumf %min3A_1119, %max3A_1118 : vector<1x128xf32>
    %jit3A_1121 = arith.constant 0.000000e+00 : f32
    %broadcast_in_dim3A_1122 = vector.broadcast %jit3A_1121 : f32 to vector<1x128xf32>
    %select_n3A_1123 = arith.select %eq3A_1050, %min3A_1120, %broadcast_in_dim3A_1122 : vector<1x128xi1>, vector<1x128xf32>
    %add3A_1124 = arith.addf %add3A_1047, %select_n3A_1123 : vector<1x128xf32>
    %eq3A_1125 = arith.constant 3.000000e+00 : f32
    %eq3A_1126 = vector.broadcast %eq3A_1125 : f32 to vector<1x128xf32>
    %eq3A_1127 = arith.cmpf oeq, %min3A_885, %eq3A_1126 : vector<1x128xf32>
    %eq3A_1128 = arith.constant 3 : i32
    %eq3A_1129 = vector.broadcast %eq3A_1128 : i32 to vector<1x128xi32>
    %eq3A_1130 = arith.cmpi eq, %iota3A_167, %eq3A_1129 : vector<1x128xi32>
    %jit3A_1131 = arith.constant 0.000000e+00 : f32
    %broadcast_in_dim3A_1132 = vector.broadcast %jit3A_1131 : f32 to vector<1x128xf32>
    %select_n3A_1133 = arith.select %eq3A_1130, %floor3A, %broadcast_in_dim3A_1132 : vector<1x128xi1>, vector<1x128xf32>
    %reduce_sum3A_1134 = arith.constant dense<0.000000e+00> : vector<1xf32>
    %reduce_sum3A_1135 = vector.multi_reduction <add>, %select_n3A_1133, %reduce_sum3A_1134 [1] : vector<1x128xf32> to vector<1xf32>
    %broadcast_in_dim3A_1136 = vector.shape_cast %reduce_sum3A_1135 : vector<1xf32> to vector<1x1xf32>
    %eq3A_1137 = arith.constant 3 : i32
    %eq3A_1138 = vector.broadcast %eq3A_1137 : i32 to vector<1x128xi32>
    %eq3A_1139 = arith.cmpi eq, %iota3A_167, %eq3A_1138 : vector<1x128xi32>
    %jit3A_1140 = arith.constant 0.000000e+00 : f32
    %broadcast_in_dim3A_1141 = vector.broadcast %jit3A_1140 : f32 to vector<1x128xf32>
    %select_n3A_1142 = arith.select %eq3A_1139, %sub3A_744, %broadcast_in_dim3A_1141 : vector<1x128xi1>, vector<1x128xf32>
    %reduce_sum3A_1143 = arith.constant dense<0.000000e+00> : vector<1xf32>
    %reduce_sum3A_1144 = vector.multi_reduction <add>, %select_n3A_1142, %reduce_sum3A_1143 [1] : vector<1x128xf32> to vector<1xf32>
    %broadcast_in_dim3A_1145 = vector.shape_cast %reduce_sum3A_1144 : vector<1xf32> to vector<1x1xf32>
    %sub3A_1146 = vector.broadcast %broadcast_in_dim3A_1145 : vector<1x1xf32> to vector<1x128xf32>
    %sub3A_1147 = arith.subf %convert_element_type3A_746, %sub3A_1146 : vector<1x128xf32>
    %add3A_1148 = vector.broadcast %broadcast_in_dim3A_1136 : vector<1x1xf32> to vector<1x128xf32>
    %add3A_1149 = arith.addf %add3A_1148, %sub3A_1147 : vector<1x128xf32>
    %jit3A_1150 = arith.constant 0.000000e+00 : f32
    %broadcast_in_dim3A_1151 = vector.broadcast %jit3A_1150 : f32 to vector<1x128xf32>
    %select_n3A_1152 = arith.select %eq3A_1127, %add3A_1149, %broadcast_in_dim3A_1151 : vector<1x128xi1>, vector<1x128xf32>
    %add3A_1153 = arith.addf %add3A_1076, %select_n3A_1152 : vector<1x128xf32>
    %eq3A_1154 = arith.constant 3 : i32
    %eq3A_1155 = vector.broadcast %eq3A_1154 : i32 to vector<1x128xi32>
    %eq3A_1156 = arith.cmpi eq, %iota3A_167, %eq3A_1155 : vector<1x128xi32>
    %jit3A_1157 = arith.constant 0.000000e+00 : f32
    %broadcast_in_dim3A_1158 = vector.broadcast %jit3A_1157 : f32 to vector<1x128xf32>
    %select_n3A_1159 = arith.select %eq3A_1156, %add3A_313, %broadcast_in_dim3A_1158 : vector<1x128xi1>, vector<1x128xf32>
    %reduce_sum3A_1160 = arith.constant dense<0.000000e+00> : vector<1xf32>
    %reduce_sum3A_1161 = vector.multi_reduction <add>, %select_n3A_1159, %reduce_sum3A_1160 [1] : vector<1x128xf32> to vector<1xf32>
    %broadcast_in_dim3A_1162 = vector.shape_cast %reduce_sum3A_1161 : vector<1xf32> to vector<1x1xf32>
    %mul3A_1163 = arith.constant 5.120000e+02 : f32
    %mul3A_1164 = vector.broadcast %mul3A_1163 : f32 to vector<1x128xf32>
    %mul3A_1165 = arith.mulf %add3A_1149, %mul3A_1164 : vector<1x128xf32>
    %sub3A_1166 = vector.broadcast %broadcast_in_dim3A_1162 : vector<1x1xf32> to vector<1x128xf32>
    %sub3A_1167 = arith.subf %sub3A_1166, %mul3A_1165 : vector<1x128xf32>
    %jit3A_1168 = arith.constant 0.000000e+00 : f32
    %jit3A_1169 = arith.constant 5.120000e+02 : f32
    %max3A_1170 = vector.broadcast %jit3A_1168 : f32 to vector<1x128xf32>
    %max3A_1171 = arith.maximumf %max3A_1170, %sub3A_1167 : vector<1x128xf32>
    %min3A_1172 = vector.broadcast %jit3A_1169 : f32 to vector<1x128xf32>
    %min3A_1173 = arith.minimumf %min3A_1172, %max3A_1171 : vector<1x128xf32>
    %jit3A_1174 = arith.constant 0.000000e+00 : f32
    %broadcast_in_dim3A_1175 = vector.broadcast %jit3A_1174 : f32 to vector<1x128xf32>
    %select_n3A_1176 = arith.select %eq3A_1127, %min3A_1173, %broadcast_in_dim3A_1175 : vector<1x128xi1>, vector<1x128xf32>
    %add3A_1177 = arith.addf %add3A_1100, %select_n3A_1176 : vector<1x128xf32>
    %eq3A_1178 = arith.constant 3 : i32
    %eq3A_1179 = vector.broadcast %eq3A_1178 : i32 to vector<1x128xi32>
    %eq3A_1180 = arith.cmpi eq, %iota3A_167, %eq3A_1179 : vector<1x128xi32>
    %jit3A_1181 = arith.constant 0.000000e+00 : f32
    %broadcast_in_dim3A_1182 = vector.broadcast %jit3A_1181 : f32 to vector<1x128xf32>
    %select_n3A_1183 = arith.select %eq3A_1180, %add3A_569, %broadcast_in_dim3A_1182 : vector<1x128xi1>, vector<1x128xf32>
    %reduce_sum3A_1184 = arith.constant dense<0.000000e+00> : vector<1xf32>
    %reduce_sum3A_1185 = vector.multi_reduction <add>, %select_n3A_1183, %reduce_sum3A_1184 [1] : vector<1x128xf32> to vector<1xf32>
    %broadcast_in_dim3A_1186 = vector.shape_cast %reduce_sum3A_1185 : vector<1xf32> to vector<1x1xf32>
    %mul3A_1187 = arith.constant 5.120000e+02 : f32
    %mul3A_1188 = vector.broadcast %mul3A_1187 : f32 to vector<1x128xf32>
    %mul3A_1189 = arith.mulf %add3A_1149, %mul3A_1188 : vector<1x128xf32>
    %sub3A_1190 = vector.broadcast %broadcast_in_dim3A_1186 : vector<1x1xf32> to vector<1x128xf32>
    %sub3A_1191 = arith.subf %sub3A_1190, %mul3A_1189 : vector<1x128xf32>
    %jit3A_1192 = arith.constant 0.000000e+00 : f32
    %jit3A_1193 = arith.constant 5.120000e+02 : f32
    %max3A_1194 = vector.broadcast %jit3A_1192 : f32 to vector<1x128xf32>
    %max3A_1195 = arith.maximumf %max3A_1194, %sub3A_1191 : vector<1x128xf32>
    %min3A_1196 = vector.broadcast %jit3A_1193 : f32 to vector<1x128xf32>
    %min3A_1197 = arith.minimumf %min3A_1196, %max3A_1195 : vector<1x128xf32>
    %jit3A_1198 = arith.constant 0.000000e+00 : f32
    %broadcast_in_dim3A_1199 = vector.broadcast %jit3A_1198 : f32 to vector<1x128xf32>
    %select_n3A_1200 = arith.select %eq3A_1127, %min3A_1197, %broadcast_in_dim3A_1199 : vector<1x128xi1>, vector<1x128xf32>
    %add3A_1201 = arith.addf %add3A_1124, %select_n3A_1200 : vector<1x128xf32>
    %eq3A_1202 = arith.constant 4.000000e+00 : f32
    %eq3A_1203 = vector.broadcast %eq3A_1202 : f32 to vector<1x128xf32>
    %eq3A_1204 = arith.cmpf oeq, %min3A_885, %eq3A_1203 : vector<1x128xf32>
    %eq3A_1205 = arith.constant 4 : i32
    %eq3A_1206 = vector.broadcast %eq3A_1205 : i32 to vector<1x128xi32>
    %eq3A_1207 = arith.cmpi eq, %iota3A_167, %eq3A_1206 : vector<1x128xi32>
    %jit3A_1208 = arith.constant 0.000000e+00 : f32
    %broadcast_in_dim3A_1209 = vector.broadcast %jit3A_1208 : f32 to vector<1x128xf32>
    %select_n3A_1210 = arith.select %eq3A_1207, %floor3A, %broadcast_in_dim3A_1209 : vector<1x128xi1>, vector<1x128xf32>
    %reduce_sum3A_1211 = arith.constant dense<0.000000e+00> : vector<1xf32>
    %reduce_sum3A_1212 = vector.multi_reduction <add>, %select_n3A_1210, %reduce_sum3A_1211 [1] : vector<1x128xf32> to vector<1xf32>
    %broadcast_in_dim3A_1213 = vector.shape_cast %reduce_sum3A_1212 : vector<1xf32> to vector<1x1xf32>
    %eq3A_1214 = arith.constant 4 : i32
    %eq3A_1215 = vector.broadcast %eq3A_1214 : i32 to vector<1x128xi32>
    %eq3A_1216 = arith.cmpi eq, %iota3A_167, %eq3A_1215 : vector<1x128xi32>
    %jit3A_1217 = arith.constant 0.000000e+00 : f32
    %broadcast_in_dim3A_1218 = vector.broadcast %jit3A_1217 : f32 to vector<1x128xf32>
    %select_n3A_1219 = arith.select %eq3A_1216, %sub3A_744, %broadcast_in_dim3A_1218 : vector<1x128xi1>, vector<1x128xf32>
    %reduce_sum3A_1220 = arith.constant dense<0.000000e+00> : vector<1xf32>
    %reduce_sum3A_1221 = vector.multi_reduction <add>, %select_n3A_1219, %reduce_sum3A_1220 [1] : vector<1x128xf32> to vector<1xf32>
    %broadcast_in_dim3A_1222 = vector.shape_cast %reduce_sum3A_1221 : vector<1xf32> to vector<1x1xf32>
    %sub3A_1223 = vector.broadcast %broadcast_in_dim3A_1222 : vector<1x1xf32> to vector<1x128xf32>
    %sub3A_1224 = arith.subf %convert_element_type3A_746, %sub3A_1223 : vector<1x128xf32>
    %add3A_1225 = vector.broadcast %broadcast_in_dim3A_1213 : vector<1x1xf32> to vector<1x128xf32>
    %add3A_1226 = arith.addf %add3A_1225, %sub3A_1224 : vector<1x128xf32>
    %jit3A_1227 = arith.constant 0.000000e+00 : f32
    %broadcast_in_dim3A_1228 = vector.broadcast %jit3A_1227 : f32 to vector<1x128xf32>
    %select_n3A_1229 = arith.select %eq3A_1204, %add3A_1226, %broadcast_in_dim3A_1228 : vector<1x128xi1>, vector<1x128xf32>
    %add3A_1230 = arith.addf %add3A_1153, %select_n3A_1229 : vector<1x128xf32>
    %eq3A_1231 = arith.constant 4 : i32
    %eq3A_1232 = vector.broadcast %eq3A_1231 : i32 to vector<1x128xi32>
    %eq3A_1233 = arith.cmpi eq, %iota3A_167, %eq3A_1232 : vector<1x128xi32>
    %jit3A_1234 = arith.constant 0.000000e+00 : f32
    %broadcast_in_dim3A_1235 = vector.broadcast %jit3A_1234 : f32 to vector<1x128xf32>
    %select_n3A_1236 = arith.select %eq3A_1233, %add3A_313, %broadcast_in_dim3A_1235 : vector<1x128xi1>, vector<1x128xf32>
    %reduce_sum3A_1237 = arith.constant dense<0.000000e+00> : vector<1xf32>
    %reduce_sum3A_1238 = vector.multi_reduction <add>, %select_n3A_1236, %reduce_sum3A_1237 [1] : vector<1x128xf32> to vector<1xf32>
    %broadcast_in_dim3A_1239 = vector.shape_cast %reduce_sum3A_1238 : vector<1xf32> to vector<1x1xf32>
    %mul3A_1240 = arith.constant 5.120000e+02 : f32
    %mul3A_1241 = vector.broadcast %mul3A_1240 : f32 to vector<1x128xf32>
    %mul3A_1242 = arith.mulf %add3A_1226, %mul3A_1241 : vector<1x128xf32>
    %sub3A_1243 = vector.broadcast %broadcast_in_dim3A_1239 : vector<1x1xf32> to vector<1x128xf32>
    %sub3A_1244 = arith.subf %sub3A_1243, %mul3A_1242 : vector<1x128xf32>
    %jit3A_1245 = arith.constant 0.000000e+00 : f32
    %jit3A_1246 = arith.constant 5.120000e+02 : f32
    %max3A_1247 = vector.broadcast %jit3A_1245 : f32 to vector<1x128xf32>
    %max3A_1248 = arith.maximumf %max3A_1247, %sub3A_1244 : vector<1x128xf32>
    %min3A_1249 = vector.broadcast %jit3A_1246 : f32 to vector<1x128xf32>
    %min3A_1250 = arith.minimumf %min3A_1249, %max3A_1248 : vector<1x128xf32>
    %jit3A_1251 = arith.constant 0.000000e+00 : f32
    %broadcast_in_dim3A_1252 = vector.broadcast %jit3A_1251 : f32 to vector<1x128xf32>
    %select_n3A_1253 = arith.select %eq3A_1204, %min3A_1250, %broadcast_in_dim3A_1252 : vector<1x128xi1>, vector<1x128xf32>
    %add3A_1254 = arith.addf %add3A_1177, %select_n3A_1253 : vector<1x128xf32>
    %eq3A_1255 = arith.constant 4 : i32
    %eq3A_1256 = vector.broadcast %eq3A_1255 : i32 to vector<1x128xi32>
    %eq3A_1257 = arith.cmpi eq, %iota3A_167, %eq3A_1256 : vector<1x128xi32>
    %jit3A_1258 = arith.constant 0.000000e+00 : f32
    %broadcast_in_dim3A_1259 = vector.broadcast %jit3A_1258 : f32 to vector<1x128xf32>
    %select_n3A_1260 = arith.select %eq3A_1257, %add3A_569, %broadcast_in_dim3A_1259 : vector<1x128xi1>, vector<1x128xf32>
    %reduce_sum3A_1261 = arith.constant dense<0.000000e+00> : vector<1xf32>
    %reduce_sum3A_1262 = vector.multi_reduction <add>, %select_n3A_1260, %reduce_sum3A_1261 [1] : vector<1x128xf32> to vector<1xf32>
    %broadcast_in_dim3A_1263 = vector.shape_cast %reduce_sum3A_1262 : vector<1xf32> to vector<1x1xf32>
    %mul3A_1264 = arith.constant 5.120000e+02 : f32
    %mul3A_1265 = vector.broadcast %mul3A_1264 : f32 to vector<1x128xf32>
    %mul3A_1266 = arith.mulf %add3A_1226, %mul3A_1265 : vector<1x128xf32>
    %sub3A_1267 = vector.broadcast %broadcast_in_dim3A_1263 : vector<1x1xf32> to vector<1x128xf32>
    %sub3A_1268 = arith.subf %sub3A_1267, %mul3A_1266 : vector<1x128xf32>
    %jit3A_1269 = arith.constant 0.000000e+00 : f32
    %jit3A_1270 = arith.constant 5.120000e+02 : f32
    %max3A_1271 = vector.broadcast %jit3A_1269 : f32 to vector<1x128xf32>
    %max3A_1272 = arith.maximumf %max3A_1271, %sub3A_1268 : vector<1x128xf32>
    %min3A_1273 = vector.broadcast %jit3A_1270 : f32 to vector<1x128xf32>
    %min3A_1274 = arith.minimumf %min3A_1273, %max3A_1272 : vector<1x128xf32>
    %jit3A_1275 = arith.constant 0.000000e+00 : f32
    %broadcast_in_dim3A_1276 = vector.broadcast %jit3A_1275 : f32 to vector<1x128xf32>
    %select_n3A_1277 = arith.select %eq3A_1204, %min3A_1274, %broadcast_in_dim3A_1276 : vector<1x128xi1>, vector<1x128xf32>
    %add3A_1278 = arith.addf %add3A_1201, %select_n3A_1277 : vector<1x128xf32>
    %eq3A_1279 = arith.constant 5.000000e+00 : f32
    %eq3A_1280 = vector.broadcast %eq3A_1279 : f32 to vector<1x128xf32>
    %eq3A_1281 = arith.cmpf oeq, %min3A_885, %eq3A_1280 : vector<1x128xf32>
    %eq3A_1282 = arith.constant 5 : i32
    %eq3A_1283 = vector.broadcast %eq3A_1282 : i32 to vector<1x128xi32>
    %eq3A_1284 = arith.cmpi eq, %iota3A_167, %eq3A_1283 : vector<1x128xi32>
    %jit3A_1285 = arith.constant 0.000000e+00 : f32
    %broadcast_in_dim3A_1286 = vector.broadcast %jit3A_1285 : f32 to vector<1x128xf32>
    %select_n3A_1287 = arith.select %eq3A_1284, %floor3A, %broadcast_in_dim3A_1286 : vector<1x128xi1>, vector<1x128xf32>
    %reduce_sum3A_1288 = arith.constant dense<0.000000e+00> : vector<1xf32>
    %reduce_sum3A_1289 = vector.multi_reduction <add>, %select_n3A_1287, %reduce_sum3A_1288 [1] : vector<1x128xf32> to vector<1xf32>
    %broadcast_in_dim3A_1290 = vector.shape_cast %reduce_sum3A_1289 : vector<1xf32> to vector<1x1xf32>
    %eq3A_1291 = arith.constant 5 : i32
    %eq3A_1292 = vector.broadcast %eq3A_1291 : i32 to vector<1x128xi32>
    %eq3A_1293 = arith.cmpi eq, %iota3A_167, %eq3A_1292 : vector<1x128xi32>
    %jit3A_1294 = arith.constant 0.000000e+00 : f32
    %broadcast_in_dim3A_1295 = vector.broadcast %jit3A_1294 : f32 to vector<1x128xf32>
    %select_n3A_1296 = arith.select %eq3A_1293, %sub3A_744, %broadcast_in_dim3A_1295 : vector<1x128xi1>, vector<1x128xf32>
    %reduce_sum3A_1297 = arith.constant dense<0.000000e+00> : vector<1xf32>
    %reduce_sum3A_1298 = vector.multi_reduction <add>, %select_n3A_1296, %reduce_sum3A_1297 [1] : vector<1x128xf32> to vector<1xf32>
    %broadcast_in_dim3A_1299 = vector.shape_cast %reduce_sum3A_1298 : vector<1xf32> to vector<1x1xf32>
    %sub3A_1300 = vector.broadcast %broadcast_in_dim3A_1299 : vector<1x1xf32> to vector<1x128xf32>
    %sub3A_1301 = arith.subf %convert_element_type3A_746, %sub3A_1300 : vector<1x128xf32>
    %add3A_1302 = vector.broadcast %broadcast_in_dim3A_1290 : vector<1x1xf32> to vector<1x128xf32>
    %add3A_1303 = arith.addf %add3A_1302, %sub3A_1301 : vector<1x128xf32>
    %jit3A_1304 = arith.constant 0.000000e+00 : f32
    %broadcast_in_dim3A_1305 = vector.broadcast %jit3A_1304 : f32 to vector<1x128xf32>
    %select_n3A_1306 = arith.select %eq3A_1281, %add3A_1303, %broadcast_in_dim3A_1305 : vector<1x128xi1>, vector<1x128xf32>
    %add3A_1307 = arith.addf %add3A_1230, %select_n3A_1306 : vector<1x128xf32>
    %eq3A_1308 = arith.constant 5 : i32
    %eq3A_1309 = vector.broadcast %eq3A_1308 : i32 to vector<1x128xi32>
    %eq3A_1310 = arith.cmpi eq, %iota3A_167, %eq3A_1309 : vector<1x128xi32>
    %jit3A_1311 = arith.constant 0.000000e+00 : f32
    %broadcast_in_dim3A_1312 = vector.broadcast %jit3A_1311 : f32 to vector<1x128xf32>
    %select_n3A_1313 = arith.select %eq3A_1310, %add3A_313, %broadcast_in_dim3A_1312 : vector<1x128xi1>, vector<1x128xf32>
    %reduce_sum3A_1314 = arith.constant dense<0.000000e+00> : vector<1xf32>
    %reduce_sum3A_1315 = vector.multi_reduction <add>, %select_n3A_1313, %reduce_sum3A_1314 [1] : vector<1x128xf32> to vector<1xf32>
    %broadcast_in_dim3A_1316 = vector.shape_cast %reduce_sum3A_1315 : vector<1xf32> to vector<1x1xf32>
    %mul3A_1317 = arith.constant 5.120000e+02 : f32
    %mul3A_1318 = vector.broadcast %mul3A_1317 : f32 to vector<1x128xf32>
    %mul3A_1319 = arith.mulf %add3A_1303, %mul3A_1318 : vector<1x128xf32>
    %sub3A_1320 = vector.broadcast %broadcast_in_dim3A_1316 : vector<1x1xf32> to vector<1x128xf32>
    %sub3A_1321 = arith.subf %sub3A_1320, %mul3A_1319 : vector<1x128xf32>
    %jit3A_1322 = arith.constant 0.000000e+00 : f32
    %jit3A_1323 = arith.constant 5.120000e+02 : f32
    %max3A_1324 = vector.broadcast %jit3A_1322 : f32 to vector<1x128xf32>
    %max3A_1325 = arith.maximumf %max3A_1324, %sub3A_1321 : vector<1x128xf32>
    %min3A_1326 = vector.broadcast %jit3A_1323 : f32 to vector<1x128xf32>
    %min3A_1327 = arith.minimumf %min3A_1326, %max3A_1325 : vector<1x128xf32>
    %jit3A_1328 = arith.constant 0.000000e+00 : f32
    %broadcast_in_dim3A_1329 = vector.broadcast %jit3A_1328 : f32 to vector<1x128xf32>
    %select_n3A_1330 = arith.select %eq3A_1281, %min3A_1327, %broadcast_in_dim3A_1329 : vector<1x128xi1>, vector<1x128xf32>
    %add3A_1331 = arith.addf %add3A_1254, %select_n3A_1330 : vector<1x128xf32>
    %eq3A_1332 = arith.constant 5 : i32
    %eq3A_1333 = vector.broadcast %eq3A_1332 : i32 to vector<1x128xi32>
    %eq3A_1334 = arith.cmpi eq, %iota3A_167, %eq3A_1333 : vector<1x128xi32>
    %jit3A_1335 = arith.constant 0.000000e+00 : f32
    %broadcast_in_dim3A_1336 = vector.broadcast %jit3A_1335 : f32 to vector<1x128xf32>
    %select_n3A_1337 = arith.select %eq3A_1334, %add3A_569, %broadcast_in_dim3A_1336 : vector<1x128xi1>, vector<1x128xf32>
    %reduce_sum3A_1338 = arith.constant dense<0.000000e+00> : vector<1xf32>
    %reduce_sum3A_1339 = vector.multi_reduction <add>, %select_n3A_1337, %reduce_sum3A_1338 [1] : vector<1x128xf32> to vector<1xf32>
    %broadcast_in_dim3A_1340 = vector.shape_cast %reduce_sum3A_1339 : vector<1xf32> to vector<1x1xf32>
    %mul3A_1341 = arith.constant 5.120000e+02 : f32
    %mul3A_1342 = vector.broadcast %mul3A_1341 : f32 to vector<1x128xf32>
    %mul3A_1343 = arith.mulf %add3A_1303, %mul3A_1342 : vector<1x128xf32>
    %sub3A_1344 = vector.broadcast %broadcast_in_dim3A_1340 : vector<1x1xf32> to vector<1x128xf32>
    %sub3A_1345 = arith.subf %sub3A_1344, %mul3A_1343 : vector<1x128xf32>
    %jit3A_1346 = arith.constant 0.000000e+00 : f32
    %jit3A_1347 = arith.constant 5.120000e+02 : f32
    %max3A_1348 = vector.broadcast %jit3A_1346 : f32 to vector<1x128xf32>
    %max3A_1349 = arith.maximumf %max3A_1348, %sub3A_1345 : vector<1x128xf32>
    %min3A_1350 = vector.broadcast %jit3A_1347 : f32 to vector<1x128xf32>
    %min3A_1351 = arith.minimumf %min3A_1350, %max3A_1349 : vector<1x128xf32>
    %jit3A_1352 = arith.constant 0.000000e+00 : f32
    %broadcast_in_dim3A_1353 = vector.broadcast %jit3A_1352 : f32 to vector<1x128xf32>
    %select_n3A_1354 = arith.select %eq3A_1281, %min3A_1351, %broadcast_in_dim3A_1353 : vector<1x128xi1>, vector<1x128xf32>
    %add3A_1355 = arith.addf %add3A_1278, %select_n3A_1354 : vector<1x128xf32>
    %eq3A_1356 = arith.constant 6.000000e+00 : f32
    %eq3A_1357 = vector.broadcast %eq3A_1356 : f32 to vector<1x128xf32>
    %eq3A_1358 = arith.cmpf oeq, %min3A_885, %eq3A_1357 : vector<1x128xf32>
    %eq3A_1359 = arith.constant 6 : i32
    %eq3A_1360 = vector.broadcast %eq3A_1359 : i32 to vector<1x128xi32>
    %eq3A_1361 = arith.cmpi eq, %iota3A_167, %eq3A_1360 : vector<1x128xi32>
    %jit3A_1362 = arith.constant 0.000000e+00 : f32
    %broadcast_in_dim3A_1363 = vector.broadcast %jit3A_1362 : f32 to vector<1x128xf32>
    %select_n3A_1364 = arith.select %eq3A_1361, %floor3A, %broadcast_in_dim3A_1363 : vector<1x128xi1>, vector<1x128xf32>
    %reduce_sum3A_1365 = arith.constant dense<0.000000e+00> : vector<1xf32>
    %reduce_sum3A_1366 = vector.multi_reduction <add>, %select_n3A_1364, %reduce_sum3A_1365 [1] : vector<1x128xf32> to vector<1xf32>
    %broadcast_in_dim3A_1367 = vector.shape_cast %reduce_sum3A_1366 : vector<1xf32> to vector<1x1xf32>
    %eq3A_1368 = arith.constant 6 : i32
    %eq3A_1369 = vector.broadcast %eq3A_1368 : i32 to vector<1x128xi32>
    %eq3A_1370 = arith.cmpi eq, %iota3A_167, %eq3A_1369 : vector<1x128xi32>
    %jit3A_1371 = arith.constant 0.000000e+00 : f32
    %broadcast_in_dim3A_1372 = vector.broadcast %jit3A_1371 : f32 to vector<1x128xf32>
    %select_n3A_1373 = arith.select %eq3A_1370, %sub3A_744, %broadcast_in_dim3A_1372 : vector<1x128xi1>, vector<1x128xf32>
    %reduce_sum3A_1374 = arith.constant dense<0.000000e+00> : vector<1xf32>
    %reduce_sum3A_1375 = vector.multi_reduction <add>, %select_n3A_1373, %reduce_sum3A_1374 [1] : vector<1x128xf32> to vector<1xf32>
    %broadcast_in_dim3A_1376 = vector.shape_cast %reduce_sum3A_1375 : vector<1xf32> to vector<1x1xf32>
    %sub3A_1377 = vector.broadcast %broadcast_in_dim3A_1376 : vector<1x1xf32> to vector<1x128xf32>
    %sub3A_1378 = arith.subf %convert_element_type3A_746, %sub3A_1377 : vector<1x128xf32>
    %add3A_1379 = vector.broadcast %broadcast_in_dim3A_1367 : vector<1x1xf32> to vector<1x128xf32>
    %add3A_1380 = arith.addf %add3A_1379, %sub3A_1378 : vector<1x128xf32>
    %jit3A_1381 = arith.constant 0.000000e+00 : f32
    %broadcast_in_dim3A_1382 = vector.broadcast %jit3A_1381 : f32 to vector<1x128xf32>
    %select_n3A_1383 = arith.select %eq3A_1358, %add3A_1380, %broadcast_in_dim3A_1382 : vector<1x128xi1>, vector<1x128xf32>
    %add3A_1384 = arith.addf %add3A_1307, %select_n3A_1383 : vector<1x128xf32>
    %eq3A_1385 = arith.constant 6 : i32
    %eq3A_1386 = vector.broadcast %eq3A_1385 : i32 to vector<1x128xi32>
    %eq3A_1387 = arith.cmpi eq, %iota3A_167, %eq3A_1386 : vector<1x128xi32>
    %jit3A_1388 = arith.constant 0.000000e+00 : f32
    %broadcast_in_dim3A_1389 = vector.broadcast %jit3A_1388 : f32 to vector<1x128xf32>
    %select_n3A_1390 = arith.select %eq3A_1387, %add3A_313, %broadcast_in_dim3A_1389 : vector<1x128xi1>, vector<1x128xf32>
    %reduce_sum3A_1391 = arith.constant dense<0.000000e+00> : vector<1xf32>
    %reduce_sum3A_1392 = vector.multi_reduction <add>, %select_n3A_1390, %reduce_sum3A_1391 [1] : vector<1x128xf32> to vector<1xf32>
    %broadcast_in_dim3A_1393 = vector.shape_cast %reduce_sum3A_1392 : vector<1xf32> to vector<1x1xf32>
    %mul3A_1394 = arith.constant 5.120000e+02 : f32
    %mul3A_1395 = vector.broadcast %mul3A_1394 : f32 to vector<1x128xf32>
    %mul3A_1396 = arith.mulf %add3A_1380, %mul3A_1395 : vector<1x128xf32>
    %sub3A_1397 = vector.broadcast %broadcast_in_dim3A_1393 : vector<1x1xf32> to vector<1x128xf32>
    %sub3A_1398 = arith.subf %sub3A_1397, %mul3A_1396 : vector<1x128xf32>
    %jit3A_1399 = arith.constant 0.000000e+00 : f32
    %jit3A_1400 = arith.constant 5.120000e+02 : f32
    %max3A_1401 = vector.broadcast %jit3A_1399 : f32 to vector<1x128xf32>
    %max3A_1402 = arith.maximumf %max3A_1401, %sub3A_1398 : vector<1x128xf32>
    %min3A_1403 = vector.broadcast %jit3A_1400 : f32 to vector<1x128xf32>
    %min3A_1404 = arith.minimumf %min3A_1403, %max3A_1402 : vector<1x128xf32>
    %jit3A_1405 = arith.constant 0.000000e+00 : f32
    %broadcast_in_dim3A_1406 = vector.broadcast %jit3A_1405 : f32 to vector<1x128xf32>
    %select_n3A_1407 = arith.select %eq3A_1358, %min3A_1404, %broadcast_in_dim3A_1406 : vector<1x128xi1>, vector<1x128xf32>
    %add3A_1408 = arith.addf %add3A_1331, %select_n3A_1407 : vector<1x128xf32>
    %eq3A_1409 = arith.constant 6 : i32
    %eq3A_1410 = vector.broadcast %eq3A_1409 : i32 to vector<1x128xi32>
    %eq3A_1411 = arith.cmpi eq, %iota3A_167, %eq3A_1410 : vector<1x128xi32>
    %jit3A_1412 = arith.constant 0.000000e+00 : f32
    %broadcast_in_dim3A_1413 = vector.broadcast %jit3A_1412 : f32 to vector<1x128xf32>
    %select_n3A_1414 = arith.select %eq3A_1411, %add3A_569, %broadcast_in_dim3A_1413 : vector<1x128xi1>, vector<1x128xf32>
    %reduce_sum3A_1415 = arith.constant dense<0.000000e+00> : vector<1xf32>
    %reduce_sum3A_1416 = vector.multi_reduction <add>, %select_n3A_1414, %reduce_sum3A_1415 [1] : vector<1x128xf32> to vector<1xf32>
    %broadcast_in_dim3A_1417 = vector.shape_cast %reduce_sum3A_1416 : vector<1xf32> to vector<1x1xf32>
    %mul3A_1418 = arith.constant 5.120000e+02 : f32
    %mul3A_1419 = vector.broadcast %mul3A_1418 : f32 to vector<1x128xf32>
    %mul3A_1420 = arith.mulf %add3A_1380, %mul3A_1419 : vector<1x128xf32>
    %sub3A_1421 = vector.broadcast %broadcast_in_dim3A_1417 : vector<1x1xf32> to vector<1x128xf32>
    %sub3A_1422 = arith.subf %sub3A_1421, %mul3A_1420 : vector<1x128xf32>
    %jit3A_1423 = arith.constant 0.000000e+00 : f32
    %jit3A_1424 = arith.constant 5.120000e+02 : f32
    %max3A_1425 = vector.broadcast %jit3A_1423 : f32 to vector<1x128xf32>
    %max3A_1426 = arith.maximumf %max3A_1425, %sub3A_1422 : vector<1x128xf32>
    %min3A_1427 = vector.broadcast %jit3A_1424 : f32 to vector<1x128xf32>
    %min3A_1428 = arith.minimumf %min3A_1427, %max3A_1426 : vector<1x128xf32>
    %jit3A_1429 = arith.constant 0.000000e+00 : f32
    %broadcast_in_dim3A_1430 = vector.broadcast %jit3A_1429 : f32 to vector<1x128xf32>
    %select_n3A_1431 = arith.select %eq3A_1358, %min3A_1428, %broadcast_in_dim3A_1430 : vector<1x128xi1>, vector<1x128xf32>
    %add3A_1432 = arith.addf %add3A_1355, %select_n3A_1431 : vector<1x128xf32>
    %eq3A_1433 = arith.constant 7.000000e+00 : f32
    %eq3A_1434 = vector.broadcast %eq3A_1433 : f32 to vector<1x128xf32>
    %eq3A_1435 = arith.cmpf oeq, %min3A_885, %eq3A_1434 : vector<1x128xf32>
    %eq3A_1436 = arith.constant 7 : i32
    %eq3A_1437 = vector.broadcast %eq3A_1436 : i32 to vector<1x128xi32>
    %eq3A_1438 = arith.cmpi eq, %iota3A_167, %eq3A_1437 : vector<1x128xi32>
    %jit3A_1439 = arith.constant 0.000000e+00 : f32
    %broadcast_in_dim3A_1440 = vector.broadcast %jit3A_1439 : f32 to vector<1x128xf32>
    %select_n3A_1441 = arith.select %eq3A_1438, %floor3A, %broadcast_in_dim3A_1440 : vector<1x128xi1>, vector<1x128xf32>
    %reduce_sum3A_1442 = arith.constant dense<0.000000e+00> : vector<1xf32>
    %reduce_sum3A_1443 = vector.multi_reduction <add>, %select_n3A_1441, %reduce_sum3A_1442 [1] : vector<1x128xf32> to vector<1xf32>
    %broadcast_in_dim3A_1444 = vector.shape_cast %reduce_sum3A_1443 : vector<1xf32> to vector<1x1xf32>
    %eq3A_1445 = arith.constant 7 : i32
    %eq3A_1446 = vector.broadcast %eq3A_1445 : i32 to vector<1x128xi32>
    %eq3A_1447 = arith.cmpi eq, %iota3A_167, %eq3A_1446 : vector<1x128xi32>
    %jit3A_1448 = arith.constant 0.000000e+00 : f32
    %broadcast_in_dim3A_1449 = vector.broadcast %jit3A_1448 : f32 to vector<1x128xf32>
    %select_n3A_1450 = arith.select %eq3A_1447, %sub3A_744, %broadcast_in_dim3A_1449 : vector<1x128xi1>, vector<1x128xf32>
    %reduce_sum3A_1451 = arith.constant dense<0.000000e+00> : vector<1xf32>
    %reduce_sum3A_1452 = vector.multi_reduction <add>, %select_n3A_1450, %reduce_sum3A_1451 [1] : vector<1x128xf32> to vector<1xf32>
    %broadcast_in_dim3A_1453 = vector.shape_cast %reduce_sum3A_1452 : vector<1xf32> to vector<1x1xf32>
    %sub3A_1454 = vector.broadcast %broadcast_in_dim3A_1453 : vector<1x1xf32> to vector<1x128xf32>
    %sub3A_1455 = arith.subf %convert_element_type3A_746, %sub3A_1454 : vector<1x128xf32>
    %add3A_1456 = vector.broadcast %broadcast_in_dim3A_1444 : vector<1x1xf32> to vector<1x128xf32>
    %add3A_1457 = arith.addf %add3A_1456, %sub3A_1455 : vector<1x128xf32>
    %jit3A_1458 = arith.constant 0.000000e+00 : f32
    %broadcast_in_dim3A_1459 = vector.broadcast %jit3A_1458 : f32 to vector<1x128xf32>
    %select_n3A_1460 = arith.select %eq3A_1435, %add3A_1457, %broadcast_in_dim3A_1459 : vector<1x128xi1>, vector<1x128xf32>
    %add3A_1461 = arith.addf %add3A_1384, %select_n3A_1460 : vector<1x128xf32>
    %eq3A_1462 = arith.constant 7 : i32
    %eq3A_1463 = vector.broadcast %eq3A_1462 : i32 to vector<1x128xi32>
    %eq3A_1464 = arith.cmpi eq, %iota3A_167, %eq3A_1463 : vector<1x128xi32>
    %jit3A_1465 = arith.constant 0.000000e+00 : f32
    %broadcast_in_dim3A_1466 = vector.broadcast %jit3A_1465 : f32 to vector<1x128xf32>
    %select_n3A_1467 = arith.select %eq3A_1464, %add3A_313, %broadcast_in_dim3A_1466 : vector<1x128xi1>, vector<1x128xf32>
    %reduce_sum3A_1468 = arith.constant dense<0.000000e+00> : vector<1xf32>
    %reduce_sum3A_1469 = vector.multi_reduction <add>, %select_n3A_1467, %reduce_sum3A_1468 [1] : vector<1x128xf32> to vector<1xf32>
    %broadcast_in_dim3A_1470 = vector.shape_cast %reduce_sum3A_1469 : vector<1xf32> to vector<1x1xf32>
    %mul3A_1471 = arith.constant 5.120000e+02 : f32
    %mul3A_1472 = vector.broadcast %mul3A_1471 : f32 to vector<1x128xf32>
    %mul3A_1473 = arith.mulf %add3A_1457, %mul3A_1472 : vector<1x128xf32>
    %sub3A_1474 = vector.broadcast %broadcast_in_dim3A_1470 : vector<1x1xf32> to vector<1x128xf32>
    %sub3A_1475 = arith.subf %sub3A_1474, %mul3A_1473 : vector<1x128xf32>
    %jit3A_1476 = arith.constant 0.000000e+00 : f32
    %jit3A_1477 = arith.constant 5.120000e+02 : f32
    %max3A_1478 = vector.broadcast %jit3A_1476 : f32 to vector<1x128xf32>
    %max3A_1479 = arith.maximumf %max3A_1478, %sub3A_1475 : vector<1x128xf32>
    %min3A_1480 = vector.broadcast %jit3A_1477 : f32 to vector<1x128xf32>
    %min3A_1481 = arith.minimumf %min3A_1480, %max3A_1479 : vector<1x128xf32>
    %jit3A_1482 = arith.constant 0.000000e+00 : f32
    %broadcast_in_dim3A_1483 = vector.broadcast %jit3A_1482 : f32 to vector<1x128xf32>
    %select_n3A_1484 = arith.select %eq3A_1435, %min3A_1481, %broadcast_in_dim3A_1483 : vector<1x128xi1>, vector<1x128xf32>
    %add3A_1485 = arith.addf %add3A_1408, %select_n3A_1484 : vector<1x128xf32>
    %eq3A_1486 = arith.constant 7 : i32
    %eq3A_1487 = vector.broadcast %eq3A_1486 : i32 to vector<1x128xi32>
    %eq3A_1488 = arith.cmpi eq, %iota3A_167, %eq3A_1487 : vector<1x128xi32>
    %jit3A_1489 = arith.constant 0.000000e+00 : f32
    %broadcast_in_dim3A_1490 = vector.broadcast %jit3A_1489 : f32 to vector<1x128xf32>
    %select_n3A_1491 = arith.select %eq3A_1488, %add3A_569, %broadcast_in_dim3A_1490 : vector<1x128xi1>, vector<1x128xf32>
    %reduce_sum3A_1492 = arith.constant dense<0.000000e+00> : vector<1xf32>
    %reduce_sum3A_1493 = vector.multi_reduction <add>, %select_n3A_1491, %reduce_sum3A_1492 [1] : vector<1x128xf32> to vector<1xf32>
    %broadcast_in_dim3A_1494 = vector.shape_cast %reduce_sum3A_1493 : vector<1xf32> to vector<1x1xf32>
    %mul3A_1495 = arith.constant 5.120000e+02 : f32
    %mul3A_1496 = vector.broadcast %mul3A_1495 : f32 to vector<1x128xf32>
    %mul3A_1497 = arith.mulf %add3A_1457, %mul3A_1496 : vector<1x128xf32>
    %sub3A_1498 = vector.broadcast %broadcast_in_dim3A_1494 : vector<1x1xf32> to vector<1x128xf32>
    %sub3A_1499 = arith.subf %sub3A_1498, %mul3A_1497 : vector<1x128xf32>
    %jit3A_1500 = arith.constant 0.000000e+00 : f32
    %jit3A_1501 = arith.constant 5.120000e+02 : f32
    %max3A_1502 = vector.broadcast %jit3A_1500 : f32 to vector<1x128xf32>
    %max3A_1503 = arith.maximumf %max3A_1502, %sub3A_1499 : vector<1x128xf32>
    %min3A_1504 = vector.broadcast %jit3A_1501 : f32 to vector<1x128xf32>
    %min3A_1505 = arith.minimumf %min3A_1504, %max3A_1503 : vector<1x128xf32>
    %jit3A_1506 = arith.constant 0.000000e+00 : f32
    %broadcast_in_dim3A_1507 = vector.broadcast %jit3A_1506 : f32 to vector<1x128xf32>
    %select_n3A_1508 = arith.select %eq3A_1435, %min3A_1505, %broadcast_in_dim3A_1507 : vector<1x128xi1>, vector<1x128xf32>
    %add3A_1509 = arith.addf %add3A_1432, %select_n3A_1508 : vector<1x128xf32>
    %jit3A_1510 = arith.constant 7.000000e+00 : f32
    %broadcast_in_dim3A_1511 = vector.broadcast %jit3A_1510 : f32 to vector<1x128xf32>
    %select_n3A_1512 = arith.select %lt3A_887, %add3A_1461, %broadcast_in_dim3A_1511 : vector<1x128xi1>, vector<1x128xf32>
    %jit3A_1513 = arith.constant 7.000000e+00 : f32
    %broadcast_in_dim3A_1514 = vector.broadcast %jit3A_1513 : f32 to vector<1x128xf32>
    %select_n3A_1515 = arith.select %lt3A_887, %min3A_885, %broadcast_in_dim3A_1514 : vector<1x128xi1>, vector<1x128xf32>
    %jit3A_1516 = arith.constant 0.000000e+00 : f32
    %broadcast_in_dim3A_1517 = vector.broadcast %jit3A_1516 : f32 to vector<1x128xf32>
    %select_n3A_1518 = arith.select %lt3A_887, %add3A_1485, %broadcast_in_dim3A_1517 : vector<1x128xi1>, vector<1x128xf32>
    %jit3A_1519 = arith.constant 0.000000e+00 : f32
    %broadcast_in_dim3A_1520 = vector.broadcast %jit3A_1519 : f32 to vector<1x128xf32>
    %select_n3A_1521 = arith.select %lt3A_887, %add3A_1509, %broadcast_in_dim3A_1520 : vector<1x128xi1>, vector<1x128xf32>
    %iota3A_1522 = tpu.iota {dimensions = array<i32: 0>} : vector<8x128xi32>
    %eq3A_1523 = arith.constant 0 : i32
    %eq3A_1524 = vector.broadcast %eq3A_1523 : i32 to vector<8x128xi32>
    %eq3A_1525 = arith.cmpi eq, %iota3A_1522, %eq3A_1524 : vector<8x128xi32>
    %broadcast_in_dim3A_1526 = vector.shape_cast %add3A_313 : vector<1x128xf32> to vector<1x128xf32>
    %broadcast_in_dim3A_1527 = vector.broadcast %broadcast_in_dim3A_1526 : vector<1x128xf32> to vector<8x128xf32>
    %jit3A_1528 = arith.constant 0.000000e+00 : f32
    %broadcast_in_dim3A_1529 = vector.broadcast %jit3A_1528 : f32 to vector<8x128xf32>
    %select_n3A_1530 = arith.select %eq3A_1525, %broadcast_in_dim3A_1527, %broadcast_in_dim3A_1529 : vector<8x128xi1>, vector<8x128xf32>
    %eq3A_1531 = arith.constant 1 : i32
    %eq3A_1532 = vector.broadcast %eq3A_1531 : i32 to vector<8x128xi32>
    %eq3A_1533 = arith.cmpi eq, %iota3A_1522, %eq3A_1532 : vector<8x128xi32>
    %broadcast_in_dim3A_1534 = vector.shape_cast %broadcast_in_dim3A_166 : vector<1x128xf32> to vector<1x128xf32>
    %broadcast_in_dim3A_1535 = vector.broadcast %broadcast_in_dim3A_1534 : vector<1x128xf32> to vector<8x128xf32>
    %jit3A_1536 = arith.constant 0.000000e+00 : f32
    %broadcast_in_dim3A_1537 = vector.broadcast %jit3A_1536 : f32 to vector<8x128xf32>
    %select_n3A_1538 = arith.select %eq3A_1533, %broadcast_in_dim3A_1535, %broadcast_in_dim3A_1537 : vector<8x128xi1>, vector<8x128xf32>
    %add3A_1539 = arith.addf %select_n3A_1530, %select_n3A_1538 : vector<8x128xf32>
    %eq3A_1540 = arith.constant 2 : i32
    %eq3A_1541 = vector.broadcast %eq3A_1540 : i32 to vector<8x128xi32>
    %eq3A_1542 = arith.cmpi eq, %iota3A_1522, %eq3A_1541 : vector<8x128xi32>
    %broadcast_in_dim3A_1543 = vector.shape_cast %select_n3A_1512 : vector<1x128xf32> to vector<1x128xf32>
    %broadcast_in_dim3A_1544 = vector.broadcast %broadcast_in_dim3A_1543 : vector<1x128xf32> to vector<8x128xf32>
    %jit3A_1545 = arith.constant 0.000000e+00 : f32
    %broadcast_in_dim3A_1546 = vector.broadcast %jit3A_1545 : f32 to vector<8x128xf32>
    %select_n3A_1547 = arith.select %eq3A_1542, %broadcast_in_dim3A_1544, %broadcast_in_dim3A_1546 : vector<8x128xi1>, vector<8x128xf32>
    %add3A_1548 = arith.addf %add3A_1539, %select_n3A_1547 : vector<8x128xf32>
    %eq3A_1549 = arith.constant 3 : i32
    %eq3A_1550 = vector.broadcast %eq3A_1549 : i32 to vector<8x128xi32>
    %eq3A_1551 = arith.cmpi eq, %iota3A_1522, %eq3A_1550 : vector<8x128xi32>
    %broadcast_in_dim3A_1552 = vector.shape_cast %select_n3A_1515 : vector<1x128xf32> to vector<1x128xf32>
    %broadcast_in_dim3A_1553 = vector.broadcast %broadcast_in_dim3A_1552 : vector<1x128xf32> to vector<8x128xf32>
    %jit3A_1554 = arith.constant 0.000000e+00 : f32
    %broadcast_in_dim3A_1555 = vector.broadcast %jit3A_1554 : f32 to vector<8x128xf32>
    %select_n3A_1556 = arith.select %eq3A_1551, %broadcast_in_dim3A_1553, %broadcast_in_dim3A_1555 : vector<8x128xi1>, vector<8x128xf32>
    %add3A_1557 = arith.addf %add3A_1548, %select_n3A_1556 : vector<8x128xf32>
    %eq3A_1558 = arith.constant 4 : i32
    %eq3A_1559 = vector.broadcast %eq3A_1558 : i32 to vector<8x128xi32>
    %eq3A_1560 = arith.cmpi eq, %iota3A_1522, %eq3A_1559 : vector<8x128xi32>
    %broadcast_in_dim3A_1561 = vector.shape_cast %select_n3A_1518 : vector<1x128xf32> to vector<1x128xf32>
    %broadcast_in_dim3A_1562 = vector.broadcast %broadcast_in_dim3A_1561 : vector<1x128xf32> to vector<8x128xf32>
    %jit3A_1563 = arith.constant 0.000000e+00 : f32
    %broadcast_in_dim3A_1564 = vector.broadcast %jit3A_1563 : f32 to vector<8x128xf32>
    %select_n3A_1565 = arith.select %eq3A_1560, %broadcast_in_dim3A_1562, %broadcast_in_dim3A_1564 : vector<8x128xi1>, vector<8x128xf32>
    %add3A_1566 = arith.addf %add3A_1557, %select_n3A_1565 : vector<8x128xf32>
    %eq3A_1567 = arith.constant 5 : i32
    %eq3A_1568 = vector.broadcast %eq3A_1567 : i32 to vector<8x128xi32>
    %eq3A_1569 = arith.cmpi eq, %iota3A_1522, %eq3A_1568 : vector<8x128xi32>
    %broadcast_in_dim3A_1570 = vector.shape_cast %select_n3A_1521 : vector<1x128xf32> to vector<1x128xf32>
    %broadcast_in_dim3A_1571 = vector.broadcast %broadcast_in_dim3A_1570 : vector<1x128xf32> to vector<8x128xf32>
    %jit3A_1572 = arith.constant 0.000000e+00 : f32
    %broadcast_in_dim3A_1573 = vector.broadcast %jit3A_1572 : f32 to vector<8x128xf32>
    %select_n3A_1574 = arith.select %eq3A_1569, %broadcast_in_dim3A_1571, %broadcast_in_dim3A_1573 : vector<8x128xi1>, vector<8x128xf32>
    %add3A_1575 = arith.addf %add3A_1566, %select_n3A_1574 : vector<8x128xf32>
    %convert_element_type3A_1576 = arith.fptosi %add3A_1575 : vector<8x128xf32> to vector<8x128xi32>
    %swap3A_1577 = arith.constant 0 : index
    %swap3A_1578 = arith.constant 0 : index
    %swap3A_1579 = vector.load %arg2[%swap3A_1577, %swap3A_1578] : memref<8x128xi32, #tpu.memory_space<vmem>>, vector<8x128xi32>
    tpu.vector_store %arg2[%swap3A_1577, %swap3A_1578], %convert_element_type3A_1576 {strides = array<i32>} : memref<8x128xi32, #tpu.memory_space<vmem>>, vector<8x128xi32>,
    return
  }
}

module attributes {stable_mosaic.version = 14 : i64} {
  func.func @_comb_body(%arg0: i32, %arg1: memref<512x768xf32, #tpu.memory_space<vmem>>, %arg2: memref<512x768xf32, #tpu.memory_space<vmem>>, %arg3: memref<512x1xf32, #tpu.memory_space<vmem>>, %arg4: memref<512x1xf32, #tpu.memory_space<vmem>>, %arg5: memref<512x768xf32, #tpu.memory_space<vmem>>) attributes {dimension_semantics = [#tpu.dimension_semantics<arbitrary>], iteration_bounds = array<i64: 4>, scalar_prefetch = 0 : i64, scratch_operands = 0 : i64, tpu.core_type = #tpu.core_type<tc>, window_params = [{transform_indices = @transform_0, window_bounds = array<i64: 512, 768>}, {transform_indices = @transform_1, window_bounds = array<i64: 512, 768>}, {transform_indices = @transform_2, window_bounds = array<i64: 512, 1>}, {transform_indices = @transform_3, window_bounds = array<i64: 512, 1>}, {transform_indices = @transform_4, window_bounds = array<i64: 512, 768>}]} {
    %get3A = arith.constant 0 : index
    %get3A_0 = arith.constant 0 : index
    %get3A_1 = vector.load %arg3[%get3A, %get3A_0] : memref<512x1xf32, #tpu.memory_space<vmem>>, vector<512x1xf32>
    %get3A_2 = arith.constant 0 : index
    %get3A_3 = arith.constant 0 : index
    %get3A_4 = vector.load %arg1[%get3A_2, %get3A_3] : memref<512x768xf32, #tpu.memory_space<vmem>>, vector<512x768xf32>
    %mul3A = vector.broadcast %get3A_1 : vector<512x1xf32> to vector<512x768xf32>
    %mul3A_5 = arith.mulf %mul3A, %get3A_4 : vector<512x768xf32>
    %get3A_6 = arith.constant 0 : index
    %get3A_7 = arith.constant 0 : index
    %get3A_8 = vector.load %arg4[%get3A_6, %get3A_7] : memref<512x1xf32, #tpu.memory_space<vmem>>, vector<512x1xf32>
    %get3A_9 = arith.constant 0 : index
    %get3A_10 = arith.constant 0 : index
    %get3A_11 = vector.load %arg2[%get3A_9, %get3A_10] : memref<512x768xf32, #tpu.memory_space<vmem>>, vector<512x768xf32>
    %mul3A_12 = vector.broadcast %get3A_8 : vector<512x1xf32> to vector<512x768xf32>
    %mul3A_13 = arith.mulf %mul3A_12, %get3A_11 : vector<512x768xf32>
    %add3A = arith.addf %mul3A_5, %mul3A_13 : vector<512x768xf32>
    %swap3A = arith.constant 0 : index
    %swap3A_14 = arith.constant 0 : index
    %swap3A_15 = vector.load %arg5[%swap3A, %swap3A_14] : memref<512x768xf32, #tpu.memory_space<vmem>>, vector<512x768xf32>
    tpu.vector_store %arg5[%swap3A, %swap3A_14], %add3A {strides = array<i32>} : memref<512x768xf32, #tpu.memory_space<vmem>>, vector<512x768xf32>,
    return
  }
  func.func @transform_0(%arg0: i32) -> (i32, i32) {
    %c0_i32 = arith.constant 0 : i32
    %c0_i32_0 = arith.constant 0 : i32
    return %arg0, %c0_i32 : i32, i32
  }
  func.func @transform_1(%arg0: i32) -> (i32, i32) {
    %c0_i32 = arith.constant 0 : i32
    %c0_i32_0 = arith.constant 0 : i32
    return %arg0, %c0_i32 : i32, i32
  }
  func.func @transform_2(%arg0: i32) -> (i32, i32) {
    %c0_i32 = arith.constant 0 : i32
    %c0_i32_0 = arith.constant 0 : i32
    return %arg0, %c0_i32 : i32, i32
  }
  func.func @transform_3(%arg0: i32) -> (i32, i32) {
    %c0_i32 = arith.constant 0 : i32
    %c0_i32_0 = arith.constant 0 : i32
    return %arg0, %c0_i32 : i32, i32
  }
  func.func @transform_4(%arg0: i32) -> (i32, i32) {
    %c0_i32 = arith.constant 0 : i32
    %c0_i32_0 = arith.constant 0 : i32
    return %arg0, %c0_i32 : i32, i32
  }
}

</mosaic_0001>

<sc_bundles>
// kernel: kernel.11.cloned.1.call-start
scs
__scs_entry_jumppad:
0x0: {  	(pc) =	sbr.rel $0x88, $3  }
0x1: {  	(tag) =	ssettag $0x0;
	lr =	simm.s32 $0x1  }
0x2: {  	[smem:$0x3F9A] =	sst lr;
	_ =	strace $0xD0000000  }
0x3: {  	_ = 	snop  }
0x4: {  	_ = 	snop  }
0x5: {  	_ = 	snop  }
0x6: {  	_ = 	snop  }
0x7: {  	_ = 	snop  }
__scs_overlays_trampoline_lowered:
0x8: {  	[smem:$0x3FA9] =	sst s0  }
0x9: {  	[smem:$0x3FAA] =	sst s1  }
0xa: {  	[smem:$0x3FAB] =	sst s2  }
0xb: {  	[smem:$0x3FAC] =	sst s3  }
0xc: {  	[smem:$0x3FAD] =	sst s4  }
0xd: {  	[smem:$0x3FAE] =	sst s5  }
0xe: {  	[smem:$0x3FAF] =	sst s6  }
0xf: {  	[smem:$0x3FB0] =	sst s7  }
0x10: {  	[smem:$0x3FB1] =	sst s8  }
0x11: {  	[smem:$0x3FB2] =	sst s9;
	s0 =	simm.s32 @!p0 $0x0  }
0x12: {  	s1 =	sld [smem:$0x3F98];
	s0 =	simm.s32 @p0 $0x1  }
0x13: {  	[smem:$0x3FB3] =	sst s0;
	s0 =	simm.s32 @!p1 $0x0  }
0x14: {  	s2 =	sld [smem:$0x3F97];
	s0 =	simm.s32 @p1 $0x1  }
0x15: {  	[smem:$0x3FB4] =	sst s0;
	s0 =	simm.s32 @!p2 $0x0  }
0x16: {  	s3 =	sld [smem:$0x3FDB];
	s0 =	simm.s32 @p2 $0x1  }
0x17: {  	s4 =	simm.s32 $0x1BF5;
	[smem:$0x3FB6] =	sst s0  }
0x18: {  	s0 =	sld [smem:$0x3F99];
	_ =	swait.ge [sflag:s4], $0x0  }
0x19: {  	s7 =	sld [smem:$0x3F9A]  }
0x1a: {  	s8 =	sadd.s32 $0xFFFFE003, lr  }
0x1b: {  	s9 =	sadd.s32 $0xFFFFFEF7, lr;
	s5 =	simm.s32 $0xFFFFFFFF;
	p2 =	slt.u32 s8, $0xFFFFF086  }
0x1c: {  	p1 =	slt.u32 s9, $0xF7A;
	s5 =	simm.s32 @!p2 $0x0  }
0x1d: {  	s5 =	simm.s32 @p1 $0x1;
	p0 =	seq.s32 s7, s2  }
0x1e: {  	s7 =	smul.u32 @!p0 $0xF7A, s2;
	p2 =	seq.s32 @!p0 s5, $0x0  }
0x1f: {  	s9 =	smul.u32 $0xF7A, s1;
	s8 =	simm.s32 @!p0 $0x1BF5;
	p2 =	por !p2, p0  }
0x20: {  	[sflag:s8] =	ssyncset.s32 @!p0 $0xFFFFF086;
	s6 =	sadd.s32 @!p0 s3, s7;
	s7 =	simm.s32 @!p0 $0x108  }
0x21: {  	s3 =	sadd.s32 s3, s9;
	s6 =	sadd.s32 @!p0 $0x88, s6;
	s7 =	simm.s32 @p2 $0x1082  }
0x22: {  	[simem:s7], [sflag:s8] =	dma.local @!p0 [hbm:s6], $0xF7A  }
0x23: {  	s9 =	sor.u32 $0xD0000000, s2;
	s6 =	simm.s32 $0x108;
	_ =	swait.ge @!p0 [sflag:s8], $0x0  }
0x24: {  	s3 =	sadd.s32 $0x88, s3;
	s6 =	simm.s32 @!p1 $0x1082;
	[sflag:s4] =	ssyncset.s32 $0xFFFFF086  }
0x25: {  	[simem:s6], [sflag:s4] =	dma.local [hbm:s3], $0xF7A  }
0x26: {  	[smem:$0x3F9A] =	sst s1;
	(tag) =	ssettag s2;
	_ =	strace s9  }
0x27: {  	s1 =	sld [smem:$0x3FAA]  }
0x28: {  	s2 =	sld [smem:$0x3FAB]  }
0x29: {  	s4 =	sld [smem:$0x3FAD]  }
0x2a: {  	p0 =	seq.s32 s5, $0x0;
	s5 =	sld [smem:$0x3FAE]  }
0x2b: {  	s6 =	sld [smem:$0x3FAF]  }
0x2c: {  	s7 =	sld [smem:$0x3FB0]  }
0x2d: {  	s3 =	simm.s32 $0x108;
	s8 =	sld [smem:$0x3FB1]  }
0x2e: {  	s3 =	simm.s32 @!p0 $0x1082;
	s9 =	sld [smem:$0x3FB2]  }
0x2f: {  	lr =	sadd.s32 s0, s3;
	s0 =	sld [smem:$0x3FA9]  }
0x30: {  	s3 =	sld [smem:$0x3FAC]  }
0x31: {  	[smem:$0x3FB5] =	sst s10  }
0x32: {  	s10 =	sld [smem:$0x3FB3];
	_ =	sdelay $0x3  }
0x33: {  	p0 =	seq.s32 s10, $0x1;
	s10 =	sld [smem:$0x3FB5];
	_ =	sdelay $0x3  }
0x34: {  	[smem:$0x3FB5] =	sst s10  }
0x35: {  	s10 =	sld [smem:$0x3FB4];
	_ =	sdelay $0x3  }
0x36: {  	p1 =	seq.s32 s10, $0x1;
	s10 =	sld [smem:$0x3FB5];
	_ =	sdelay $0x3  }
0x37: {  	[smem:$0x3FB5] =	sst s10  }
0x38: {  	s10 =	sld [smem:$0x3FB6]  }
0x39: {  	_ = 	snop;
	(pc) =	sbr.ind lr, $3  }
0x3a: {  	_ = 	snop  }
0x3b: {  	_ = 	snop  }
0x3c: {  	p2 =	seq.s32 s10, $0x1;
	s10 =	sld [smem:$0x3FB5]  }
0x3d: {  	_ =	shalt  }
0x3e: {  	_ =	shalt  }
0x3f: {  	_ =	shalt  }
0x40: {  	_ =	shalt  }
0x41: {  	_ =	shalt  }
0x42: {  	_ =	shalt  }
0x43: {  	_ =	shalt  }
0x44: {  	_ =	shalt  }
0x45: {  	_ =	shalt  }
0x46: {  	_ =	shalt  }
0x47: {  	_ =	shalt  }
0x48: {  	_ =	shalt  }
0x49: {  	_ =	shalt  }
0x4a: {  	_ =	shalt  }
0x4b: {  	_ =	shalt  }
0x4c: {  	_ =	shalt  }
0x4d: {  	_ =	shalt  }
0x4e: {  	_ =	shalt  }
0x4f: {  	_ =	shalt  }
0x50: {  	_ =	shalt  }
0x51: {  	_ =	shalt  }
0x52: {  	_ =	shalt  }
0x53: {  	_ =	shalt  }
0x54: {  	_ =	shalt  }
0x55: {  	_ =	shalt  }
0x56: {  	_ =	shalt  }
0x57: {  	_ =	shalt  }
0x58: {  	_ =	shalt  }
0x59: {  	_ =	shalt  }
0x5a: {  	_ =	shalt  }
0x5b: {  	_ =	shalt  }
0x5c: {  	_ =	shalt  }
0x5d: {  	_ =	shalt  }
0x5e: {  	_ =	shalt  }
0x5f: {  	_ =	shalt  }
0x60: {  	_ =	shalt  }
0x61: {  	_ =	shalt  }
0x62: {  	_ =	shalt  }
0x63: {  	_ =	shalt  }
0x64: {  	_ =	shalt  }
0x65: {  	_ =	shalt  }
0x66: {  	_ =	shalt  }
0x67: {  	_ =	shalt  }
0x68: {  	_ =	shalt  }
0x69: {  	_ =	shalt  }
0x6a: {  	_ =	shalt  }
0x6b: {  	_ =	shalt  }
0x6c: {  	_ =	shalt  }
0x6d: {  	_ =	shalt  }
0x6e: {  	_ =	shalt  }
0x6f: {  	_ =	shalt  }
0x70: {  	_ =	shalt  }
0x71: {  	_ =	shalt  }
0x72: {  	_ =	shalt  }
0x73: {  	_ =	shalt  }
0x74: {  	_ =	shalt  }
0x75: {  	_ =	shalt  }
0x76: {  	_ =	shalt  }
0x77: {  	_ =	shalt  }
0x78: {  	_ =	shalt  }
0x79: {  	_ =	shalt  }
0x7a: {  	_ =	shalt  }
0x7b: {  	_ =	shalt  }
0x7c: {  	_ =	shalt  }
0x7d: {  	_ =	shalt  }
0x7e: {  	_ =	shalt  }
0x7f: {  	_ =	shalt  }
0x80: {  	_ =	shalt  }
0x81: {  	_ =	shalt  }
0x82: {  	_ =	shalt  }
0x83: {  	_ =	shalt  }
0x84: {  	_ =	shalt  }
0x85: {  	_ =	shalt  }
0x86: {  	_ =	shalt  }
0x87: {  	_ =	shalt  }
.Lfunc_end0:
.L_simem_size_0:
called_computation.1_lowered:
.L_overlay_start_0:
0x88: {  	s2 =	sld [smem:$0x3FD9]  }
0x89: {  	s3 =	sld [smem:$0x3FFE];
	_ =	sdelay $0x1  }
0x8a: {  	s1 =	srdreg.scid  }
0x8b: {  	s0 =	sand.u32 $0x1, s1  }
0x8c: {  	s17 =	sshll.u32 s0, $0xA;
	s2 =	sadd.s32 s3, s2  }
0x8d: {  	s2 =	sadd.s32 s2, s17  }
0x8e: {  	[smem:$0x3FC1] =	sst s2  }
0x8f: {  	_ = 	snop  }
0x90: {  	s2 =	sld [smem:$0x3FD0];
	(tm) =	ssettm $0x1  }
0x91: {  	s18 =	sld [smem:$0x3FFB];
	_ =	sdelay $0x3  }
0x92: {  	_ =	strace s18  }
0x93: {  	s3 =	sld [smem:$0x3FFC];
	_ =	sdelay $0x3  }
0x94: {  	_ =	strace s3  }
0x95: {  	s3 =	sld [smem:$0x3FFD];
	_ =	sdelay $0x3  }
0x96: {  	_ =	strace s3  }
0x97: {  	_ =	strace $0x8FFFFFFF  }
0x98: {  	s19 =	sld [smem:$0x3FDB];
	_ =	sdelay $0x1  }
0x99: {  	s4 =	simm.s32 $_scs_section_size  }
0x9a: {  	s5 =	simm.s32 $_size__tile_overlayer_lowered;
	s6 =	simm.s32 $_tile_overlayer_lowered  }
0x9b: {  	s22 =	simm.s32 $0x1BFF;
	s21 =	sshll.u32 s6, $0x1;
	s3 =	sadd.s32 s4, s19  }
0x9c: {  	s7 =	simm.s32 $0x0;
	s20 =	sshll.u32 s5, $0x1;
	s5 =	sadd.s32 s21, s3  }
0x9d: {  	[timem:s7], [sflag:s22] =	dma.local [hbm:s5], s20  }
0x9e: {  	_ =	swait.ge [sflag:s22], s20  }
0x9f: {  	s4 =	ssub.s32 $0x0, s20;
	[sflag:s22] =	ssyncset.done $0x0  }
0xa0: {  	[sflag:s22] =	ssyncadd.s32 s4;
	_ =	sdelay $0x1  }
0xa1: {  	s23 =	simm.s32 $0x1B8B  }
0xa2: {  	_ =	swait.ge [sflag:s23], $0x1  }
0xa3: {  	[sflag:s23] =	ssyncset.done $0x0  }
0xa4: {  	s25 =	simm.s32 $0x1B8E;
	s24 =	sld [smem:$0x3FFE];
	[sflag:s23] =	ssyncadd.s32 $0xFFFFFFFF  }
0xa5: {  	s26 =	simm.s32 $execute0_lowered;
	[smem:$0x3FD2] =	sst s25  }
0xa6: {  	s5 =	sshll.u32 s26, $0x1;
	_ =	strace $0x80000049;
	[dreg:$0x1] =	wrdreg $0xFFFFFFFF  }
0xa7: {  	s28 =	simm.s32 $_size_execute0_lowered;
	s3 =	sadd.s32 s3, s5;
	[dreg:$0x0] =	wrdreg $0x0  }
0xa8: {  	s5 =	sshll.u32 s28, $0x1;
	[dreg:$0x2] =	wrdreg s3  }
0xa9: {  	[dreg:$0x3] =	wrdreg s5  }
0xaa: {  	[dreg:$0x4] =	wrdreg $0xC0  }
0xab: {  	_ =	task [dreg:s7], $0x5FFFF  }
0xac: {  	[dreg:$0x1] =	wrdreg $0xFFFFFFFF  }
0xad: {  	[dreg:$0x0] =	wrdreg $0x60  }
0xae: {  	[dreg:$0x2] =	wrdreg s24  }
0xaf: {  	[dreg:$0x3] =	wrdreg s2  }
0xb0: {  	[dreg:$0x4] =	wrdreg $0x9  }
0xb1: {  	_ =	task.clear_ibuf [dreg:s7], $0x5FFFF;
	_ =	strace $0x90000049  }
0xb2: {  	s29 =	simm.s32 $0x9;
	_ =	strace $0x8000004B  }
0xb3: {  	_ =	swait.ge [sflag:s29], $0x1  }
0xb4: {  	[sflag:s29] =	ssyncadd.s32 $0xFFFFFFFF  }
0xb5: {  	_ =	strace $0x9000004B  }
0xb6: {  	_ =	sfence  }
0xb7: {  	s30 =	sld [smem:$0x0];
	_ =	sdelay $0x2  }
0xb8: {  	s31 =	sshll.u32 s1, $0xD;
	s1 =	sshrl.u32 s1, $0x2  }
0xb9: {  	s3 =	sand.u32 $0x4000, s31;
	s1 =	sadd.s32 s1, s30  }
0xba: {  	s0 =	sor.u32 s3, s0;
	s1 =	sshll.u32 s1, $0x11  }
0xbb: {  	s0 =	sor.u32 s1, s0  }
0xbc: {  	s0 =	sadd.s32 $0x8F2B, s0  }
0xbd: {  	[sflag:s0] =	ssyncadd.remote.s32 $0x1  }
0xbe: {  	_ =	sfence.sel $0xFFFF  }
0xbf: {  	[dreg:$0x0] =	wrdreg $0xFFFFFFFF;
	(pc) =	sbr.abs _section_cstart, $3  }
0xc0: {  	[dreg:$0x1] =	wrdreg $0xFFFFFFFF  }
0xc1: {  	_ =	task.clear_ibuf [dreg:s7], $0x2FFFF;
	_ =	strace $0x9FFFFFFF  }
0xc2: {  	(tm) =	ssettm $0x7FFFFFFF  }
0xc3: {  	_ =	shalt  }
tec
execute0_lowered:
.L_overlay_start_1:
0x0: {  	(tag) =	ssettag $0x1  }
0x1: {  	s2 =	srdreg.scid;
	s1 =	rddreg [dreg:$0x0]  }
0x2: {  	s3 =	rddreg [dreg:$0x1];
	s4 =	sand.u32 $0x1, s2;
	s2 =	simm.s32 $0x0  }
0x3: {  	s20 =	simm.s32 $0x80;
	[smem:$0x7FF] =	sst s2  }
0x4: {  	s21 =	simm.s32 $0x900;
	_ =	strace $0x8000004A;
	[dreg:$0x7] =	wrdreg s20  }
0x5: {  	s22 =	simm.s32 $0x1100;
	[dreg:$0x8] =	wrdreg s21  }
0x6: {  	s23 =	simm.s32 $0x1900;
	[dreg:$0x9] =	wrdreg s22  }
0x7: {  	s24 =	simm.s32 $0x2100;
	[dreg:$0xa] =	wrdreg s23  }
0x8: {  	s25 =	simm.s32 $0x2900;
	[dreg:$0xb] =	wrdreg s24  }
0x9: {  	s0 =	stileid.u32;
	s26 =	simm.s32 $0x3100;
	[dreg:$0xc] =	wrdreg s25  }
0xa: {  	s17 =	sshll.u32 s0, $0x1;
	s0 =	simm.s32 $0x3900;
	[dreg:$0xd] =	wrdreg s26  }
0xb: {  	s8 =	simm.s32 $0x5900;
	[dreg:$0xe] =	wrdreg s0  }
0xc: {  	s9 =	simm.s32 $0x6100;
	[dreg:$0x12] =	wrdreg s8  }
0xd: {  	s10 =	simm.s32 $0x6900;
	[dreg:$0x13] =	wrdreg s9  }
0xe: {  	s11 =	simm.s32 $0x7100;
	s12 =	simm.s32 $0x7900;
	[dreg:$0x14] =	wrdreg s10  }
0xf: {  	s13 =	simm.s32 $0x8100;
	s14 =	simm.s32 $0x8900;
	[dreg:$0x15] =	wrdreg s11  }
0x10: {  	s15 =	simm.s32 $0x9100;
	s16 =	simm.s32 $0x9900;
	[dreg:$0x16] =	wrdreg s12  }
0x11: {  	s28 =	simm.s32 $0x17900;
	s29 =	simm.s32 $0x1;
	[dreg:$0x17] =	wrdreg s13  }
0x12: {  	s30 =	simm.s32 $0x2;
	s31 =	simm.s32 $0x3;
	[dreg:$0x18] =	wrdreg s14  }
0x13: {  	s5 =	sor.u32 s4, s17;
	s17 =	simm.s32 $0xA100;
	[dreg:$0x19] =	wrdreg s15  }
0x14: {  	s4 =	ssub.s32 $0x2, s4;
	s6 =	sshll.u32 s5, $0x4;
	[dreg:$0x1a] =	wrdreg s16  }
0x15: {  	s5 =	smul.u32 $0x1800, s5;
	[dreg:$0x1b] =	wrdreg s17;
	s20 =	simm.s32 $0xB100  }
0x16: {  	s21 =	simm.s32 $0xB900;
	s22 =	simm.s32 $0xC900;
	s23 =	simm.s32 $0xD100  }
0x17: {  	s24 =	simm.s32 $0xD900;
	s25 =	simm.s32 $0xE100;
	[dreg:$0x1d] =	wrdreg s20  }
0x18: {  	s8 =	simm.s32 $0x100;
	s26 =	simm.s32 $0xE900;
	[dreg:$0x1e] =	wrdreg s21  }
0x19: {  	s9 =	simm.s32 $0xC100;
	s11 =	simm.s32 $0xF900;
	[dreg:$0x1f] =	wrdreg s22  }
0x1a: {  	s12 =	simm.s32 $0x10100;
	s13 =	simm.s32 $0x10900;
	[smem:$0x7FA] =	sst s23  }
0x1b: {  	s14 =	simm.s32 $0x11100;
	s15 =	simm.s32 $0x11900;
	[smem:$0x7FB] =	sst s24  }
0x1c: {  	s16 =	simm.s32 $0x12100;
	s17 =	simm.s32 $0x12900;
	[smem:$0x7FC] =	sst s25  }
0x1d: {  	s6 =	sadd.s32 s6, s1;
	[smem:$0x7FD] =	sst s26;
	s20 =	simm.s32 $0x14100  }
0x1e: {  	s21 =	simm.s32 $0x14900;
	s22 =	simm.s32 $0x15100;
	s7 =	sadd.s32 $0x61800, s6  }
0x1f: {  	s23 =	simm.s32 $0x15900;
	s6 =	sadd.s32 $0x61A00, s6;
	[dreg:$0x3] =	wrdreg s7  }
0x20: {  	s24 =	simm.s32 $0x16100;
	s3 =	sadd.s32 s3, s5;
	[dreg:$0x4] =	wrdreg s6  }
0x21: {  	s18 =	sadd.s32 s5, s1;
	s5 =	simm.s32 $0x4100;
	[dreg:$0x5] =	wrdreg s3  }
0x22: {  	s25 =	simm.s32 $0x16900;
	s19 =	sadd.s32 $0x61C00, s18;
	[dreg:$0xf] =	wrdreg s5  }
0x23: {  	s26 =	simm.s32 $0x17100;
	s6 =	simm.s32 $0x4900;
	[dreg:$0x6] =	wrdreg s19  }
0x24: {  	s7 =	simm.s32 $0x5100;
	s3 =	sadd.s32 $0x1800, s1;
	[dreg:$0x10] =	wrdreg s6  }
0x25: {  	s18 =	simm.s32 $0xA900;
	s5 =	sadd.s32 $0x1A00, s1;
	[dreg:$0x11] =	wrdreg s7  }
0x26: {  	v2 =	vlaneseq.u32;
	s19 =	sshrl.u32 s4, $0x1;
	[dreg:$0x1c] =	wrdreg s18;
	s7 =	simm.s32 $0x5  }
0x27: {  	vm0 =	vmmov $0xffff;
	v1 =	vshrl.u32 v2, $0x3;
	s18 =	simm.s32 $0x13100;
	s6 =	ssub.s32 s4, s19;
	s4 =	sadd.s32 $0x1900, s1  }
0x28: {  	v0 =	vand.u32 $0x7, v2;
	v2 =	vor.u32 $0x8, v2;
	v1 =	vmul.u32 $0x8, v1;
	s19 =	simm.s32 $0x13900;
	s1 =	simm.s32 $0x4;
	s6 =	smax.u32 s6, $0x1  }
.LBB2_1:
0x29: {  	s0 =	rddreg [dreg:$0x3]  }
0x2a: {  	[tilespmem:s2], [sflag:$0x5] =	stream.linear.gather [hbm4b:s0+s2], $0x80, $0x38;
	[tilespmem:$0x18100] =	vst v63  }
0x2b: {  	_ =	swait.ge [sflag:s7], $0x80  }
0x2c: {  	s0 =	rddreg [dreg:$0x4];
	[sflag:s7] =	ssyncset.done $0x0  }
0x2d: {  	s10 =	rddreg [dreg:$0x7];
	[sflag:s7] =	ssyncadd.s32 $0xFFFFFF80  }
0x2e: {  	[tilespmem:s10], [sflag:$0x5] =	stream.linear.gather [hbm4b:s0+s2], $0x80, $0x38;
	[tilespmem:$0x18100] =	vst v63  }
0x2f: {  	_ =	swait.ge [sflag:s7], $0x80  }
0x30: {  	[sflag:s7] =	ssyncset.done $0x0  }
0x31: {  	[sflag:s7] =	ssyncadd.s32 $0xFFFFFF80  }
0x32: {  	v3 =	vld [tilespmem:$0x0];
	_ =	sdelay $0x4  }
0x33: {  	v4 =	vshrl.u32 v3, $0x3  }
0x34: {  	v4 =	vmul.u32 $0x30, v4  }
0x35: {  	v3 =	vand.u32 $0x7, v3  }
0x36: {  	v3 =	vor.u32 v3, v4  }
0x37: {  	v4 =	vperm.xlane v3, v0;
	_ =	sdelay $0x1  }
0x38: {  	v4 =	vadd.s32 v1, v4;
	_ =	sdelay $0x3  }
0x39: {  	v3 =	vperm.xlane v3, v2  }
0x3a: {  	[tilespmem:s8], [sflag:$0x1] =	stream.indirect_vreg.gather [hbm4b:s3+s2], $0x80, v4, vm0, $0xb8;
	[tilespmem:$0x18100] =	vst v63  }
0x3b: {  	s0 =	rddreg [dreg:$0x8];
	v3 =	vadd.s32 v1, v3  }
0x3c: {  	[tilespmem:s0], [sflag:$0x1] =	stream.indirect_vreg.gather [hbm4b:s4+s2], $0x80, v4, vm0, $0xb8;
	[tilespmem:$0x18100] =	vst v63  }
0x3d: {  	s10 =	rddreg [dreg:$0x9]  }
0x3e: {  	[tilespmem:s10], [sflag:$0x1] =	stream.indirect_vreg.gather [hbm4b:s5+s2], $0x80, v4, vm0, $0xb8;
	[tilespmem:$0x18100] =	vst v63  }
0x3f: {  	s0 =	rddreg [dreg:$0xa]  }
0x40: {  	[tilespmem:s0], [sflag:$0x1] =	stream.indirect_vreg.gather [hbm4b:s3+s2], $0x80, v3, vm0, $0xb8;
	[tilespmem:$0x18100] =	vst v63  }
0x41: {  	s10 =	rddreg [dreg:$0xb]  }
0x42: {  	[tilespmem:s10], [sflag:$0x1] =	stream.indirect_vreg.gather [hbm4b:s4+s2], $0x80, v3, vm0, $0xb8;
	[tilespmem:$0x18100] =	vst v63  }
0x43: {  	s0 =	rddreg [dreg:$0xc]  }
0x44: {  	[tilespmem:s0], [sflag:$0x1] =	stream.indirect_vreg.gather [hbm4b:s5+s2], $0x80, v3, vm0, $0xb8;
	[tilespmem:$0x18100] =	vst v63  }
0x45: {  	v3 =	vld [tilespmem:$0x10];
	_ =	sdelay $0x4  }
0x46: {  	v57 =	vshrl.u32 v3, $0x3  }
0x47: {  	v4 =	vmul.u32 $0x30, v57  }
0x48: {  	v3 =	vand.u32 $0x7, v3  }
0x49: {  	v3 =	vor.u32 v3, v4  }
0x4a: {  	v4 =	vperm.xlane v3, v0;
	_ =	sdelay $0x1  }
0x4b: {  	v4 =	vadd.s32 v1, v4;
	_ =	sdelay $0x3  }
0x4c: {  	s0 =	rddreg [dreg:$0xd];
	v3 =	vperm.xlane v3, v2  }
0x4d: {  	[tilespmem:s0], [sflag:$0x1] =	stream.indirect_vreg.gather [hbm4b:s3+s2], $0x80, v4, vm0, $0xb8;
	[tilespmem:$0x18100] =	vst v63  }
0x4e: {  	s10 =	rddreg [dreg:$0xe];
	v3 =	vadd.s32 v1, v3  }
0x4f: {  	[tilespmem:s10], [sflag:$0x1] =	stream.indirect_vreg.gather [hbm4b:s4+s2], $0x80, v4, vm0, $0xb8;
	[tilespmem:$0x18100] =	vst v63  }
0x50: {  	s0 =	rddreg [dreg:$0xf]  }
0x51: {  	[tilespmem:s0], [sflag:$0x1] =	stream.indirect_vreg.gather [hbm4b:s5+s2], $0x80, v4, vm0, $0xb8;
	[tilespmem:$0x18100] =	vst v63  }
0x52: {  	s10 =	rddreg [dreg:$0x10]  }
0x53: {  	[tilespmem:s10], [sflag:$0x1] =	stream.indirect_vreg.gather [hbm4b:s3+s2], $0x80, v3, vm0, $0xb8;
	[tilespmem:$0x18100] =	vst v63  }
0x54: {  	s0 =	rddreg [dreg:$0x11]  }
0x55: {  	[tilespmem:s0], [sflag:$0x1] =	stream.indirect_vreg.gather [hbm4b:s4+s2], $0x80, v3, vm0, $0xb8;
	[tilespmem:$0x18100] =	vst v63  }
0x56: {  	s10 =	rddreg [dreg:$0x12]  }
0x57: {  	[tilespmem:s10], [sflag:$0x1] =	stream.indirect_vreg.gather [hbm4b:s5+s2], $0x80, v3, vm0, $0xb8;
	[tilespmem:$0x18100] =	vst v63  }
0x58: {  	v3 =	vld [tilespmem:$0x20];
	_ =	sdelay $0x4  }
0x59: {  	v58 =	vshrl.u32 v3, $0x3  }
0x5a: {  	v4 =	vmul.u32 $0x30, v58  }
0x5b: {  	v3 =	vand.u32 $0x7, v3  }
0x5c: {  	v3 =	vor.u32 v3, v4  }
0x5d: {  	v4 =	vperm.xlane v3, v0;
	_ =	sdelay $0x1  }
0x5e: {  	v4 =	vadd.s32 v1, v4;
	_ =	sdelay $0x3  }
0x5f: {  	s0 =	rddreg [dreg:$0x13];
	v3 =	vperm.xlane v3, v2  }
0x60: {  	[tilespmem:s0], [sflag:$0x1] =	stream.indirect_vreg.gather [hbm4b:s3+s2], $0x80, v4, vm0, $0xb8;
	[tilespmem:$0x18100] =	vst v63  }
0x61: {  	s10 =	rddreg [dreg:$0x14];
	v3 =	vadd.s32 v1, v3  }
0x62: {  	[tilespmem:s10], [sflag:$0x1] =	stream.indirect_vreg.gather [hbm4b:s4+s2], $0x80, v4, vm0, $0xb8;
	[tilespmem:$0x18100] =	vst v63  }
0x63: {  	s0 =	rddreg [dreg:$0x15]  }
0x64: {  	[tilespmem:s0], [sflag:$0x1] =	stream.indirect_vreg.gather [hbm4b:s5+s2], $0x80, v4, vm0, $0xb8;
	[tilespmem:$0x18100] =	vst v63  }
0x65: {  	s10 =	rddreg [dreg:$0x16]  }
0x66: {  	[tilespmem:s10], [sflag:$0x1] =	stream.indirect_vreg.gather [hbm4b:s3+s2], $0x80, v3, vm0, $0xb8;
	[tilespmem:$0x18100] =	vst v63  }
0x67: {  	s0 =	rddreg [dreg:$0x17]  }
0x68: {  	[tilespmem:s0], [sflag:$0x1] =	stream.indirect_vreg.gather [hbm4b:s4+s2], $0x80, v3, vm0, $0xb8;
	[tilespmem:$0x18100] =	vst v63  }
0x69: {  	s10 =	rddreg [dreg:$0x18]  }
0x6a: {  	[tilespmem:s10], [sflag:$0x1] =	stream.indirect_vreg.gather [hbm4b:s5+s2], $0x80, v3, vm0, $0xb8;
	[tilespmem:$0x18100] =	vst v63  }
0x6b: {  	v3 =	vld [tilespmem:$0x30];
	_ =	sdelay $0x4  }
0x6c: {  	v59 =	vshrl.u32 v3, $0x3  }
0x6d: {  	v4 =	vmul.u32 $0x30, v59  }
0x6e: {  	v3 =	vand.u32 $0x7, v3  }
0x6f: {  	v3 =	vor.u32 v3, v4  }
0x70: {  	v4 =	vperm.xlane v3, v0;
	_ =	sdelay $0x1  }
0x71: {  	v4 =	vadd.s32 v1, v4;
	_ =	sdelay $0x3  }
0x72: {  	s0 =	rddreg [dreg:$0x19];
	v3 =	vperm.xlane v3, v2  }
0x73: {  	[tilespmem:s0], [sflag:$0x1] =	stream.indirect_vreg.gather [hbm4b:s3+s2], $0x80, v4, vm0, $0xb8;
	[tilespmem:$0x18100] =	vst v63  }
0x74: {  	s10 =	rddreg [dreg:$0x1a];
	v3 =	vadd.s32 v1, v3  }
0x75: {  	[tilespmem:s10], [sflag:$0x1] =	stream.indirect_vreg.gather [hbm4b:s4+s2], $0x80, v4, vm0, $0xb8;
	[tilespmem:$0x18100] =	vst v63  }
0x76: {  	s0 =	rddreg [dreg:$0x1b]  }
0x77: {  	[tilespmem:s0], [sflag:$0x1] =	stream.indirect_vreg.gather [hbm4b:s5+s2], $0x80, v4, vm0, $0xb8;
	[tilespmem:$0x18100] =	vst v63  }
0x78: {  	s10 =	rddreg [dreg:$0x1c]  }
0x79: {  	[tilespmem:s10], [sflag:$0x1] =	stream.indirect_vreg.gather [hbm4b:s3+s2], $0x80, v3, vm0, $0xb8;
	[tilespmem:$0x18100] =	vst v63  }
0x7a: {  	s0 =	rddreg [dreg:$0x1d]  }
0x7b: {  	[tilespmem:s0], [sflag:$0x1] =	stream.indirect_vreg.gather [hbm4b:s4+s2], $0x80, v3, vm0, $0xb8;
	[tilespmem:$0x18100] =	vst v63  }
0x7c: {  	s10 =	rddreg [dreg:$0x1e]  }
0x7d: {  	[tilespmem:s10], [sflag:$0x1] =	stream.indirect_vreg.gather [hbm4b:s5+s2], $0x80, v3, vm0, $0xb8;
	[tilespmem:$0x18100] =	vst v63  }
0x7e: {  	v3 =	vld [tilespmem:$0x80];
	_ =	sdelay $0x4  }
0x7f: {  	v60 =	vshrl.u32 v3, $0x3  }
0x80: {  	v4 =	vmul.u32 $0x30, v60  }
0x81: {  	v3 =	vand.u32 $0x7, v3  }
0x82: {  	v3 =	vor.u32 v3, v4  }
0x83: {  	v4 =	vperm.xlane v3, v0;
	_ =	sdelay $0x1  }
0x84: {  	v4 =	vadd.s32 v1, v4;
	_ =	sdelay $0x3  }
0x85: {  	s0 =	rddreg [dreg:$0x1f];
	v3 =	vperm.xlane v3, v2  }
0x86: {  	[tilespmem:s9], [sflag:$0x2] =	stream.indirect_vreg.gather [hbm4b:s3+s2], $0x80, v4, vm0, $0xb8;
	[tilespmem:$0x18100] =	vst v63  }
0x87: {  	s10 =	sld [smem:$0x7FA];
	v3 =	vadd.s32 v1, v3  }
0x88: {  	[tilespmem:s0], [sflag:$0x2] =	stream.indirect_vreg.gather [hbm4b:s4+s2], $0x80, v4, vm0, $0xb8;
	[tilespmem:$0x18100] =	vst v63  }
0x89: {  	s0 =	sld [smem:$0x7FB]  }
0x8a: {  	[tilespmem:s10], [sflag:$0x2] =	stream.indirect_vreg.gather [hbm4b:s5+s2], $0x80, v4, vm0, $0xb8;
	[tilespmem:$0x18100] =	vst v63  }
0x8b: {  	s10 =	sld [smem:$0x7FC]  }
0x8c: {  	[tilespmem:s0], [sflag:$0x2] =	stream.indirect_vreg.gather [hbm4b:s3+s2], $0x80, v3, vm0, $0xb8;
	[tilespmem:$0x18100] =	vst v63  }
0x8d: {  	s0 =	sld [smem:$0x7FD]  }
0x8e: {  	[tilespmem:s10], [sflag:$0x2] =	stream.indirect_vreg.gather [hbm4b:s4+s2], $0x80, v3, vm0, $0xb8;
	[tilespmem:$0x18100] =	vst v63  }
0x8f: {  	_ = 	snop  }
0x90: {  	[tilespmem:s0], [sflag:$0x2] =	stream.indirect_vreg.gather [hbm4b:s5+s2], $0x80, v3, vm0, $0xb8;
	[tilespmem:$0x18100] =	vst v63  }
0x91: {  	v3 =	vld [tilespmem:$0x90];
	_ =	sdelay $0x4  }
0x92: {  	v61 =	vshrl.u32 v3, $0x3  }
0x93: {  	v4 =	vmul.u32 $0x30, v61  }
0x94: {  	v3 =	vand.u32 $0x7, v3  }
0x95: {  	v3 =	vor.u32 v3, v4  }
0x96: {  	v4 =	vperm.xlane v3, v0;
	_ =	sdelay $0x1  }
0x97: {  	v4 =	vadd.s32 v1, v4;
	_ =	sdelay $0x3  }
0x98: {  	s10 =	simm.s32 $0xF100;
	v3 =	vperm.xlane v3, v2  }
0x99: {  	[tilespmem:s10], [sflag:$0x2] =	stream.indirect_vreg.gather [hbm4b:s3+s2], $0x80, v4, vm0, $0xb8;
	[tilespmem:$0x18100] =	vst v63  }
0x9a: {  	v3 =	vadd.s32 v1, v3  }
0x9b: {  	[tilespmem:s11], [sflag:$0x2] =	stream.indirect_vreg.gather [hbm4b:s4+s2], $0x80, v4, vm0, $0xb8;
	[tilespmem:$0x18100] =	vst v63  }
0x9c: {  	_ = 	snop  }
0x9d: {  	[tilespmem:s12], [sflag:$0x2] =	stream.indirect_vreg.gather [hbm4b:s5+s2], $0x80, v4, vm0, $0xb8;
	[tilespmem:$0x18100] =	vst v63  }
0x9e: {  	_ = 	snop  }
0x9f: {  	[tilespmem:s13], [sflag:$0x2] =	stream.indirect_vreg.gather [hbm4b:s3+s2], $0x80, v3, vm0, $0xb8;
	[tilespmem:$0x18100] =	vst v63  }
0xa0: {  	_ = 	snop  }
0xa1: {  	[tilespmem:s14], [sflag:$0x2] =	stream.indirect_vreg.gather [hbm4b:s4+s2], $0x80, v3, vm0, $0xb8;
	[tilespmem:$0x18100] =	vst v63  }
0xa2: {  	_ = 	snop  }
0xa3: {  	[tilespmem:s15], [sflag:$0x2] =	stream.indirect_vreg.gather [hbm4b:s5+s2], $0x80, v3, vm0, $0xb8;
	[tilespmem:$0x18100] =	vst v63  }
0xa4: {  	v3 =	vld [tilespmem:$0xA0];
	_ =	sdelay $0x4  }
0xa5: {  	v62 =	vshrl.u32 v3, $0x3  }
0xa6: {  	v4 =	vmul.u32 $0x30, v62  }
0xa7: {  	v3 =	vand.u32 $0x7, v3  }
0xa8: {  	v3 =	vor.u32 v3, v4  }
0xa9: {  	v4 =	vperm.xlane v3, v0;
	_ =	sdelay $0x1  }
0xaa: {  	v4 =	vadd.s32 v1, v4;
	_ =	sdelay $0x3  }
0xab: {  	v3 =	vperm.xlane v3, v2  }
0xac: {  	[tilespmem:s16], [sflag:$0x2] =	stream.indirect_vreg.gather [hbm4b:s3+s2], $0x80, v4, vm0, $0xb8;
	[tilespmem:$0x18100] =	vst v63  }
0xad: {  	v3 =	vadd.s32 v1, v3  }
0xae: {  	[tilespmem:s17], [sflag:$0x2] =	stream.indirect_vreg.gather [hbm4b:s4+s2], $0x80, v4, vm0, $0xb8;
	[tilespmem:$0x18100] =	vst v63  }
0xaf: {  	_ = 	snop  }
0xb0: {  	[tilespmem:s18], [sflag:$0x2] =	stream.indirect_vreg.gather [hbm4b:s5+s2], $0x80, v4, vm0, $0xb8;
	[tilespmem:$0x18100] =	vst v63  }
0xb1: {  	_ = 	snop  }
0xb2: {  	[tilespmem:s19], [sflag:$0x2] =	stream.indirect_vreg.gather [hbm4b:s3+s2], $0x80, v3, vm0, $0xb8;
	[tilespmem:$0x18100] =	vst v63  }
0xb3: {  	_ = 	snop  }
0xb4: {  	[tilespmem:s20], [sflag:$0x2] =	stream.indirect_vreg.gather [hbm4b:s4+s2], $0x80, v3, vm0, $0xb8;
	[tilespmem:$0x18100] =	vst v63  }
0xb5: {  	_ = 	snop  }
0xb6: {  	[tilespmem:s21], [sflag:$0x2] =	stream.indirect_vreg.gather [hbm4b:s5+s2], $0x80, v3, vm0, $0xb8;
	[tilespmem:$0x18100] =	vst v63  }
0xb7: {  	v3 =	vld [tilespmem:$0xB0];
	_ =	sdelay $0x4  }
0xb8: {  	v63 =	vshrl.u32 v3, $0x3  }
0xb9: {  	v4 =	vmul.u32 $0x30, v63  }
0xba: {  	v3 =	vand.u32 $0x7, v3  }
0xbb: {  	v3 =	vor.u32 v3, v4  }
0xbc: {  	v4 =	vperm.xlane v3, v0;
	_ =	sdelay $0x1  }
0xbd: {  	v4 =	vadd.s32 v1, v4;
	_ =	sdelay $0x3  }
0xbe: {  	v3 =	vperm.xlane v3, v2  }
0xbf: {  	[tilespmem:s22], [sflag:$0x2] =	stream.indirect_vreg.gather [hbm4b:s3+s2], $0x80, v4, vm0, $0xb8;
	[tilespmem:$0x18100] =	vst v63  }
0xc0: {  	v3 =	vadd.s32 v1, v3  }
0xc1: {  	[tilespmem:s23], [sflag:$0x2] =	stream.indirect_vreg.gather [hbm4b:s4+s2], $0x80, v4, vm0, $0xb8;
	[tilespmem:$0x18100] =	vst v63  }
0xc2: {  	_ = 	snop  }
0xc3: {  	[tilespmem:s24], [sflag:$0x2] =	stream.indirect_vreg.gather [hbm4b:s5+s2], $0x80, v4, vm0, $0xb8;
	[tilespmem:$0x18100] =	vst v63  }
0xc4: {  	_ = 	snop  }
0xc5: {  	[tilespmem:s25], [sflag:$0x2] =	stream.indirect_vreg.gather [hbm4b:s3+s2], $0x80, v3, vm0, $0xb8;
	[tilespmem:$0x18100] =	vst v63  }
0xc6: {  	_ = 	snop  }
0xc7: {  	[tilespmem:s26], [sflag:$0x2] =	stream.indirect_vreg.gather [hbm4b:s4+s2], $0x80, v3, vm0, $0xb8;
	[tilespmem:$0x18100] =	vst v63  }
0xc8: {  	_ = 	snop  }
0xc9: {  	[tilespmem:s28], [sflag:$0x2] =	stream.indirect_vreg.gather [hbm4b:s5+s2], $0x80, v3, vm0, $0xb8;
	[tilespmem:$0x18100] =	vst v63  }
0xca: {  	_ =	swait.ge [sflag:s29], $0xC000  }
0xcb: {  	[sflag:s29] =	ssyncset.done $0x0  }
0xcc: {  	s10 =	rddreg [dreg:$0x5];
	[sflag:s29] =	ssyncadd.s32 $0xFFFF4000  }
0xcd: {  	[hbm4b:s10+s2] =	stream.linear.scatter [tilespmem:s8], [sflag:$0x3], $0xC000, $0x38;
	[tilespmem:$0x18100] =	vst v63  }
0xce: {  	_ =	swait.ge [sflag:s30], $0xC000  }
0xcf: {  	[sflag:s30] =	ssyncset.done $0x0  }
0xd0: {  	s10 =	rddreg [dreg:$0x6];
	[sflag:s30] =	ssyncadd.s32 $0xFFFF4000  }
0xd1: {  	[hbm4b:s10+s2] =	stream.linear.scatter [tilespmem:s9], [sflag:$0x4], $0xC000, $0x38;
	[tilespmem:$0x18100] =	vst v63  }
0xd2: {  	p0 =	sne.s32 s6, $0x1;
	_ =	swait.ge [sflag:s31], $0xC000  }
.Ltmp0:
0xd3: {  	[sflag:s31] =	ssyncset.done $0x0;
	(pc) =	sbr.rel @p0 .LBB2_1-.Ltmp0, $4  }
0xd4: {  	[sflag:s31] =	ssyncadd.s32 $0xFFFF4000  }
0xd5: {  	_ =	swait.ge [sflag:s1], $0xC000  }
0xd6: {  	[sflag:s1] =	ssyncset.done $0x0  }
0xd7: {  	s6 =	sadd.s32 $0xFFFFFFFF, s6;
	[sflag:s1] =	ssyncadd.s32 $0xFFFF4000  }
0xd8: {  	_ =	sfence.sel $0x180000  }
0xd9: {  	[bflag:$0x0] =	sbarrier.arrive $0xFFFF  }
0xda: {  	_ =	strace $0x9000004A  }
0xdb: {  	s0 =	stileid.u32;
	[bflag:$0x2] =	sbarrier.arrive $0xFFFF  }
0xdc: {  	p0 =	sne.s32 s0, $0x0;
	s0 =	rddreg [dreg:$0x2]  }
0xdd: {  	s0 =	sadd.s32 @!p0 $0x100000, s0  }
0xde: {  	[sflag:s0] =	ssyncadd.tile.s32 @!p0 $0x1;
	_ =	shalt  }
.Lfunc_end2:
_tile_overlayer_lowered:
.L_overlay_start_2:
0xdf: {  	(tag) =	ssettag $0x2  }
0xe0: {  	s0 =	rddreg [dreg:$0x0];
	s2 =	stileid.u32  }
0xe1: {  	s1 =	rddreg [dreg:$0x1];
	p0 =	sne.s32 s2, $0x0  }
0xe2: {  	s3 =	rddreg [dreg:$0x2];
	[bflag:$0x3] =	sbarrier.arrive $0xFFFF;
	s2 =	simm.s32 @!p0 $0x1C05  }
0xe3: {  	[timem:s3], [sflag:s2] =	dma.local @!p0 [hbm:s0], s1  }
0xe4: {  	s0 =	simm.s32 @!p0 $0x5  }
0xe5: {  	_ =	swait.ge @!p0 [sflag:s0], s1  }
0xe6: {  	s1 =	ssub.s32 @!p0 $0x0, s1;
	[sflag:s0] =	ssyncset.done @!p0 $0x0  }
0xe7: {  	[sflag:s0] =	ssyncadd.s32 @!p0 s1  }
0xe8: {  	[bflag:$0x3] =	sbarrier.arrive $0xFFFF  }
0xe9: {  	_ =	shalt  }

// kernel: kernel.8.cloned.1.call-start
scs
__scs_entry_jumppad:
0x0: {  	(pc) =	sbr.rel $0x88, $3  }
0x1: {  	(tag) =	ssettag $0x0;
	lr =	simm.s32 $0x1  }
0x2: {  	[smem:$0x3F9A] =	sst lr;
	_ =	strace $0xD0000000  }
0x3: {  	_ = 	snop  }
0x4: {  	_ = 	snop  }
0x5: {  	_ = 	snop  }
0x6: {  	_ = 	snop  }
0x7: {  	_ = 	snop  }
__scs_overlays_trampoline_lowered:
0x8: {  	[smem:$0x3FA9] =	sst s0  }
0x9: {  	[smem:$0x3FAA] =	sst s1  }
0xa: {  	[smem:$0x3FAB] =	sst s2  }
0xb: {  	[smem:$0x3FAC] =	sst s3  }
0xc: {  	[smem:$0x3FAD] =	sst s4  }
0xd: {  	[smem:$0x3FAE] =	sst s5  }
0xe: {  	[smem:$0x3FAF] =	sst s6  }
0xf: {  	[smem:$0x3FB0] =	sst s7  }
0x10: {  	[smem:$0x3FB1] =	sst s8  }
0x11: {  	[smem:$0x3FB2] =	sst s9;
	s0 =	simm.s32 @!p0 $0x0  }
0x12: {  	s1 =	sld [smem:$0x3F98];
	s0 =	simm.s32 @p0 $0x1  }
0x13: {  	[smem:$0x3FB3] =	sst s0;
	s0 =	simm.s32 @!p1 $0x0  }
0x14: {  	s2 =	sld [smem:$0x3F97];
	s0 =	simm.s32 @p1 $0x1  }
0x15: {  	[smem:$0x3FB4] =	sst s0;
	s0 =	simm.s32 @!p2 $0x0  }
0x16: {  	s3 =	sld [smem:$0x3FDB];
	s0 =	simm.s32 @p2 $0x1  }
0x17: {  	s4 =	simm.s32 $0x1BF5;
	[smem:$0x3FB6] =	sst s0  }
0x18: {  	s0 =	sld [smem:$0x3F99];
	_ =	swait.ge [sflag:s4], $0x0  }
0x19: {  	s7 =	sld [smem:$0x3F9A]  }
0x1a: {  	s8 =	sadd.s32 $0xFFFFE003, lr  }
0x1b: {  	s9 =	sadd.s32 $0xFFFFFEF7, lr;
	s5 =	simm.s32 $0xFFFFFFFF;
	p2 =	slt.u32 s8, $0xFFFFF086  }
0x1c: {  	p1 =	slt.u32 s9, $0xF7A;
	s5 =	simm.s32 @!p2 $0x0  }
0x1d: {  	s5 =	simm.s32 @p1 $0x1;
	p0 =	seq.s32 s7, s2  }
0x1e: {  	s7 =	smul.u32 @!p0 $0xF7A, s2;
	p2 =	seq.s32 @!p0 s5, $0x0  }
0x1f: {  	s9 =	smul.u32 $0xF7A, s1;
	s8 =	simm.s32 @!p0 $0x1BF5;
	p2 =	por !p2, p0  }
0x20: {  	[sflag:s8] =	ssyncset.s32 @!p0 $0xFFFFF086;
	s6 =	sadd.s32 @!p0 s3, s7;
	s7 =	simm.s32 @!p0 $0x108  }
0x21: {  	s3 =	sadd.s32 s3, s9;
	s6 =	sadd.s32 @!p0 $0x88, s6;
	s7 =	simm.s32 @p2 $0x1082  }
0x22: {  	[simem:s7], [sflag:s8] =	dma.local @!p0 [hbm:s6], $0xF7A  }
0x23: {  	s9 =	sor.u32 $0xD0000000, s2;
	s6 =	simm.s32 $0x108;
	_ =	swait.ge @!p0 [sflag:s8], $0x0  }
0x24: {  	s3 =	sadd.s32 $0x88, s3;
	s6 =	simm.s32 @!p1 $0x1082;
	[sflag:s4] =	ssyncset.s32 $0xFFFFF086  }
0x25: {  	[simem:s6], [sflag:s4] =	dma.local [hbm:s3], $0xF7A  }
0x26: {  	[smem:$0x3F9A] =	sst s1;
	(tag) =	ssettag s2;
	_ =	strace s9  }
0x27: {  	s1 =	sld [smem:$0x3FAA]  }
0x28: {  	s2 =	sld [smem:$0x3FAB]  }
0x29: {  	s4 =	sld [smem:$0x3FAD]  }
0x2a: {  	p0 =	seq.s32 s5, $0x0;
	s5 =	sld [smem:$0x3FAE]  }
0x2b: {  	s6 =	sld [smem:$0x3FAF]  }
0x2c: {  	s7 =	sld [smem:$0x3FB0]  }
0x2d: {  	s3 =	simm.s32 $0x108;
	s8 =	sld [smem:$0x3FB1]  }
0x2e: {  	s3 =	simm.s32 @!p0 $0x1082;
	s9 =	sld [smem:$0x3FB2]  }
0x2f: {  	lr =	sadd.s32 s0, s3;
	s0 =	sld [smem:$0x3FA9]  }
0x30: {  	s3 =	sld [smem:$0x3FAC]  }
0x31: {  	[smem:$0x3FB5] =	sst s10  }
0x32: {  	s10 =	sld [smem:$0x3FB3];
	_ =	sdelay $0x3  }
0x33: {  	p0 =	seq.s32 s10, $0x1;
	s10 =	sld [smem:$0x3FB5];
	_ =	sdelay $0x3  }
0x34: {  	[smem:$0x3FB5] =	sst s10  }
0x35: {  	s10 =	sld [smem:$0x3FB4];
	_ =	sdelay $0x3  }
0x36: {  	p1 =	seq.s32 s10, $0x1;
	s10 =	sld [smem:$0x3FB5];
	_ =	sdelay $0x3  }
0x37: {  	[smem:$0x3FB5] =	sst s10  }
0x38: {  	s10 =	sld [smem:$0x3FB6]  }
0x39: {  	_ = 	snop;
	(pc) =	sbr.ind lr, $3  }
0x3a: {  	_ = 	snop  }
0x3b: {  	_ = 	snop  }
0x3c: {  	p2 =	seq.s32 s10, $0x1;
	s10 =	sld [smem:$0x3FB5]  }
0x3d: {  	_ =	shalt  }
0x3e: {  	_ =	shalt  }
0x3f: {  	_ =	shalt  }
0x40: {  	_ =	shalt  }
0x41: {  	_ =	shalt  }
0x42: {  	_ =	shalt  }
0x43: {  	_ =	shalt  }
0x44: {  	_ =	shalt  }
0x45: {  	_ =	shalt  }
0x46: {  	_ =	shalt  }
0x47: {  	_ =	shalt  }
0x48: {  	_ =	shalt  }
0x49: {  	_ =	shalt  }
0x4a: {  	_ =	shalt  }
0x4b: {  	_ =	shalt  }
0x4c: {  	_ =	shalt  }
0x4d: {  	_ =	shalt  }
0x4e: {  	_ =	shalt  }
0x4f: {  	_ =	shalt  }
0x50: {  	_ =	shalt  }
0x51: {  	_ =	shalt  }
0x52: {  	_ =	shalt  }
0x53: {  	_ =	shalt  }
0x54: {  	_ =	shalt  }
0x55: {  	_ =	shalt  }
0x56: {  	_ =	shalt  }
0x57: {  	_ =	shalt  }
0x58: {  	_ =	shalt  }
0x59: {  	_ =	shalt  }
0x5a: {  	_ =	shalt  }
0x5b: {  	_ =	shalt  }
0x5c: {  	_ =	shalt  }
0x5d: {  	_ =	shalt  }
0x5e: {  	_ =	shalt  }
0x5f: {  	_ =	shalt  }
0x60: {  	_ =	shalt  }
0x61: {  	_ =	shalt  }
0x62: {  	_ =	shalt  }
0x63: {  	_ =	shalt  }
0x64: {  	_ =	shalt  }
0x65: {  	_ =	shalt  }
0x66: {  	_ =	shalt  }
0x67: {  	_ =	shalt  }
0x68: {  	_ =	shalt  }
0x69: {  	_ =	shalt  }
0x6a: {  	_ =	shalt  }
0x6b: {  	_ =	shalt  }
0x6c: {  	_ =	shalt  }
0x6d: {  	_ =	shalt  }
0x6e: {  	_ =	shalt  }
0x6f: {  	_ =	shalt  }
0x70: {  	_ =	shalt  }
0x71: {  	_ =	shalt  }
0x72: {  	_ =	shalt  }
0x73: {  	_ =	shalt  }
0x74: {  	_ =	shalt  }
0x75: {  	_ =	shalt  }
0x76: {  	_ =	shalt  }
0x77: {  	_ =	shalt  }
0x78: {  	_ =	shalt  }
0x79: {  	_ =	shalt  }
0x7a: {  	_ =	shalt  }
0x7b: {  	_ =	shalt  }
0x7c: {  	_ =	shalt  }
0x7d: {  	_ =	shalt  }
0x7e: {  	_ =	shalt  }
0x7f: {  	_ =	shalt  }
0x80: {  	_ =	shalt  }
0x81: {  	_ =	shalt  }
0x82: {  	_ =	shalt  }
0x83: {  	_ =	shalt  }
0x84: {  	_ =	shalt  }
0x85: {  	_ =	shalt  }
0x86: {  	_ =	shalt  }
0x87: {  	_ =	shalt  }
.Lfunc_end0:
.L_simem_size_0:
called_computation_lowered:
.L_overlay_start_0:
0x88: {  	s2 =	sld [smem:$0x3FD9]  }
0x89: {  	s3 =	sld [smem:$0x3FFE];
	_ =	sdelay $0x1  }
0x8a: {  	s1 =	srdreg.scid  }
0x8b: {  	s0 =	sand.u32 $0x1, s1  }
0x8c: {  	s17 =	sshll.u32 s0, $0xA;
	s2 =	sadd.s32 s3, s2  }
0x8d: {  	s2 =	sadd.s32 s2, s17  }
0x8e: {  	[smem:$0x3FC1] =	sst s2  }
0x8f: {  	_ = 	snop  }
0x90: {  	s2 =	sld [smem:$0x3FC9]  }
0x91: {  	s18 =	sld [smem:$0x3FD0];
	(tm) =	ssettm $0x1  }
0x92: {  	s4 =	sld [smem:$0x3FFB];
	_ =	sdelay $0x3  }
0x93: {  	_ =	strace s4  }
0x94: {  	s4 =	sld [smem:$0x3FFC];
	_ =	sdelay $0x3  }
0x95: {  	_ =	strace s4  }
0x96: {  	s4 =	sld [smem:$0x3FFD];
	_ =	sdelay $0x3  }
0x97: {  	_ =	strace s4  }
0x98: {  	_ =	strace $0x8FFFFFFF  }
0x99: {  	s19 =	sld [smem:$0x3FDB];
	_ =	sdelay $0x1  }
0x9a: {  	s5 =	simm.s32 $_scs_section_size  }
0x9b: {  	s6 =	simm.s32 $_size__tile_overlayer_lowered;
	s7 =	simm.s32 $_tile_overlayer_lowered  }
0x9c: {  	s22 =	simm.s32 $0x1BFF;
	s21 =	sshll.u32 s7, $0x1;
	s4 =	sadd.s32 s5, s19  }
0x9d: {  	s8 =	simm.s32 $0x0;
	s20 =	sshll.u32 s6, $0x1;
	s6 =	sadd.s32 s21, s4  }
0x9e: {  	[timem:s8], [sflag:s22] =	dma.local [hbm:s6], s20  }
0x9f: {  	_ =	swait.ge [sflag:s22], s20  }
0xa0: {  	s5 =	ssub.s32 $0x0, s20;
	[sflag:s22] =	ssyncset.done $0x0  }
0xa1: {  	[sflag:s22] =	ssyncadd.s32 s5;
	_ =	sdelay $0x1  }
0xa2: {  	s23 =	simm.s32 $0x1B8B  }
0xa3: {  	_ =	swait.ge [sflag:s23], $0x1  }
0xa4: {  	[sflag:s23] =	ssyncset.done $0x0  }
0xa5: {  	s25 =	simm.s32 $0x1B8E;
	s24 =	sld [smem:$0x3FFE];
	[sflag:s23] =	ssyncadd.s32 $0xFFFFFFFF  }
0xa6: {  	s26 =	simm.s32 $execute0_lowered;
	[smem:$0x3FD2] =	sst s25  }
0xa7: {  	s6 =	sshll.u32 s26, $0x1;
	_ =	strace $0x80000046;
	[dreg:$0x1] =	wrdreg $0xFFFFFFFF  }
0xa8: {  	s28 =	simm.s32 $_size_execute0_lowered;
	s4 =	sadd.s32 s4, s6;
	[dreg:$0x0] =	wrdreg $0x0  }
0xa9: {  	s6 =	sshll.u32 s28, $0x1;
	[dreg:$0x2] =	wrdreg s4  }
0xaa: {  	[dreg:$0x3] =	wrdreg s6  }
0xab: {  	[dreg:$0x4] =	wrdreg $0xC0  }
0xac: {  	_ =	task [dreg:s8], $0x5FFFF  }
0xad: {  	[dreg:$0x1] =	wrdreg $0xFFFFFFFF  }
0xae: {  	[dreg:$0x0] =	wrdreg $0x60  }
0xaf: {  	[dreg:$0x2] =	wrdreg s2  }
0xb0: {  	[dreg:$0x3] =	wrdreg s18  }
0xb1: {  	[dreg:$0x4] =	wrdreg s24  }
0xb2: {  	[dreg:$0x5] =	wrdreg $0x9  }
0xb3: {  	_ =	task.clear_ibuf [dreg:s8], $0x6FFFF;
	_ =	strace $0x90000046  }
0xb4: {  	s29 =	simm.s32 $0x9;
	_ =	strace $0x80000048  }
0xb5: {  	_ =	swait.ge [sflag:s29], $0x1  }
0xb6: {  	[sflag:s29] =	ssyncadd.s32 $0xFFFFFFFF  }
0xb7: {  	_ =	strace $0x90000048  }
0xb8: {  	_ =	sfence  }
0xb9: {  	s30 =	sld [smem:$0x0];
	_ =	sdelay $0x2  }
0xba: {  	s31 =	sshll.u32 s1, $0xD;
	s1 =	sshrl.u32 s1, $0x2  }
0xbb: {  	s3 =	sand.u32 $0x4000, s31;
	s1 =	sadd.s32 s1, s30  }
0xbc: {  	s0 =	sor.u32 s3, s0;
	s1 =	sshll.u32 s1, $0x11  }
0xbd: {  	s0 =	sor.u32 s1, s0  }
0xbe: {  	s0 =	sadd.s32 $0x8F2B, s0  }
0xbf: {  	[sflag:s0] =	ssyncadd.remote.s32 $0x1  }
0xc0: {  	_ =	sfence.sel $0xFFFF  }
0xc1: {  	[dreg:$0x0] =	wrdreg $0xFFFFFFFF;
	(pc) =	sbr.abs _section_cstart, $3  }
0xc2: {  	[dreg:$0x1] =	wrdreg $0xFFFFFFFF  }
0xc3: {  	_ =	task.clear_ibuf [dreg:s8], $0x2FFFF;
	_ =	strace $0x9FFFFFFF  }
0xc4: {  	(tm) =	ssettm $0x7FFFFFFF  }
0xc5: {  	_ =	shalt  }
tec
execute0_lowered:
.L_overlay_start_1:
0x0: {  	(tag) =	ssettag $0x1  }
0x1: {  	s1 =	srdreg.scid  }
0x2: {  	s0 =	stileid.u32;
	s4 =	rddreg [dreg:$0x0];
	s5 =	sand.u32 $0x1, s1  }
0x3: {  	s3 =	rddreg [dreg:$0x1];
	s15 =	sshll.u32 s0, $0x5;
	s2 =	sshll.u32 s5, $0x4  }
0x4: {  	s1 =	rddreg [dreg:$0x2];
	s6 =	sor.u32 s2, s15;
	s2 =	simm.s32 $0x0  }
0x5: {  	s18 =	simm.s32 $0x80;
	[smem:$0x7FF] =	sst s2  }
0x6: {  	s19 =	simm.s32 $0x900;
	_ =	strace $0x80000047;
	[dreg:$0x7] =	wrdreg s18  }
0x7: {  	s20 =	simm.s32 $0x1100;
	[dreg:$0x8] =	wrdreg s19  }
0x8: {  	s21 =	simm.s32 $0x1900;
	[dreg:$0x9] =	wrdreg s20  }
0x9: {  	s22 =	simm.s32 $0x2100;
	[dreg:$0xa] =	wrdreg s21  }
0xa: {  	s23 =	simm.s32 $0x2900;
	[dreg:$0xb] =	wrdreg s22  }
0xb: {  	s24 =	simm.s32 $0x3100;
	[dreg:$0xc] =	wrdreg s23  }
0xc: {  	s25 =	simm.s32 $0x3900;
	[dreg:$0xd] =	wrdreg s24  }
0xd: {  	s26 =	simm.s32 $0x4100;
	[dreg:$0xe] =	wrdreg s25  }
0xe: {  	s0 =	simm.s32 $0x4900;
	[dreg:$0xf] =	wrdreg s26  }
0xf: {  	s9 =	simm.s32 $0x6900;
	[dreg:$0x10] =	wrdreg s0  }
0x10: {  	s10 =	simm.s32 $0x7100;
	[dreg:$0x14] =	wrdreg s9  }
0x11: {  	s11 =	simm.s32 $0x7900;
	[dreg:$0x15] =	wrdreg s10  }
0x12: {  	s12 =	simm.s32 $0x8100;
	[dreg:$0x16] =	wrdreg s11  }
0x13: {  	s13 =	simm.s32 $0x8900;
	s14 =	simm.s32 $0x9100;
	[dreg:$0x17] =	wrdreg s12  }
0x14: {  	s28 =	simm.s32 $0x16900;
	s15 =	simm.s32 $0x9900;
	[dreg:$0x18] =	wrdreg s13  }
0x15: {  	s7 =	sand.u32 $0xF0, s6;
	s3 =	sadd.s32 s3, s6;
	[dreg:$0x19] =	wrdreg s14  }
0x16: {  	s8 =	smul.u32 $0x1800, s7;
	s17 =	sadd.s32 $0x8, s3;
	[dreg:$0x1a] =	wrdreg s15  }
0x17: {  	s16 =	smul.u32 $0x300, s7;
	s7 =	simm.s32 $0x5900;
	[dreg:$0x4] =	wrdreg s17  }
0x18: {  	s29 =	simm.s32 $0x17100;
	s18 =	simm.s32 $0xA900;
	[dreg:$0x12] =	wrdreg s7  }
0x19: {  	s30 =	simm.s32 $0x17900;
	s19 =	simm.s32 $0xB100;
	[dreg:$0x1c] =	wrdreg s18  }
0x1a: {  	s31 =	simm.s32 $0x3;
	s20 =	simm.s32 $0xB900;
	[dreg:$0x1d] =	wrdreg s19  }
0x1b: {  	s5 =	ssub.s32 $0x2, s5;
	s21 =	simm.s32 $0xC900;
	[dreg:$0x1e] =	wrdreg s20  }
0x1c: {  	s22 =	simm.s32 $0xD100;
	s23 =	simm.s32 $0xD900;
	[dreg:$0x1f] =	wrdreg s21  }
0x1d: {  	s9 =	simm.s32 $0x100;
	s24 =	simm.s32 $0xE100;
	[smem:$0x7F9] =	sst s22  }
0x1e: {  	s10 =	simm.s32 $0xC100;
	s25 =	simm.s32 $0xE900;
	[smem:$0x7FA] =	sst s23  }
0x1f: {  	s11 =	simm.s32 $0x1;
	s26 =	simm.s32 $0xF100;
	[smem:$0x7FB] =	sst s24  }
0x20: {  	s12 =	simm.s32 $0x2;
	s14 =	simm.s32 $0x10100;
	[smem:$0x7FC] =	sst s25  }
0x21: {  	s15 =	simm.s32 $0x10900;
	s17 =	sshrl.u32 s5, $0x1;
	[smem:$0x7FD] =	sst s26  }
0x22: {  	s18 =	simm.s32 $0x12100;
	s19 =	simm.s32 $0x12900;
	s20 =	simm.s32 $0x13100  }
0x23: {  	s21 =	simm.s32 $0x13900;
	s22 =	simm.s32 $0x14100;
	s23 =	simm.s32 $0x14900  }
0x24: {  	s24 =	simm.s32 $0x15100;
	s25 =	simm.s32 $0x15900;
	s26 =	simm.s32 $0x16100  }
0x25: {  	s8 =	sshrl.u32 s8, $0x3;
	s6 =	sadd.s32 s4, s16;
	s16 =	simm.s32 $0xA100  }
0x26: {  	s7 =	ssub.s32 s5, s17;
	s5 =	sadd.s32 $0x1900, s1;
	s17 =	simm.s32 $0x11900  }
0x27: {  	s4 =	sadd.s32 s4, s8;
	[dreg:$0x5] =	wrdreg s6;
	s6 =	simm.s32 $0x5100  }
0x28: {  	s8 =	simm.s32 $0x6100;
	[dreg:$0x1b] =	wrdreg s16;
	s7 =	smax.u32 s7, $0x1  }
0x29: {  	v2 =	vlaneseq.u32;
	s16 =	simm.s32 $0x11100;
	s4 =	sadd.s32 $0x1800, s4;
	[dreg:$0x11] =	wrdreg s6  }
0x2a: {  	vm0 =	vmmov $0xffff;
	v1 =	vshrl.u32 v2, $0x3;
	[dreg:$0x13] =	wrdreg s8;
	s6 =	sadd.s32 $0x1A00, s1;
	s8 =	simm.s32 $0x5  }
0x2b: {  	v0 =	vand.u32 $0x7, v2;
	v2 =	vor.u32 $0x8, v2;
	v1 =	vmul.u32 $0x8, v1;
	[dreg:$0x6] =	wrdreg s4;
	s4 =	sadd.s32 $0x1800, s1;
	s1 =	simm.s32 $0x4  }
.LBB2_1:
0x2c: {  	[tilespmem:s2], [sflag:$0x5] =	stream.linear.gather [hbm4b:s3+s2], $0x40, $0x38;
	[tilespmem:$0x18100] =	vst v63  }
0x2d: {  	_ =	swait.ge [sflag:s8], $0x40  }
0x2e: {  	s0 =	rddreg [dreg:$0x4];
	[sflag:s8] =	ssyncset.done $0x0  }
0x2f: {  	s13 =	rddreg [dreg:$0x7];
	[sflag:s8] =	ssyncadd.s32 $0xFFFFFFC0  }
0x30: {  	[tilespmem:s13], [sflag:$0x5] =	stream.linear.gather [hbm4b:s0+s2], $0x40, $0x38;
	[tilespmem:$0x18100] =	vst v63  }
0x31: {  	_ =	swait.ge [sflag:s8], $0x40  }
0x32: {  	[sflag:s8] =	ssyncset.done $0x0  }
0x33: {  	s0 =	rddreg [dreg:$0x5];
	[sflag:s8] =	ssyncadd.s32 $0xFFFFFFC0  }
0x34: {  	[tilespmem:s9], [sflag:$0x1] =	stream.linear.gather [hbm4b:s0+s2], $0xC000, $0x38;
	[tilespmem:$0x18100] =	vst v63  }
0x35: {  	s13 =	rddreg [dreg:$0x6]  }
0x36: {  	[tilespmem:s10], [sflag:$0x2] =	stream.linear.gather [hbm4b:s13+s2], $0xC000, $0x38;
	[tilespmem:$0x18100] =	vst v63  }
0x37: {  	_ =	swait.ge [sflag:s11], $0xC000  }
0x38: {  	[sflag:s11] =	ssyncset.done $0x0  }
0x39: {  	[sflag:s11] =	ssyncadd.s32 $0xFFFF4000  }
0x3a: {  	v3 =	vld [tilespmem:$0x0];
	_ =	sdelay $0x4  }
0x3b: {  	v4 =	vshrl.u32 v3, $0x3  }
0x3c: {  	v4 =	vmul.u32 $0x30, v4  }
0x3d: {  	v3 =	vand.u32 $0x7, v3  }
0x3e: {  	v3 =	vor.u32 v3, v4  }
0x3f: {  	v4 =	vperm.xlane v3, v0;
	_ =	sdelay $0x1  }
0x40: {  	v4 =	vadd.s32 v1, v4;
	_ =	sdelay $0x3  }
0x41: {  	v3 =	vperm.xlane v3, v2  }
0x42: {  	[hbm4b:s4+s2] =	stream.indirect_vreg.scatter [tilespmem:s9], [sflag:$0x3], $0x80, v4, vm0, $0xb8;
	[tilespmem:$0x18100] =	vst v63  }
0x43: {  	s0 =	rddreg [dreg:$0x8];
	v3 =	vadd.s32 v1, v3  }
0x44: {  	[hbm4b:s5+s2] =	stream.indirect_vreg.scatter [tilespmem:s0], [sflag:$0x3], $0x80, v4, vm0, $0xb8;
	[tilespmem:$0x18100] =	vst v63  }
0x45: {  	s13 =	rddreg [dreg:$0x9]  }
0x46: {  	[hbm4b:s6+s2] =	stream.indirect_vreg.scatter [tilespmem:s13], [sflag:$0x3], $0x80, v4, vm0, $0xb8;
	[tilespmem:$0x18100] =	vst v63  }
0x47: {  	s0 =	rddreg [dreg:$0xa]  }
0x48: {  	[hbm4b:s4+s2] =	stream.indirect_vreg.scatter [tilespmem:s0], [sflag:$0x3], $0x80, v3, vm0, $0xb8;
	[tilespmem:$0x18100] =	vst v63  }
0x49: {  	s13 =	rddreg [dreg:$0xb]  }
0x4a: {  	[hbm4b:s5+s2] =	stream.indirect_vreg.scatter [tilespmem:s13], [sflag:$0x3], $0x80, v3, vm0, $0xb8;
	[tilespmem:$0x18100] =	vst v63  }
0x4b: {  	s0 =	rddreg [dreg:$0xc]  }
0x4c: {  	[hbm4b:s6+s2] =	stream.indirect_vreg.scatter [tilespmem:s0], [sflag:$0x3], $0x80, v3, vm0, $0xb8;
	[tilespmem:$0x18100] =	vst v63  }
0x4d: {  	v3 =	vld [tilespmem:$0x10];
	_ =	sdelay $0x4  }
0x4e: {  	v57 =	vshrl.u32 v3, $0x3  }
0x4f: {  	v4 =	vmul.u32 $0x30, v57  }
0x50: {  	v3 =	vand.u32 $0x7, v3  }
0x51: {  	v3 =	vor.u32 v3, v4  }
0x52: {  	v4 =	vperm.xlane v3, v0;
	_ =	sdelay $0x1  }
0x53: {  	v4 =	vadd.s32 v1, v4;
	_ =	sdelay $0x3  }
0x54: {  	s0 =	rddreg [dreg:$0xd];
	v3 =	vperm.xlane v3, v2  }
0x55: {  	[hbm4b:s4+s2] =	stream.indirect_vreg.scatter [tilespmem:s0], [sflag:$0x3], $0x80, v4, vm0, $0xb8;
	[tilespmem:$0x18100] =	vst v63  }
0x56: {  	s13 =	rddreg [dreg:$0xe];
	v3 =	vadd.s32 v1, v3  }
0x57: {  	[hbm4b:s5+s2] =	stream.indirect_vreg.scatter [tilespmem:s13], [sflag:$0x3], $0x80, v4, vm0, $0xb8;
	[tilespmem:$0x18100] =	vst v63  }
0x58: {  	s0 =	rddreg [dreg:$0xf]  }
0x59: {  	[hbm4b:s6+s2] =	stream.indirect_vreg.scatter [tilespmem:s0], [sflag:$0x3], $0x80, v4, vm0, $0xb8;
	[tilespmem:$0x18100] =	vst v63  }
0x5a: {  	s13 =	rddreg [dreg:$0x10]  }
0x5b: {  	[hbm4b:s4+s2] =	stream.indirect_vreg.scatter [tilespmem:s13], [sflag:$0x3], $0x80, v3, vm0, $0xb8;
	[tilespmem:$0x18100] =	vst v63  }
0x5c: {  	s0 =	rddreg [dreg:$0x11]  }
0x5d: {  	[hbm4b:s5+s2] =	stream.indirect_vreg.scatter [tilespmem:s0], [sflag:$0x3], $0x80, v3, vm0, $0xb8;
	[tilespmem:$0x18100] =	vst v63  }
0x5e: {  	s13 =	rddreg [dreg:$0x12]  }
0x5f: {  	[hbm4b:s6+s2] =	stream.indirect_vreg.scatter [tilespmem:s13], [sflag:$0x3], $0x80, v3, vm0, $0xb8;
	[tilespmem:$0x18100] =	vst v63  }
0x60: {  	v3 =	vld [tilespmem:$0x20];
	_ =	sdelay $0x4  }
0x61: {  	v58 =	vshrl.u32 v3, $0x3  }
0x62: {  	v4 =	vmul.u32 $0x30, v58  }
0x63: {  	v3 =	vand.u32 $0x7, v3  }
0x64: {  	v3 =	vor.u32 v3, v4  }
0x65: {  	v4 =	vperm.xlane v3, v0;
	_ =	sdelay $0x1  }
0x66: {  	v4 =	vadd.s32 v1, v4;
	_ =	sdelay $0x3  }
0x67: {  	s0 =	rddreg [dreg:$0x13];
	v3 =	vperm.xlane v3, v2  }
0x68: {  	[hbm4b:s4+s2] =	stream.indirect_vreg.scatter [tilespmem:s0], [sflag:$0x3], $0x80, v4, vm0, $0xb8;
	[tilespmem:$0x18100] =	vst v63  }
0x69: {  	s13 =	rddreg [dreg:$0x14];
	v3 =	vadd.s32 v1, v3  }
0x6a: {  	[hbm4b:s5+s2] =	stream.indirect_vreg.scatter [tilespmem:s13], [sflag:$0x3], $0x80, v4, vm0, $0xb8;
	[tilespmem:$0x18100] =	vst v63  }
0x6b: {  	s0 =	rddreg [dreg:$0x15]  }
0x6c: {  	[hbm4b:s6+s2] =	stream.indirect_vreg.scatter [tilespmem:s0], [sflag:$0x3], $0x80, v4, vm0, $0xb8;
	[tilespmem:$0x18100] =	vst v63  }
0x6d: {  	s13 =	rddreg [dreg:$0x16]  }
0x6e: {  	[hbm4b:s4+s2] =	stream.indirect_vreg.scatter [tilespmem:s13], [sflag:$0x3], $0x80, v3, vm0, $0xb8;
	[tilespmem:$0x18100] =	vst v63  }
0x6f: {  	s0 =	rddreg [dreg:$0x17]  }
0x70: {  	[hbm4b:s5+s2] =	stream.indirect_vreg.scatter [tilespmem:s0], [sflag:$0x3], $0x80, v3, vm0, $0xb8;
	[tilespmem:$0x18100] =	vst v63  }
0x71: {  	s13 =	rddreg [dreg:$0x18]  }
0x72: {  	[hbm4b:s6+s2] =	stream.indirect_vreg.scatter [tilespmem:s13], [sflag:$0x3], $0x80, v3, vm0, $0xb8;
	[tilespmem:$0x18100] =	vst v63  }
0x73: {  	v3 =	vld [tilespmem:$0x30];
	_ =	sdelay $0x4  }
0x74: {  	v59 =	vshrl.u32 v3, $0x3  }
0x75: {  	v4 =	vmul.u32 $0x30, v59  }
0x76: {  	v3 =	vand.u32 $0x7, v3  }
0x77: {  	v3 =	vor.u32 v3, v4  }
0x78: {  	v4 =	vperm.xlane v3, v0;
	_ =	sdelay $0x1  }
0x79: {  	v4 =	vadd.s32 v1, v4;
	_ =	sdelay $0x3  }
0x7a: {  	s0 =	rddreg [dreg:$0x19];
	v3 =	vperm.xlane v3, v2  }
0x7b: {  	[hbm4b:s4+s2] =	stream.indirect_vreg.scatter [tilespmem:s0], [sflag:$0x3], $0x80, v4, vm0, $0xb8;
	[tilespmem:$0x18100] =	vst v63  }
0x7c: {  	s13 =	rddreg [dreg:$0x1a];
	v3 =	vadd.s32 v1, v3  }
0x7d: {  	[hbm4b:s5+s2] =	stream.indirect_vreg.scatter [tilespmem:s13], [sflag:$0x3], $0x80, v4, vm0, $0xb8;
	[tilespmem:$0x18100] =	vst v63  }
0x7e: {  	s0 =	rddreg [dreg:$0x1b]  }
0x7f: {  	[hbm4b:s6+s2] =	stream.indirect_vreg.scatter [tilespmem:s0], [sflag:$0x3], $0x80, v4, vm0, $0xb8;
	[tilespmem:$0x18100] =	vst v63  }
0x80: {  	s13 =	rddreg [dreg:$0x1c]  }
0x81: {  	[hbm4b:s4+s2] =	stream.indirect_vreg.scatter [tilespmem:s13], [sflag:$0x3], $0x80, v3, vm0, $0xb8;
	[tilespmem:$0x18100] =	vst v63  }
0x82: {  	s0 =	rddreg [dreg:$0x1d]  }
0x83: {  	[hbm4b:s5+s2] =	stream.indirect_vreg.scatter [tilespmem:s0], [sflag:$0x3], $0x80, v3, vm0, $0xb8;
	[tilespmem:$0x18100] =	vst v63  }
0x84: {  	s13 =	rddreg [dreg:$0x1e]  }
0x85: {  	[hbm4b:s6+s2] =	stream.indirect_vreg.scatter [tilespmem:s13], [sflag:$0x3], $0x80, v3, vm0, $0xb8;
	[tilespmem:$0x18100] =	vst v63  }
0x86: {  	_ =	swait.ge [sflag:s12], $0xC000  }
0x87: {  	[sflag:s12] =	ssyncset.done $0x0  }
0x88: {  	[sflag:s12] =	ssyncadd.s32 $0xFFFF4000  }
0x89: {  	v3 =	vld [tilespmem:$0x80];
	_ =	sdelay $0x4  }
0x8a: {  	v60 =	vshrl.u32 v3, $0x3  }
0x8b: {  	v4 =	vmul.u32 $0x30, v60  }
0x8c: {  	v3 =	vand.u32 $0x7, v3  }
0x8d: {  	v3 =	vor.u32 v3, v4  }
0x8e: {  	v4 =	vperm.xlane v3, v0;
	_ =	sdelay $0x1  }
0x8f: {  	v4 =	vadd.s32 v1, v4;
	_ =	sdelay $0x3  }
0x90: {  	s0 =	rddreg [dreg:$0x1f];
	v3 =	vperm.xlane v3, v2  }
0x91: {  	[hbm4b:s4+s2] =	stream.indirect_vreg.scatter [tilespmem:s10], [sflag:$0x4], $0x80, v4, vm0, $0xb8;
	[tilespmem:$0x18100] =	vst v63  }
0x92: {  	s13 =	sld [smem:$0x7F9];
	v3 =	vadd.s32 v1, v3  }
0x93: {  	[hbm4b:s5+s2] =	stream.indirect_vreg.scatter [tilespmem:s0], [sflag:$0x4], $0x80, v4, vm0, $0xb8;
	[tilespmem:$0x18100] =	vst v63  }
0x94: {  	s0 =	sld [smem:$0x7FA]  }
0x95: {  	[hbm4b:s6+s2] =	stream.indirect_vreg.scatter [tilespmem:s13], [sflag:$0x4], $0x80, v4, vm0, $0xb8;
	[tilespmem:$0x18100] =	vst v63  }
0x96: {  	s13 =	sld [smem:$0x7FB]  }
0x97: {  	[hbm4b:s4+s2] =	stream.indirect_vreg.scatter [tilespmem:s0], [sflag:$0x4], $0x80, v3, vm0, $0xb8;
	[tilespmem:$0x18100] =	vst v63  }
0x98: {  	s0 =	sld [smem:$0x7FC]  }
0x99: {  	[hbm4b:s5+s2] =	stream.indirect_vreg.scatter [tilespmem:s13], [sflag:$0x4], $0x80, v3, vm0, $0xb8;
	[tilespmem:$0x18100] =	vst v63  }
0x9a: {  	_ = 	snop  }
0x9b: {  	[hbm4b:s6+s2] =	stream.indirect_vreg.scatter [tilespmem:s0], [sflag:$0x4], $0x80, v3, vm0, $0xb8;
	[tilespmem:$0x18100] =	vst v63  }
0x9c: {  	v3 =	vld [tilespmem:$0x90];
	_ =	sdelay $0x4  }
0x9d: {  	v61 =	vshrl.u32 v3, $0x3  }
0x9e: {  	v4 =	vmul.u32 $0x30, v61  }
0x9f: {  	v3 =	vand.u32 $0x7, v3  }
0xa0: {  	v3 =	vor.u32 v3, v4  }
0xa1: {  	v4 =	vperm.xlane v3, v0;
	_ =	sdelay $0x1  }
0xa2: {  	v4 =	vadd.s32 v1, v4;
	_ =	sdelay $0x1  }
0xa3: {  	s13 =	sld [smem:$0x7FD];
	_ =	sdelay $0x1  }
0xa4: {  	v3 =	vperm.xlane v3, v2  }
0xa5: {  	[hbm4b:s4+s2] =	stream.indirect_vreg.scatter [tilespmem:s13], [sflag:$0x4], $0x80, v4, vm0, $0xb8;
	[tilespmem:$0x18100] =	vst v63  }
0xa6: {  	v3 =	vadd.s32 v1, v3;
	s13 =	simm.s32 $0xF900  }
0xa7: {  	[hbm4b:s5+s2] =	stream.indirect_vreg.scatter [tilespmem:s13], [sflag:$0x4], $0x80, v4, vm0, $0xb8;
	[tilespmem:$0x18100] =	vst v63  }
0xa8: {  	_ = 	snop  }
0xa9: {  	[hbm4b:s6+s2] =	stream.indirect_vreg.scatter [tilespmem:s14], [sflag:$0x4], $0x80, v4, vm0, $0xb8;
	[tilespmem:$0x18100] =	vst v63  }
0xaa: {  	_ = 	snop  }
0xab: {  	[hbm4b:s4+s2] =	stream.indirect_vreg.scatter [tilespmem:s15], [sflag:$0x4], $0x80, v3, vm0, $0xb8;
	[tilespmem:$0x18100] =	vst v63  }
0xac: {  	_ = 	snop  }
0xad: {  	[hbm4b:s5+s2] =	stream.indirect_vreg.scatter [tilespmem:s16], [sflag:$0x4], $0x80, v3, vm0, $0xb8;
	[tilespmem:$0x18100] =	vst v63  }
0xae: {  	_ = 	snop  }
0xaf: {  	[hbm4b:s6+s2] =	stream.indirect_vreg.scatter [tilespmem:s17], [sflag:$0x4], $0x80, v3, vm0, $0xb8;
	[tilespmem:$0x18100] =	vst v63  }
0xb0: {  	v3 =	vld [tilespmem:$0xA0];
	_ =	sdelay $0x4  }
0xb1: {  	v62 =	vshrl.u32 v3, $0x3  }
0xb2: {  	v4 =	vmul.u32 $0x30, v62  }
0xb3: {  	v3 =	vand.u32 $0x7, v3  }
0xb4: {  	v3 =	vor.u32 v3, v4  }
0xb5: {  	v4 =	vperm.xlane v3, v0;
	_ =	sdelay $0x1  }
0xb6: {  	v4 =	vadd.s32 v1, v4;
	_ =	sdelay $0x3  }
0xb7: {  	v3 =	vperm.xlane v3, v2  }
0xb8: {  	[hbm4b:s4+s2] =	stream.indirect_vreg.scatter [tilespmem:s18], [sflag:$0x4], $0x80, v4, vm0, $0xb8;
	[tilespmem:$0x18100] =	vst v63  }
0xb9: {  	v3 =	vadd.s32 v1, v3  }
0xba: {  	[hbm4b:s5+s2] =	stream.indirect_vreg.scatter [tilespmem:s19], [sflag:$0x4], $0x80, v4, vm0, $0xb8;
	[tilespmem:$0x18100] =	vst v63  }
0xbb: {  	_ = 	snop  }
0xbc: {  	[hbm4b:s6+s2] =	stream.indirect_vreg.scatter [tilespmem:s20], [sflag:$0x4], $0x80, v4, vm0, $0xb8;
	[tilespmem:$0x18100] =	vst v63  }
0xbd: {  	_ = 	snop  }
0xbe: {  	[hbm4b:s4+s2] =	stream.indirect_vreg.scatter [tilespmem:s21], [sflag:$0x4], $0x80, v3, vm0, $0xb8;
	[tilespmem:$0x18100] =	vst v63  }
0xbf: {  	_ = 	snop  }
0xc0: {  	[hbm4b:s5+s2] =	stream.indirect_vreg.scatter [tilespmem:s22], [sflag:$0x4], $0x80, v3, vm0, $0xb8;
	[tilespmem:$0x18100] =	vst v63  }
0xc1: {  	_ = 	snop  }
0xc2: {  	[hbm4b:s6+s2] =	stream.indirect_vreg.scatter [tilespmem:s23], [sflag:$0x4], $0x80, v3, vm0, $0xb8;
	[tilespmem:$0x18100] =	vst v63  }
0xc3: {  	v3 =	vld [tilespmem:$0xB0];
	_ =	sdelay $0x4  }
0xc4: {  	v63 =	vshrl.u32 v3, $0x3  }
0xc5: {  	v4 =	vmul.u32 $0x30, v63  }
0xc6: {  	v3 =	vand.u32 $0x7, v3  }
0xc7: {  	v3 =	vor.u32 v3, v4  }
0xc8: {  	v4 =	vperm.xlane v3, v0;
	_ =	sdelay $0x1  }
0xc9: {  	v4 =	vadd.s32 v1, v4;
	_ =	sdelay $0x3  }
0xca: {  	v3 =	vperm.xlane v3, v2  }
0xcb: {  	[hbm4b:s4+s2] =	stream.indirect_vreg.scatter [tilespmem:s24], [sflag:$0x4], $0x80, v4, vm0, $0xb8;
	[tilespmem:$0x18100] =	vst v63  }
0xcc: {  	v3 =	vadd.s32 v1, v3  }
0xcd: {  	[hbm4b:s5+s2] =	stream.indirect_vreg.scatter [tilespmem:s25], [sflag:$0x4], $0x80, v4, vm0, $0xb8;
	[tilespmem:$0x18100] =	vst v63  }
0xce: {  	_ = 	snop  }
0xcf: {  	[hbm4b:s6+s2] =	stream.indirect_vreg.scatter [tilespmem:s26], [sflag:$0x4], $0x80, v4, vm0, $0xb8;
	[tilespmem:$0x18100] =	vst v63  }
0xd0: {  	_ = 	snop  }
0xd1: {  	[hbm4b:s4+s2] =	stream.indirect_vreg.scatter [tilespmem:s28], [sflag:$0x4], $0x80, v3, vm0, $0xb8;
	[tilespmem:$0x18100] =	vst v63  }
0xd2: {  	_ = 	snop  }
0xd3: {  	[hbm4b:s5+s2] =	stream.indirect_vreg.scatter [tilespmem:s29], [sflag:$0x4], $0x80, v3, vm0, $0xb8;
	[tilespmem:$0x18100] =	vst v63  }
0xd4: {  	_ = 	snop  }
0xd5: {  	[hbm4b:s6+s2] =	stream.indirect_vreg.scatter [tilespmem:s30], [sflag:$0x4], $0x80, v3, vm0, $0xb8;
	[tilespmem:$0x18100] =	vst v63  }
0xd6: {  	p0 =	sne.s32 s7, $0x1;
	_ =	swait.ge [sflag:s31], $0xC000  }
.Ltmp0:
0xd7: {  	[sflag:s31] =	ssyncset.done $0x0;
	(pc) =	sbr.rel @p0 .LBB2_1-.Ltmp0, $4  }
0xd8: {  	[sflag:s31] =	ssyncadd.s32 $0xFFFF4000  }
0xd9: {  	_ =	swait.ge [sflag:s1], $0xC000  }
0xda: {  	[sflag:s1] =	ssyncset.done $0x0  }
0xdb: {  	s7 =	sadd.s32 $0xFFFFFFFF, s7;
	[sflag:s1] =	ssyncadd.s32 $0xFFFF4000  }
0xdc: {  	_ =	sfence.sel $0x180000  }
0xdd: {  	[bflag:$0x0] =	sbarrier.arrive $0xFFFF  }
0xde: {  	_ =	strace $0x90000047  }
0xdf: {  	s0 =	stileid.u32;
	[bflag:$0x2] =	sbarrier.arrive $0xFFFF  }
0xe0: {  	p0 =	sne.s32 s0, $0x0;
	s0 =	rddreg [dreg:$0x3]  }
0xe1: {  	s0 =	sadd.s32 @!p0 $0x100000, s0  }
0xe2: {  	[sflag:s0] =	ssyncadd.tile.s32 @!p0 $0x1;
	_ =	shalt  }
.Lfunc_end2:
_tile_overlayer_lowered:
.L_overlay_start_2:
0xe3: {  	(tag) =	ssettag $0x2  }
0xe4: {  	s0 =	rddreg [dreg:$0x0];
	s2 =	stileid.u32  }
0xe5: {  	s1 =	rddreg [dreg:$0x1];
	p0 =	sne.s32 s2, $0x0  }
0xe6: {  	s3 =	rddreg [dreg:$0x2];
	[bflag:$0x3] =	sbarrier.arrive $0xFFFF;
	s2 =	simm.s32 @!p0 $0x1C05  }
0xe7: {  	[timem:s3], [sflag:s2] =	dma.local @!p0 [hbm:s0], s1  }
0xe8: {  	s0 =	simm.s32 @!p0 $0x5  }
0xe9: {  	_ =	swait.ge @!p0 [sflag:s0], s1  }
0xea: {  	s1 =	ssub.s32 @!p0 $0x0, s1;
	[sflag:s0] =	ssyncset.done @!p0 $0x0  }
0xeb: {  	[sflag:s0] =	ssyncadd.s32 @!p0 s1  }
0xec: {  	[bflag:$0x3] =	sbarrier.arrive $0xFFFF  }
0xed: {  	_ =	shalt  }

</sc_bundles>
